<compile_context>
chip_gen: v7x
topology: tpu7x:2x2x1
jax: 0.10.2.dev20260603
libtpu: 0.0.44.dev20260713+nightly
codegen_flags: <defaults>
</compile_context>

<pallas_src>
import functools

import jax
import jax.numpy as jnp
from jax import lax
from jax.experimental import pallas as pl
from jax.experimental.pallas import tpu as pltpu
from jax.experimental.pallas import tpu_sc as plsc

F32 = jnp.float32
I32 = jnp.int32

NC, NS = 2, 16
CH = 128


def _tbl_rows(n_nodes):
    return ((n_nodes + NS * CH) // (NS * CH)) * (NS * CH)



def _sc_degree(n_nodes, e_pad):
    per_tile = e_pad // (NC * NS)
    nchunk = per_tile // CH
    rows = _tbl_rows(n_nodes) // 128

    @functools.partial(
        pl.kernel,
        out_type=jax.ShapeDtypeStruct((NC, rows, 128), F32),
        mesh=plsc.VectorSubcoreMesh(core_axis_name="c", subcore_axis_name="s"),
        compiler_params=pltpu.CompilerParams(needs_layout_passes=False),
        scratch_types=[
            pltpu.VMEM((CH,), I32),
            pltpu.VMEM((rows, 128), F32),
            pltpu.VMEM((rows,), I32),
            pltpu.VMEM_SHARED((rows, 128), F32),
            pltpu.SemaphoreType.DMA,
        ],
    )
    def deg_kernel(dst_hbm, out_hbm, idx_v, deg_v, iota_v, deg_sh, sem):
        c = lax.axis_index("c")
        s = lax.axis_index("s")

        def zf(r, _):
            for j in range(8):
                deg_v[r, pl.ds(j * 16, 16)] = jnp.zeros((16,), F32)
            return ()
        lax.fori_loop(0, rows, zf, ())

        def iof(k, _):
            iota_v[pl.ds(k * 16, 16)] = lax.iota(I32, 16) + k * 16
            return ()
        lax.fori_loop(0, rows // 16, iof, ())

        @pl.when(s == 0)
        def _():
            pltpu.sync_copy(deg_v, deg_sh)
        plsc.subcore_barrier()

        base = c * (e_pad // NC) + s * per_tile

        def body(k, _):
            pltpu.sync_copy(dst_hbm.at[pl.ds(base + k * CH, CH)], idx_v)
            for j in range(CH // 16):
                i16 = idx_v[pl.ds(j * 16, 16)]
                plsc.addupdate_scatter(
                    deg_v,
                    [lax.shift_right_logical(i16, 7),
                     lax.bitwise_and(i16, 127)],
                    jnp.ones((16,), F32))
            return ()
        lax.fori_loop(0, nchunk, body, ())
        pltpu.async_copy(deg_v, deg_sh.at[iota_v], sem, add=True).wait()
        plsc.subcore_barrier()

        @pl.when(s < 10)
        def _():
            pltpu.sync_copy(deg_sh.at[pl.ds(s * 8, 8)],
                            out_hbm.at[c, pl.ds(s * 8, 8)])

    return deg_kernel


def _sc_propagate(n_nodes, e_pad, d):
    per_tile = e_pad // (NC * NS)
    nchunk = per_tile // CH
    assert nchunk % 4 == 0 and nchunk >= 8
    tbl_rows = _tbl_rows(n_nodes)
    per_tile_out = tbl_rows // NS

    @functools.partial(
        pl.kernel,
        out_type=jax.ShapeDtypeStruct((NC, tbl_rows, d), F32),
        mesh=plsc.VectorSubcoreMesh(core_axis_name="c", subcore_axis_name="s"),
        scratch_types=[
            [pltpu.VMEM((CH,), I32)] * 2,
            [pltpu.VMEM((CH,), I32)] * 4,
            [pltpu.VMEM((CH, d), F32)] * 2,
            pltpu.VMEM_SHARED((tbl_rows, d), F32),
            [pltpu.SemaphoreType.DMA] * 2,
            [pltpu.SemaphoreType.DMA] * 2,
            [pltpu.SemaphoreType.DMA] * 2,
            [pltpu.SemaphoreType.DMA] * 4,
        ],
    )
    def prop_kernel(g_hbm, src_hbm, dst_hbm, acc_hbm,
                    srcb, dstb, rows_v, acc_sh, gsem, ssem, srcsem, dsem):
        c = lax.axis_index("c")
        s = lax.axis_index("s")
        base = c * (e_pad // NC) + s * per_tile

        def eoff(k):
            return pl.multiple_of(base + k * CH, CH)

        def load_src(k, sl):
            pltpu.async_copy(
                src_hbm.at[pl.ds(eoff(k), CH)], srcb[sl], srcsem[sl])

        def wait_src(k, sl):
            pltpu.make_async_copy(
                src_hbm.at[pl.ds(eoff(k), CH)], srcb[sl], srcsem[sl]).wait()

        def load_dst(k, sl):
            pltpu.async_copy(
                dst_hbm.at[pl.ds(eoff(k), CH)], dstb[sl], dsem[sl])

        def wait_dst(k, sl):
            pltpu.make_async_copy(
                dst_hbm.at[pl.ds(eoff(k), CH)], dstb[sl], dsem[sl]).wait()

        def start_gather(b):
            pltpu.async_copy(g_hbm.at[srcb[b]], rows_v[b], gsem[b])

        def wait_gather(b):
            pltpu.make_async_copy(g_hbm.at[srcb[b]], rows_v[b], gsem[b]).wait()

        def start_scatter(b, b4):
            pltpu.async_copy(
                rows_v[b], acc_sh.at[dstb[b4]], ssem[b], add=True)

        def wait_scatter(b, b4):
            pltpu.make_async_copy(
                rows_v[b], acc_sh.at[dstb[b4]], ssem[b]).wait()

        def zfill(r, _):
            for j in range(d // 16):
                rows_v[0][r, pl.ds(j * 16, 16)] = jnp.zeros((16,), F32)
            return ()
        lax.fori_loop(0, CH, zfill, ())
        zcopies = tbl_rows // (NS * CH)

        def zcopy(k, _):
            pltpu.sync_copy(
                rows_v[0], acc_sh.at[pl.ds((s * zcopies + k) * CH, CH)])
            return ()
        lax.fori_loop(0, zcopies, zcopy, ())
        plsc.subcore_barrier()

        pltpu.sync_copy(src_hbm.at[pl.ds(eoff(0), CH)], srcb[0])
        pltpu.sync_copy(src_hbm.at[pl.ds(eoff(1), CH)], srcb[1])
        for k in range(4):
            pltpu.sync_copy(dst_hbm.at[pl.ds(eoff(k), CH)], dstb[k])
        start_gather(0)
        start_gather(1)
        wait_gather(0)
        start_scatter(0, 0)
        load_src(2, 0)
        wait_scatter(0, 0)
        load_dst(4, 0)
        wait_src(2, 0)
        start_gather(0)
        wait_gather(1)
        start_scatter(1, 1)
        load_src(3, 1)
        wait_scatter(1, 1)
        load_dst(5, 1)
        wait_src(3, 1)
        start_gather(1)
        wait_gather(0)
        start_scatter(0, 2)
        load_src(4, 0)

        def body(kg, _):
            for j in range(4):
                k = kg * 4 + j
                b = j % 2
                pb = 1 - b
                b4 = j
                wait_scatter(b, (j + 2) % 4)
                load_dst(k + 2, (j + 2) % 4)
                wait_src(k, b)
                wait_dst(k, b4)
                start_gather(b)
                wait_gather(pb)
                start_scatter(pb, (j + 3) % 4)
                load_src(k + 1, pb)
            return ()
        lax.fori_loop(1, nchunk // 4, body, ())

        wait_gather(1)
        start_scatter(1, 3)
        wait_scatter(0, 2)
        wait_scatter(1, 3)
        wait_src(nchunk, nchunk % 2)
        wait_dst(nchunk, nchunk % 4)
        wait_dst(nchunk + 1, (nchunk + 1) % 4)
        plsc.subcore_barrier()

        pltpu.sync_copy(
            acc_sh.at[pl.ds(s * per_tile_out, per_tile_out)],
            acc_hbm.at[c, pl.ds(s * per_tile_out, per_tile_out)],
        )

    return prop_kernel



def _dinv(d0_ref, d1_ref):
    return lax.rsqrt(d0_ref[...] + d1_ref[...] + 1.0)


def _tc_g1(n, d, blk):
    def body(x_ref, w_ref, d0_ref, d1_ref, g_ref):
        h = jnp.dot(x_ref[...], w_ref[...], preferred_element_type=F32)
        g_ref[...] = h * _dinv(d0_ref, d1_ref)

    grid = (n // blk,)
    return pl.pallas_call(
        body,
        grid=grid,
        in_specs=[
            pl.BlockSpec((blk, d), lambda i: (i, 0)),
            pl.BlockSpec((d, d), lambda i: (0, 0)),
            pl.BlockSpec((blk, 1), lambda i: (i, 0)),
            pl.BlockSpec((blk, 1), lambda i: (i, 0)),
        ],
        out_specs=pl.BlockSpec((blk, d), lambda i: (i, 0)),
        out_shape=jax.ShapeDtypeStruct((n, d), F32),
    )


def _tc_root_table(n, d, g, with_matmul):
    if with_matmul:
        def body(_, x_ref, w_ref, out_ref):
            r = jnp.maximum(x_ref[0], 0.0)
            out_ref[0] = jnp.dot(r, w_ref[...], preferred_element_type=F32)
        in_specs = [
            pl.BlockSpec((1, 1, d), lambda i, root: (root[i], 0, 0)),
            pl.BlockSpec((d, d), lambda i, root: (0, 0)),
        ]
    else:
        def body(_, x_ref, out_ref):
            out_ref[...] = x_ref[...]
        in_specs = [pl.BlockSpec((1, 1, d), lambda i, root: (root[i], 0, 0))]

    call = pl.pallas_call(
        body,
        grid_spec=pltpu.PrefetchScalarGridSpec(
            num_scalar_prefetch=1,
            grid=(g,),
            in_specs=in_specs,
            out_specs=pl.BlockSpec((1, 1, d), lambda i, root: (i, 0, 0)),
        ),
        out_shape=jax.ShapeDtypeStruct((g, 1, d), F32),
    )

    if with_matmul:
        def run(root, x, w):
            return call(root, x.reshape(n, 1, d), w).reshape(g, d)
    else:
        def run(root, x):
            return call(root, x.reshape(n, 1, d)).reshape(g, d)
    return run


def _tc_layer2_in(n, d, g, blk):
    def body(acc_ref, g1_ref, d0_ref, d1_ref, batch_ref, rtab_ref, w2a_ref,
             b1_ref, out1_ref, g2_ref):
        dinv = _dinv(d0_ref, d1_ref)
        out1 = dinv * (acc_ref[0] + acc_ref[1] + g1_ref[...]) + b1_ref[...]
        out1_ref[...] = out1
        t = jnp.dot(jnp.maximum(out1, 0.0), w2a_ref[...],
                    preferred_element_type=F32)
        gids = lax.broadcasted_iota(I32, (1, g), 1)
        oh = (batch_ref[...] == gids).astype(F32)
        t = t + jnp.dot(oh, rtab_ref[...], preferred_element_type=F32)
        g2_ref[...] = dinv * t

    grid = (n // blk,)
    return pl.pallas_call(
        body,
        grid=grid,
        in_specs=[
            pl.BlockSpec((NC, blk, d), lambda i: (0, i, 0)),
            pl.BlockSpec((blk, d), lambda i: (i, 0)),
            pl.BlockSpec((blk, 1), lambda i: (i, 0)),
            pl.BlockSpec((blk, 1), lambda i: (i, 0)),
            pl.BlockSpec((blk, 1), lambda i: (i, 0)),
            pl.BlockSpec((g, d), lambda i: (0, 0)),
            pl.BlockSpec((d, d), lambda i: (0, 0)),
            pl.BlockSpec((1, d), lambda i: (0, 0)),
        ],
        out_specs=[
            pl.BlockSpec((blk, d), lambda i: (i, 0)),
            pl.BlockSpec((blk, d), lambda i: (i, 0)),
        ],
        out_shape=[
            jax.ShapeDtypeStruct((n, d), F32),
            jax.ShapeDtypeStruct((n, d), F32),
        ],
    )


def _tc_final(n, d, g, blk):
    nblk = n // blk

    def body(acc_ref, g2_ref, d0_ref, d1_ref, batch_ref, rtab2_ref, b2_ref,
             left_ref, right_ref, sums_ref, counts_ref):
        i = pl.program_id(0)

        @pl.when(i == 0)
        def _():
            sums_ref[...] = jnp.zeros_like(sums_ref)
            counts_ref[...] = jnp.zeros_like(counts_ref)

        dinv = _dinv(d0_ref, d1_ref)
        h3 = jnp.maximum(
            dinv * (acc_ref[0] + acc_ref[1] + g2_ref[...]) + b2_ref[...], 0.0)
        gids = lax.broadcasted_iota(I32, (1, g), 1)
        oh = (batch_ref[...] == gids).astype(F32)
        dn = (((0,), (0,)), ((), ()))
        sums_ref[...] += lax.dot_general(
            oh, h3, dn, preferred_element_type=F32)
        counts_ref[...] += lax.dot_general(
            oh, jnp.ones((blk, d), F32), dn, preferred_element_type=F32)

        @pl.when(i == nblk - 1)
        def _():
            cnt = counts_ref[...]
            left_ref[...] = sums_ref[...] / jnp.maximum(cnt, 1.0)
            right_ref[...] = jnp.where(cnt > 0.0, rtab2_ref[...], 0.0)

    return pl.pallas_call(
        body,
        grid=(nblk,),
        in_specs=[
            pl.BlockSpec((NC, blk, d), lambda i: (0, i, 0)),
            pl.BlockSpec((blk, d), lambda i: (i, 0)),
            pl.BlockSpec((blk, 1), lambda i: (i, 0)),
            pl.BlockSpec((blk, 1), lambda i: (i, 0)),
            pl.BlockSpec((blk, 1), lambda i: (i, 0)),
            pl.BlockSpec((g, d), lambda i: (0, 0)),
            pl.BlockSpec((1, d), lambda i: (0, 0)),
        ],
        out_specs=[
            pl.BlockSpec((g, d), lambda i: (0, 0)),
            pl.BlockSpec((g, d), lambda i: (0, 0)),
        ],
        out_shape=[
            jax.ShapeDtypeStruct((g, d), F32),
            jax.ShapeDtypeStruct((g, d), F32),
        ],
        scratch_shapes=[
            pltpu.VMEM((g, d), F32),
            pltpu.VMEM((g, d), F32),
        ],
    )



@jax.jit
def kernel(x, edge_index, batch, root_index, W1, b1, W2, b2):
    n, d = x.shape
    e = edge_index.shape[1]
    g = root_index.shape[0]
    blk = 1000

    chunk_all = NC * NS * CH * 4
    e_pad = ((e + chunk_all - 1) // chunk_all) * chunk_all

    src = edge_index[0].astype(I32)
    dst = edge_index[1].astype(I32)
    pad = e_pad - e
    src_p = jnp.concatenate([src, jnp.zeros((pad + 512,), I32)])
    dst_p = jnp.concatenate(
        [dst, jnp.full((pad + 512,), n, I32)])
    batch2d = batch.astype(I32).reshape(n, 1)
    root_i = root_index.astype(I32)
    b1r = b1.reshape(1, d).astype(F32)
    b2r = b2.reshape(1, d).astype(F32)
    w2a = W2[:d].astype(F32)
    w2b = W2[d:].astype(F32)
    xf = x.astype(F32)

    degs = _sc_degree(n, e_pad)(dst_p)
    deg0 = degs[0].reshape(-1)[:n].reshape(n, 1)
    deg1 = degs[1].reshape(-1)[:n].reshape(n, 1)

    g1 = _tc_g1(n, d, blk)(xf, W1.astype(F32), deg0, deg1)
    acc1 = _sc_propagate(n, e_pad, d)(g1, src_p, dst_p)

    rtab = _tc_root_table(n, d, g, True)(root_i, xf, w2b)
    out1, g2 = _tc_layer2_in(n, d, g, blk)(
        acc1, g1, deg0, deg1, batch2d, rtab, w2a, b1r)

    acc2 = _sc_propagate(n, e_pad, d)(g2, src_p, dst_p)
    rtab2 = _tc_root_table(n, d, g, False)(root_i, out1)

    left, right = _tc_final(n, d, g, blk)(
        acc2, g2, deg0, deg1, batch2d, rtab2, b2r)
    return jnp.concatenate([left, right], axis=1)

# --- scband reference (transcript-rebuilt; emitter-appended) ---
"""Pipeline reference for scband-rumor-gcn-33363305955501 (READ-ONLY COPY).

The authoritative reference and input builder live on the scoring server;
editing this copy changes nothing except your own understanding.
"""

import jax, jax.numpy as jnp
import numpy as np

N_NODES = 10000
N_EDGES = 320000
D_FEAT = 128
D_HID = 128
D_OUT = 128
N_GRAPHS = 64


def gcn_conv(x, edge_index, W, b):
    n = x.shape[0]
    loop = jnp.arange(n, dtype=edge_index.dtype)
    src = jnp.concatenate([edge_index[0], loop])
    dst = jnp.concatenate([edge_index[1], loop])
    deg = jax.ops.segment_sum(jnp.ones_like(dst, dtype=x.dtype), dst, num_segments=n)
    dinv = jnp.where(deg > 0, deg ** -0.5, 0.0)
    norm = dinv[src] * dinv[dst]
    h = x @ W
    msgs = h[src] * norm[:, None]
    out = jax.ops.segment_sum(msgs, dst, num_segments=n)
    return out + b


def setup_inputs(seed: int = 0) -> dict:
    key = jax.random.key(seed)
    k = jax.random.split(key, 8)
    x = jax.random.normal(k[0], (N_NODES, D_FEAT), dtype=jnp.float32)
    edge_index = jax.random.randint(k[1], (2, N_EDGES), 0, N_NODES, dtype=jnp.int64)
    batch = jnp.sort(jax.random.randint(k[2], (N_NODES,), 0, N_GRAPHS, dtype=jnp.int64))
    batch = batch.at[0].set(0).at[-1].set(N_GRAPHS - 1)
    root_index = jax.random.randint(k[3], (N_GRAPHS,), 0, N_NODES, dtype=jnp.int64)
    W1 = jax.random.normal(k[4], (D_FEAT, D_HID), dtype=jnp.float32) * 0.05
    b1 = jnp.zeros((D_HID,), dtype=jnp.float32)
    W2 = jax.random.normal(k[5], (D_HID + D_FEAT, D_OUT), dtype=jnp.float32) * 0.05
    b2 = jnp.zeros((D_OUT,), dtype=jnp.float32)
    return {"x": x, "edge_index": edge_index, "batch": batch, "root_index": root_index,
            "W1": W1, "b1": b1, "W2": W2, "b2": b2}


def reference(x, edge_index, batch, root_index, W1, b1, W2, b2):
    x1 = x.astype(jnp.float32)
    h = gcn_conv(x, edge_index, W1, b1)
    x2 = h
    # vectorized form of the per-graph loop: root_extend[i] = x1[root_index[batch[i]]]
    root_extend = x1[root_index[batch]]
    h = jnp.concatenate([h, root_extend], axis=1)
    h = jax.nn.relu(h)
    # dropout is identity in eval mode (training=False)
    h = gcn_conv(h, edge_index, W2, b2)
    h = jax.nn.relu(h)
    root_extend2 = x2[root_index[batch]]
    h = jnp.concatenate([h, root_extend2], axis=1)
    sums = jax.ops.segment_sum(h, batch, num_segments=N_GRAPHS)
    counts = jax.ops.segment_sum(jnp.ones((h.shape[0],), dtype=h.dtype), batch, num_segments=N_GRAPHS)
    out = sums / jnp.maximum(counts, 1.0)[:, None]
    return out

if __name__ == "__main__":
    import jax
    _d = setup_inputs()
    print(jax.jit(kernel)(*tuple(_d.values())))

</pallas_src>

<mosaic_0001>
#map = affine_map<(d0, d1) -> (0, 0)>
#map1 = affine_map<(d0, d1) -> (0)>
#map2 = affine_map<(d0, d1) -> (0, 0, 0)>
module attributes {stable_mosaic.version = 14 : i64} {
  func.func @prop_kernel(%arg0: i32, %arg1: i32, %arg2: memref<10000x128xf32, #tpu.memory_space<hbm>>, %arg3: memref<328192xi32, #tpu.memory_space<hbm>>, %arg4: memref<328192xi32, #tpu.memory_space<hbm>>, %arg5: memref<2x10240x128xf32, #tpu.memory_space<hbm>>, %arg6: memref<128xi32, #tpu.memory_space<vmem>>, %arg7: memref<128xi32, #tpu.memory_space<vmem>>, %arg8: memref<128xi32, #tpu.memory_space<vmem>>, %arg9: memref<128xi32, #tpu.memory_space<vmem>>, %arg10: memref<128xi32, #tpu.memory_space<vmem>>, %arg11: memref<128xi32, #tpu.memory_space<vmem>>, %arg12: memref<128x128xf32, #tpu.memory_space<vmem>>, %arg13: memref<128x128xf32, #tpu.memory_space<vmem>>, %arg14: memref<10240x128xf32, #tpu.memory_space<vmem_shared>>, %arg15: memref<!tpu.dma_semaphore, #tpu.memory_space<semaphore_mem>>, %arg16: memref<!tpu.dma_semaphore, #tpu.memory_space<semaphore_mem>>, %arg17: memref<!tpu.dma_semaphore, #tpu.memory_space<semaphore_mem>>, %arg18: memref<!tpu.dma_semaphore, #tpu.memory_space<semaphore_mem>>, %arg19: memref<!tpu.dma_semaphore, #tpu.memory_space<semaphore_mem>>, %arg20: memref<!tpu.dma_semaphore, #tpu.memory_space<semaphore_mem>>, %arg21: memref<!tpu.dma_semaphore, #tpu.memory_space<semaphore_mem>>, %arg22: memref<!tpu.dma_semaphore, #tpu.memory_space<semaphore_mem>>, %arg23: memref<!tpu.dma_semaphore, #tpu.memory_space<semaphore_mem>>, %arg24: memref<!tpu.dma_semaphore, #tpu.memory_space<semaphore_mem>>) attributes {dimension_semantics = [#tpu.dimension_semantics<core_parallel>, #tpu.dimension_semantics<subcore_parallel>], iteration_bounds = array<i64: 2, 16>, scalar_prefetch = 0 : i64, scratch_operands = 19 : i64, tpu.core_type = #tpu.core_type<sc_vector_subcore>, window_params = [{transform_indices = #map}, {transform_indices = #map1}, {transform_indices = #map1}, {transform_indices = #map2}]} {
    %mul3A = arith.constant 163840 : i32
    %mul3A_0 = arith.muli %arg0, %mul3A : i32
    %mul3A_1 = arith.constant 10240 : i32
    %mul3A_2 = arith.muli %arg1, %mul3A_1 : i32
    %add3A = arith.addi %mul3A_0, %mul3A_2 : i32
    %scan3A = arith.constant 0 : i32
    %scan3A_3 = arith.constant 128 : i32
    %scan3A_4 = arith.addi %scan3A, %scan3A_3 : i32
    %scan3A_5 = arith.constant 1 : i32
    scf.for %scan3A_135 = %scan3A to %scan3A_4 step %scan3A_5  : i32 {
      %broadcast_in_dim3A = arith.constant 0.000000e+00 : f32
      %broadcast_in_dim3A_136 = vector.broadcast %broadcast_in_dim3A : f32 to vector<16xf32>
      %swap3A = arith.index_cast %scan3A_135 : i32 to index
      %swap3A_137 = arith.constant 0 : index
      %swap3A_138 = tpu.vector_load %arg12[%swap3A, %swap3A_137] {strides = array<i32>} : memref<128x128xf32, #tpu.memory_space<vmem>>, vector<1x16xf32>,
      %swap3A_139 = vector.shape_cast %swap3A_138 : vector<1x16xf32> to vector<16xf32>
      %swap3A_140 = vector.shape_cast %broadcast_in_dim3A_136 : vector<16xf32> to vector<1x16xf32>
      tpu.vector_store %arg12[%swap3A, %swap3A_137], %swap3A_140 {strides = array<i32>} : memref<128x128xf32, #tpu.memory_space<vmem>>, vector<1x16xf32>,
      %broadcast_in_dim3A_141 = arith.constant 0.000000e+00 : f32
      %broadcast_in_dim3A_142 = vector.broadcast %broadcast_in_dim3A_141 : f32 to vector<16xf32>
      %swap3A_143 = arith.index_cast %scan3A_135 : i32 to index
      %swap3A_144 = arith.constant 16 : index
      %swap3A_145 = tpu.vector_load %arg12[%swap3A_143, %swap3A_144] {strides = array<i32>} : memref<128x128xf32, #tpu.memory_space<vmem>>, vector<1x16xf32>,
      %swap3A_146 = vector.shape_cast %swap3A_145 : vector<1x16xf32> to vector<16xf32>
      %swap3A_147 = vector.shape_cast %broadcast_in_dim3A_142 : vector<16xf32> to vector<1x16xf32>
      tpu.vector_store %arg12[%swap3A_143, %swap3A_144], %swap3A_147 {strides = array<i32>} : memref<128x128xf32, #tpu.memory_space<vmem>>, vector<1x16xf32>,
      %broadcast_in_dim3A_148 = arith.constant 0.000000e+00 : f32
      %broadcast_in_dim3A_149 = vector.broadcast %broadcast_in_dim3A_148 : f32 to vector<16xf32>
      %swap3A_150 = arith.index_cast %scan3A_135 : i32 to index
      %swap3A_151 = arith.constant 32 : index
      %swap3A_152 = tpu.vector_load %arg12[%swap3A_150, %swap3A_151] {strides = array<i32>} : memref<128x128xf32, #tpu.memory_space<vmem>>, vector<1x16xf32>,
      %swap3A_153 = vector.shape_cast %swap3A_152 : vector<1x16xf32> to vector<16xf32>
      %swap3A_154 = vector.shape_cast %broadcast_in_dim3A_149 : vector<16xf32> to vector<1x16xf32>
      tpu.vector_store %arg12[%swap3A_150, %swap3A_151], %swap3A_154 {strides = array<i32>} : memref<128x128xf32, #tpu.memory_space<vmem>>, vector<1x16xf32>,
      %broadcast_in_dim3A_155 = arith.constant 0.000000e+00 : f32
      %broadcast_in_dim3A_156 = vector.broadcast %broadcast_in_dim3A_155 : f32 to vector<16xf32>
      %swap3A_157 = arith.index_cast %scan3A_135 : i32 to index
      %swap3A_158 = arith.constant 48 : index
      %swap3A_159 = tpu.vector_load %arg12[%swap3A_157, %swap3A_158] {strides = array<i32>} : memref<128x128xf32, #tpu.memory_space<vmem>>, vector<1x16xf32>,
      %swap3A_160 = vector.shape_cast %swap3A_159 : vector<1x16xf32> to vector<16xf32>
      %swap3A_161 = vector.shape_cast %broadcast_in_dim3A_156 : vector<16xf32> to vector<1x16xf32>
      tpu.vector_store %arg12[%swap3A_157, %swap3A_158], %swap3A_161 {strides = array<i32>} : memref<128x128xf32, #tpu.memory_space<vmem>>, vector<1x16xf32>,
      %broadcast_in_dim3A_162 = arith.constant 0.000000e+00 : f32
      %broadcast_in_dim3A_163 = vector.broadcast %broadcast_in_dim3A_162 : f32 to vector<16xf32>
      %swap3A_164 = arith.index_cast %scan3A_135 : i32 to index
      %swap3A_165 = arith.constant 64 : index
      %swap3A_166 = tpu.vector_load %arg12[%swap3A_164, %swap3A_165] {strides = array<i32>} : memref<128x128xf32, #tpu.memory_space<vmem>>, vector<1x16xf32>,
      %swap3A_167 = vector.shape_cast %swap3A_166 : vector<1x16xf32> to vector<16xf32>
      %swap3A_168 = vector.shape_cast %broadcast_in_dim3A_163 : vector<16xf32> to vector<1x16xf32>
      tpu.vector_store %arg12[%swap3A_164, %swap3A_165], %swap3A_168 {strides = array<i32>} : memref<128x128xf32, #tpu.memory_space<vmem>>, vector<1x16xf32>,
      %broadcast_in_dim3A_169 = arith.constant 0.000000e+00 : f32
      %broadcast_in_dim3A_170 = vector.broadcast %broadcast_in_dim3A_169 : f32 to vector<16xf32>
      %swap3A_171 = arith.index_cast %scan3A_135 : i32 to index
      %swap3A_172 = arith.constant 80 : index
      %swap3A_173 = tpu.vector_load %arg12[%swap3A_171, %swap3A_172] {strides = array<i32>} : memref<128x128xf32, #tpu.memory_space<vmem>>, vector<1x16xf32>,
      %swap3A_174 = vector.shape_cast %swap3A_173 : vector<1x16xf32> to vector<16xf32>
      %swap3A_175 = vector.shape_cast %broadcast_in_dim3A_170 : vector<16xf32> to vector<1x16xf32>
      tpu.vector_store %arg12[%swap3A_171, %swap3A_172], %swap3A_175 {strides = array<i32>} : memref<128x128xf32, #tpu.memory_space<vmem>>, vector<1x16xf32>,
      %broadcast_in_dim3A_176 = arith.constant 0.000000e+00 : f32
      %broadcast_in_dim3A_177 = vector.broadcast %broadcast_in_dim3A_176 : f32 to vector<16xf32>
      %swap3A_178 = arith.index_cast %scan3A_135 : i32 to index
      %swap3A_179 = arith.constant 96 : index
      %swap3A_180 = tpu.vector_load %arg12[%swap3A_178, %swap3A_179] {strides = array<i32>} : memref<128x128xf32, #tpu.memory_space<vmem>>, vector<1x16xf32>,
      %swap3A_181 = vector.shape_cast %swap3A_180 : vector<1x16xf32> to vector<16xf32>
      %swap3A_182 = vector.shape_cast %broadcast_in_dim3A_177 : vector<16xf32> to vector<1x16xf32>
      tpu.vector_store %arg12[%swap3A_178, %swap3A_179], %swap3A_182 {strides = array<i32>} : memref<128x128xf32, #tpu.memory_space<vmem>>, vector<1x16xf32>,
      %broadcast_in_dim3A_183 = arith.constant 0.000000e+00 : f32
      %broadcast_in_dim3A_184 = vector.broadcast %broadcast_in_dim3A_183 : f32 to vector<16xf32>
      %swap3A_185 = arith.index_cast %scan3A_135 : i32 to index
      %swap3A_186 = arith.constant 112 : index
      %swap3A_187 = tpu.vector_load %arg12[%swap3A_185, %swap3A_186] {strides = array<i32>} : memref<128x128xf32, #tpu.memory_space<vmem>>, vector<1x16xf32>,
      %swap3A_188 = vector.shape_cast %swap3A_187 : vector<1x16xf32> to vector<16xf32>
      %swap3A_189 = vector.shape_cast %broadcast_in_dim3A_184 : vector<16xf32> to vector<1x16xf32>
      tpu.vector_store %arg12[%swap3A_185, %swap3A_186], %swap3A_189 {strides = array<i32>} : memref<128x128xf32, #tpu.memory_space<vmem>>, vector<1x16xf32>,
    }
    %scan3A_6 = arith.constant 128 : i32
    %scan3A_7 = arith.constant 0 : i32
    %scan3A_8 = arith.constant 5 : i32
    %scan3A_9 = arith.addi %scan3A_7, %scan3A_8 : i32
    %scan3A_10 = arith.constant 1 : i32
    scf.for %scan3A_135 = %scan3A_7 to %scan3A_9 step %scan3A_10  : i32 {
      %mul3A_136 = arith.constant 5 : i32
      %mul3A_137 = arith.muli %arg1, %mul3A_136 : i32
      %add3A_138 = arith.addi %mul3A_137, %scan3A_135 : i32
      %mul3A_139 = arith.constant 128 : i32
      %mul3A_140 = arith.muli %add3A_138, %mul3A_139 : i32
      "tpu.region"() ({
        %run_scoped3A = tpu.sem_alloc : memref<!tpu.dma_semaphore, #tpu.memory_space<semaphore_mem>>
        %dma_start3A_141 = arith.constant 0 : i32
        %dma_start3A_142 = tpu.memref_slice %arg14[%mul3A_140, %dma_start3A_141] : memref<10240x128xf32, #tpu.memory_space<vmem_shared>> -> memref<128x128xf32, #tpu.memory_space<vmem_shared>>
        %dma_start3A_143 = arith.constant 0 : i32
        %dma_start3A_144 = tpu.memref_slice %arg14[%mul3A_140, %dma_start3A_143] : memref<10240x128xf32, #tpu.memory_space<vmem_shared>> -> memref<128x128xf32, #tpu.memory_space<vmem_shared>>
        tpu.enqueue_dma source(%arg12 : memref<128x128xf32, #tpu.memory_space<vmem>>) target(%dma_start3A_144 : memref<128x128xf32, #tpu.memory_space<vmem_shared>>) target_semaphore(%run_scoped3A : memref<!tpu.dma_semaphore, #tpu.memory_space<semaphore_mem>>)
        %dma_wait3A_145 = arith.constant 0 : i32
        %dma_wait3A_146 = tpu.memref_slice %arg14[%mul3A_140, %dma_wait3A_145] : memref<10240x128xf32, #tpu.memory_space<vmem_shared>> -> memref<128x128xf32, #tpu.memory_space<vmem_shared>>
        %dma_wait3A_147 = arith.constant 0 : i32
        %dma_wait3A_148 = tpu.memref_slice %arg14[%mul3A_140, %dma_wait3A_147] : memref<10240x128xf32, #tpu.memory_space<vmem_shared>> -> memref<128x128xf32, #tpu.memory_space<vmem_shared>>
        tpu.wait_dma2 semaphore(%run_scoped3A : memref<!tpu.dma_semaphore, #tpu.memory_space<semaphore_mem>>) src(%arg12 : memref<128x128xf32, #tpu.memory_space<vmem>>) dst(%dma_wait3A_148 : memref<128x128xf32, #tpu.memory_space<vmem_shared>>)
        tpu.yield
      }) : () -> ()
    }
    %scan3A_11 = arith.constant 5 : i32
    %barrier3A = arith.constant 0 : index
    tpu.barrier barrier_id(%barrier3A)
    %add3A_12 = arith.constant 0 : i32
    %add3A_13 = arith.addi %add3A, %add3A_12 : i32
    %multiple_of3A = tpu.assume_multiple %add3A_13, 128 : i32
    "tpu.region"() ({
      %run_scoped3A = tpu.sem_alloc : memref<!tpu.dma_semaphore, #tpu.memory_space<semaphore_mem>>
      %dma_start3A_135 = tpu.memref_slice %arg3[%multiple_of3A] : memref<328192xi32, #tpu.memory_space<hbm>> -> memref<128xi32, #tpu.memory_space<hbm>>
      %dma_start3A_136 = tpu.memref_slice %arg3[%multiple_of3A] : memref<328192xi32, #tpu.memory_space<hbm>> -> memref<128xi32, #tpu.memory_space<hbm>>
      tpu.enqueue_dma source(%dma_start3A_136 : memref<128xi32, #tpu.memory_space<hbm>>) target(%arg6 : memref<128xi32, #tpu.memory_space<vmem>>) target_semaphore(%run_scoped3A : memref<!tpu.dma_semaphore, #tpu.memory_space<semaphore_mem>>)
      %dma_wait3A_137 = tpu.memref_slice %arg3[%multiple_of3A] : memref<328192xi32, #tpu.memory_space<hbm>> -> memref<128xi32, #tpu.memory_space<hbm>>
      %dma_wait3A_138 = tpu.memref_slice %arg3[%multiple_of3A] : memref<328192xi32, #tpu.memory_space<hbm>> -> memref<128xi32, #tpu.memory_space<hbm>>
      tpu.wait_dma2 semaphore(%run_scoped3A : memref<!tpu.dma_semaphore, #tpu.memory_space<semaphore_mem>>) src(%dma_wait3A_138 : memref<128xi32, #tpu.memory_space<hbm>>) dst(%arg6 : memref<128xi32, #tpu.memory_space<vmem>>)
      tpu.yield
    }) : () -> ()
    %add3A_14 = arith.constant 128 : i32
    %add3A_15 = arith.addi %add3A, %add3A_14 : i32
    %multiple_of3A_16 = tpu.assume_multiple %add3A_15, 128 : i32
    "tpu.region"() ({
      %run_scoped3A = tpu.sem_alloc : memref<!tpu.dma_semaphore, #tpu.memory_space<semaphore_mem>>
      %dma_start3A_135 = tpu.memref_slice %arg3[%multiple_of3A_16] : memref<328192xi32, #tpu.memory_space<hbm>> -> memref<128xi32, #tpu.memory_space<hbm>>
      %dma_start3A_136 = tpu.memref_slice %arg3[%multiple_of3A_16] : memref<328192xi32, #tpu.memory_space<hbm>> -> memref<128xi32, #tpu.memory_space<hbm>>
      tpu.enqueue_dma source(%dma_start3A_136 : memref<128xi32, #tpu.memory_space<hbm>>) target(%arg7 : memref<128xi32, #tpu.memory_space<vmem>>) target_semaphore(%run_scoped3A : memref<!tpu.dma_semaphore, #tpu.memory_space<semaphore_mem>>)
      %dma_wait3A_137 = tpu.memref_slice %arg3[%multiple_of3A_16] : memref<328192xi32, #tpu.memory_space<hbm>> -> memref<128xi32, #tpu.memory_space<hbm>>
      %dma_wait3A_138 = tpu.memref_slice %arg3[%multiple_of3A_16] : memref<328192xi32, #tpu.memory_space<hbm>> -> memref<128xi32, #tpu.memory_space<hbm>>
      tpu.wait_dma2 semaphore(%run_scoped3A : memref<!tpu.dma_semaphore, #tpu.memory_space<semaphore_mem>>) src(%dma_wait3A_138 : memref<128xi32, #tpu.memory_space<hbm>>) dst(%arg7 : memref<128xi32, #tpu.memory_space<vmem>>)
      tpu.yield
    }) : () -> ()
    %add3A_17 = arith.constant 0 : i32
    %add3A_18 = arith.addi %add3A, %add3A_17 : i32
    %multiple_of3A_19 = tpu.assume_multiple %add3A_18, 128 : i32
    "tpu.region"() ({
      %run_scoped3A = tpu.sem_alloc : memref<!tpu.dma_semaphore, #tpu.memory_space<semaphore_mem>>
      %dma_start3A_135 = tpu.memref_slice %arg4[%multiple_of3A_19] : memref<328192xi32, #tpu.memory_space<hbm>> -> memref<128xi32, #tpu.memory_space<hbm>>
      %dma_start3A_136 = tpu.memref_slice %arg4[%multiple_of3A_19] : memref<328192xi32, #tpu.memory_space<hbm>> -> memref<128xi32, #tpu.memory_space<hbm>>
      tpu.enqueue_dma source(%dma_start3A_136 : memref<128xi32, #tpu.memory_space<hbm>>) target(%arg8 : memref<128xi32, #tpu.memory_space<vmem>>) target_semaphore(%run_scoped3A : memref<!tpu.dma_semaphore, #tpu.memory_space<semaphore_mem>>)
      %dma_wait3A_137 = tpu.memref_slice %arg4[%multiple_of3A_19] : memref<328192xi32, #tpu.memory_space<hbm>> -> memref<128xi32, #tpu.memory_space<hbm>>
      %dma_wait3A_138 = tpu.memref_slice %arg4[%multiple_of3A_19] : memref<328192xi32, #tpu.memory_space<hbm>> -> memref<128xi32, #tpu.memory_space<hbm>>
      tpu.wait_dma2 semaphore(%run_scoped3A : memref<!tpu.dma_semaphore, #tpu.memory_space<semaphore_mem>>) src(%dma_wait3A_138 : memref<128xi32, #tpu.memory_space<hbm>>) dst(%arg8 : memref<128xi32, #tpu.memory_space<vmem>>)
      tpu.yield
    }) : () -> ()
    %add3A_20 = arith.constant 128 : i32
    %add3A_21 = arith.addi %add3A, %add3A_20 : i32
    %multiple_of3A_22 = tpu.assume_multiple %add3A_21, 128 : i32
    "tpu.region"() ({
      %run_scoped3A = tpu.sem_alloc : memref<!tpu.dma_semaphore, #tpu.memory_space<semaphore_mem>>
      %dma_start3A_135 = tpu.memref_slice %arg4[%multiple_of3A_22] : memref<328192xi32, #tpu.memory_space<hbm>> -> memref<128xi32, #tpu.memory_space<hbm>>
      %dma_start3A_136 = tpu.memref_slice %arg4[%multiple_of3A_22] : memref<328192xi32, #tpu.memory_space<hbm>> -> memref<128xi32, #tpu.memory_space<hbm>>
      tpu.enqueue_dma source(%dma_start3A_136 : memref<128xi32, #tpu.memory_space<hbm>>) target(%arg9 : memref<128xi32, #tpu.memory_space<vmem>>) target_semaphore(%run_scoped3A : memref<!tpu.dma_semaphore, #tpu.memory_space<semaphore_mem>>)
      %dma_wait3A_137 = tpu.memref_slice %arg4[%multiple_of3A_22] : memref<328192xi32, #tpu.memory_space<hbm>> -> memref<128xi32, #tpu.memory_space<hbm>>
      %dma_wait3A_138 = tpu.memref_slice %arg4[%multiple_of3A_22] : memref<328192xi32, #tpu.memory_space<hbm>> -> memref<128xi32, #tpu.memory_space<hbm>>
      tpu.wait_dma2 semaphore(%run_scoped3A : memref<!tpu.dma_semaphore, #tpu.memory_space<semaphore_mem>>) src(%dma_wait3A_138 : memref<128xi32, #tpu.memory_space<hbm>>) dst(%arg9 : memref<128xi32, #tpu.memory_space<vmem>>)
      tpu.yield
    }) : () -> ()
    %add3A_23 = arith.constant 256 : i32
    %add3A_24 = arith.addi %add3A, %add3A_23 : i32
    %multiple_of3A_25 = tpu.assume_multiple %add3A_24, 128 : i32
    "tpu.region"() ({
      %run_scoped3A = tpu.sem_alloc : memref<!tpu.dma_semaphore, #tpu.memory_space<semaphore_mem>>
      %dma_start3A_135 = tpu.memref_slice %arg4[%multiple_of3A_25] : memref<328192xi32, #tpu.memory_space<hbm>> -> memref<128xi32, #tpu.memory_space<hbm>>
      %dma_start3A_136 = tpu.memref_slice %arg4[%multiple_of3A_25] : memref<328192xi32, #tpu.memory_space<hbm>> -> memref<128xi32, #tpu.memory_space<hbm>>
      tpu.enqueue_dma source(%dma_start3A_136 : memref<128xi32, #tpu.memory_space<hbm>>) target(%arg10 : memref<128xi32, #tpu.memory_space<vmem>>) target_semaphore(%run_scoped3A : memref<!tpu.dma_semaphore, #tpu.memory_space<semaphore_mem>>)
      %dma_wait3A_137 = tpu.memref_slice %arg4[%multiple_of3A_25] : memref<328192xi32, #tpu.memory_space<hbm>> -> memref<128xi32, #tpu.memory_space<hbm>>
      %dma_wait3A_138 = tpu.memref_slice %arg4[%multiple_of3A_25] : memref<328192xi32, #tpu.memory_space<hbm>> -> memref<128xi32, #tpu.memory_space<hbm>>
      tpu.wait_dma2 semaphore(%run_scoped3A : memref<!tpu.dma_semaphore, #tpu.memory_space<semaphore_mem>>) src(%dma_wait3A_138 : memref<128xi32, #tpu.memory_space<hbm>>) dst(%arg10 : memref<128xi32, #tpu.memory_space<vmem>>)
      tpu.yield
    }) : () -> ()
    %add3A_26 = arith.constant 384 : i32
    %add3A_27 = arith.addi %add3A, %add3A_26 : i32
    %multiple_of3A_28 = tpu.assume_multiple %add3A_27, 128 : i32
    "tpu.region"() ({
      %run_scoped3A = tpu.sem_alloc : memref<!tpu.dma_semaphore, #tpu.memory_space<semaphore_mem>>
      %dma_start3A_135 = tpu.memref_slice %arg4[%multiple_of3A_28] : memref<328192xi32, #tpu.memory_space<hbm>> -> memref<128xi32, #tpu.memory_space<hbm>>
      %dma_start3A_136 = tpu.memref_slice %arg4[%multiple_of3A_28] : memref<328192xi32, #tpu.memory_space<hbm>> -> memref<128xi32, #tpu.memory_space<hbm>>
      tpu.enqueue_dma source(%dma_start3A_136 : memref<128xi32, #tpu.memory_space<hbm>>) target(%arg11 : memref<128xi32, #tpu.memory_space<vmem>>) target_semaphore(%run_scoped3A : memref<!tpu.dma_semaphore, #tpu.memory_space<semaphore_mem>>)
      %dma_wait3A_137 = tpu.memref_slice %arg4[%multiple_of3A_28] : memref<328192xi32, #tpu.memory_space<hbm>> -> memref<128xi32, #tpu.memory_space<hbm>>
      %dma_wait3A_138 = tpu.memref_slice %arg4[%multiple_of3A_28] : memref<328192xi32, #tpu.memory_space<hbm>> -> memref<128xi32, #tpu.memory_space<hbm>>
      tpu.wait_dma2 semaphore(%run_scoped3A : memref<!tpu.dma_semaphore, #tpu.memory_space<semaphore_mem>>) src(%dma_wait3A_138 : memref<128xi32, #tpu.memory_space<hbm>>) dst(%arg11 : memref<128xi32, #tpu.memory_space<vmem>>)
      tpu.yield
    }) : () -> ()
    %dma_start3A = arith.constant 0 : i32
    %dma_start3A_29 = arith.constant 0 : i32
    %dma_start3A_30 = tpu.memref_slice %arg2[%dma_start3A, %dma_start3A_29] : memref<10000x128xf32, #tpu.memory_space<hbm>> -> memref<10000x128xf32, #tpu.memory_space<hbm>>
    tpu.enqueue_indirect_dma source(%dma_start3A_30 : memref<10000x128xf32, #tpu.memory_space<hbm>>) target(%arg12 : memref<128x128xf32, #tpu.memory_space<vmem>>) offsets(%arg6 : memref<128xi32, #tpu.memory_space<vmem>>) semaphore(%arg15 : memref<!tpu.dma_semaphore, #tpu.memory_space<semaphore_mem>>)
    %dma_start3A_31 = arith.constant 0 : i32
    %dma_start3A_32 = arith.constant 0 : i32
    %dma_start3A_33 = tpu.memref_slice %arg2[%dma_start3A_31, %dma_start3A_32] : memref<10000x128xf32, #tpu.memory_space<hbm>> -> memref<10000x128xf32, #tpu.memory_space<hbm>>
    tpu.enqueue_indirect_dma source(%dma_start3A_33 : memref<10000x128xf32, #tpu.memory_space<hbm>>) target(%arg13 : memref<128x128xf32, #tpu.memory_space<vmem>>) offsets(%arg7 : memref<128xi32, #tpu.memory_space<vmem>>) semaphore(%arg16 : memref<!tpu.dma_semaphore, #tpu.memory_space<semaphore_mem>>)
    %dma_wait3A = arith.constant 0 : i32
    %dma_wait3A_34 = arith.constant 0 : i32
    %dma_wait3A_35 = tpu.memref_slice %arg2[%dma_wait3A, %dma_wait3A_34] : memref<10000x128xf32, #tpu.memory_space<hbm>> -> memref<10000x128xf32, #tpu.memory_space<hbm>>
    tpu.wait_indirect_dma semaphore(%arg15 : memref<!tpu.dma_semaphore, #tpu.memory_space<semaphore_mem>>) src(%dma_wait3A_35 : memref<10000x128xf32, #tpu.memory_space<hbm>>) dst(%arg12 : memref<128x128xf32, #tpu.memory_space<vmem>>)
    %dma_start3A_36 = arith.constant 0 : i32
    %dma_start3A_37 = arith.constant 0 : i32
    %dma_start3A_38 = tpu.memref_slice %arg14[%dma_start3A_36, %dma_start3A_37] : memref<10240x128xf32, #tpu.memory_space<vmem_shared>> -> memref<10240x128xf32, #tpu.memory_space<vmem_shared>>
    tpu.enqueue_indirect_dma source(%arg12 : memref<128x128xf32, #tpu.memory_space<vmem>>) target(%dma_start3A_38 : memref<10240x128xf32, #tpu.memory_space<vmem_shared>>) offsets(%arg8 : memref<128xi32, #tpu.memory_space<vmem>>) semaphore(%arg17 : memref<!tpu.dma_semaphore, #tpu.memory_space<semaphore_mem>>) {add = true}
    %add3A_39 = arith.constant 256 : i32
    %add3A_40 = arith.addi %add3A, %add3A_39 : i32
    %multiple_of3A_41 = tpu.assume_multiple %add3A_40, 128 : i32
    %dma_start3A_42 = tpu.memref_slice %arg3[%multiple_of3A_41] : memref<328192xi32, #tpu.memory_space<hbm>> -> memref<128xi32, #tpu.memory_space<hbm>>
    %dma_start3A_43 = tpu.memref_slice %arg3[%multiple_of3A_41] : memref<328192xi32, #tpu.memory_space<hbm>> -> memref<128xi32, #tpu.memory_space<hbm>>
    tpu.enqueue_dma source(%dma_start3A_43 : memref<128xi32, #tpu.memory_space<hbm>>) target(%arg6 : memref<128xi32, #tpu.memory_space<vmem>>) target_semaphore(%arg19 : memref<!tpu.dma_semaphore, #tpu.memory_space<semaphore_mem>>)
    %dma_wait3A_44 = arith.constant 0 : i32
    %dma_wait3A_45 = arith.constant 0 : i32
    %dma_wait3A_46 = tpu.memref_slice %arg14[%dma_wait3A_44, %dma_wait3A_45] : memref<10240x128xf32, #tpu.memory_space<vmem_shared>> -> memref<10240x128xf32, #tpu.memory_space<vmem_shared>>
    tpu.wait_indirect_dma semaphore(%arg17 : memref<!tpu.dma_semaphore, #tpu.memory_space<semaphore_mem>>) src(%arg12 : memref<128x128xf32, #tpu.memory_space<vmem>>) dst(%dma_wait3A_46 : memref<10240x128xf32, #tpu.memory_space<vmem_shared>>)
    %add3A_47 = arith.constant 512 : i32
    %add3A_48 = arith.addi %add3A, %add3A_47 : i32
    %multiple_of3A_49 = tpu.assume_multiple %add3A_48, 128 : i32
    %dma_start3A_50 = tpu.memref_slice %arg4[%multiple_of3A_49] : memref<328192xi32, #tpu.memory_space<hbm>> -> memref<128xi32, #tpu.memory_space<hbm>>
    %dma_start3A_51 = tpu.memref_slice %arg4[%multiple_of3A_49] : memref<328192xi32, #tpu.memory_space<hbm>> -> memref<128xi32, #tpu.memory_space<hbm>>
    tpu.enqueue_dma source(%dma_start3A_51 : memref<128xi32, #tpu.memory_space<hbm>>) target(%arg8 : memref<128xi32, #tpu.memory_space<vmem>>) target_semaphore(%arg21 : memref<!tpu.dma_semaphore, #tpu.memory_space<semaphore_mem>>)
    %add3A_52 = arith.constant 256 : i32
    %add3A_53 = arith.addi %add3A, %add3A_52 : i32
    %multiple_of3A_54 = tpu.assume_multiple %add3A_53, 128 : i32
    %dma_wait3A_55 = tpu.memref_slice %arg3[%multiple_of3A_54] : memref<328192xi32, #tpu.memory_space<hbm>> -> memref<128xi32, #tpu.memory_space<hbm>>
    %dma_wait3A_56 = tpu.memref_slice %arg3[%multiple_of3A_54] : memref<328192xi32, #tpu.memory_space<hbm>> -> memref<128xi32, #tpu.memory_space<hbm>>
    tpu.wait_dma2 semaphore(%arg19 : memref<!tpu.dma_semaphore, #tpu.memory_space<semaphore_mem>>) src(%dma_wait3A_56 : memref<128xi32, #tpu.memory_space<hbm>>) dst(%arg6 : memref<128xi32, #tpu.memory_space<vmem>>)
    %dma_start3A_57 = arith.constant 0 : i32
    %dma_start3A_58 = arith.constant 0 : i32
    %dma_start3A_59 = tpu.memref_slice %arg2[%dma_start3A_57, %dma_start3A_58] : memref<10000x128xf32, #tpu.memory_space<hbm>> -> memref<10000x128xf32, #tpu.memory_space<hbm>>
    tpu.enqueue_indirect_dma source(%dma_start3A_59 : memref<10000x128xf32, #tpu.memory_space<hbm>>) target(%arg12 : memref<128x128xf32, #tpu.memory_space<vmem>>) offsets(%arg6 : memref<128xi32, #tpu.memory_space<vmem>>) semaphore(%arg15 : memref<!tpu.dma_semaphore, #tpu.memory_space<semaphore_mem>>)
    %dma_wait3A_60 = arith.constant 0 : i32
    %dma_wait3A_61 = arith.constant 0 : i32
    %dma_wait3A_62 = tpu.memref_slice %arg2[%dma_wait3A_60, %dma_wait3A_61] : memref<10000x128xf32, #tpu.memory_space<hbm>> -> memref<10000x128xf32, #tpu.memory_space<hbm>>
    tpu.wait_indirect_dma semaphore(%arg16 : memref<!tpu.dma_semaphore, #tpu.memory_space<semaphore_mem>>) src(%dma_wait3A_62 : memref<10000x128xf32, #tpu.memory_space<hbm>>) dst(%arg13 : memref<128x128xf32, #tpu.memory_space<vmem>>)
    %dma_start3A_63 = arith.constant 0 : i32
    %dma_start3A_64 = arith.constant 0 : i32
    %dma_start3A_65 = tpu.memref_slice %arg14[%dma_start3A_63, %dma_start3A_64] : memref<10240x128xf32, #tpu.memory_space<vmem_shared>> -> memref<10240x128xf32, #tpu.memory_space<vmem_shared>>
    tpu.enqueue_indirect_dma source(%arg13 : memref<128x128xf32, #tpu.memory_space<vmem>>) target(%dma_start3A_65 : memref<10240x128xf32, #tpu.memory_space<vmem_shared>>) offsets(%arg9 : memref<128xi32, #tpu.memory_space<vmem>>) semaphore(%arg18 : memref<!tpu.dma_semaphore, #tpu.memory_space<semaphore_mem>>) {add = true}
    %add3A_66 = arith.constant 384 : i32
    %add3A_67 = arith.addi %add3A, %add3A_66 : i32
    %multiple_of3A_68 = tpu.assume_multiple %add3A_67, 128 : i32
    %dma_start3A_69 = tpu.memref_slice %arg3[%multiple_of3A_68] : memref<328192xi32, #tpu.memory_space<hbm>> -> memref<128xi32, #tpu.memory_space<hbm>>
    %dma_start3A_70 = tpu.memref_slice %arg3[%multiple_of3A_68] : memref<328192xi32, #tpu.memory_space<hbm>> -> memref<128xi32, #tpu.memory_space<hbm>>
    tpu.enqueue_dma source(%dma_start3A_70 : memref<128xi32, #tpu.memory_space<hbm>>) target(%arg7 : memref<128xi32, #tpu.memory_space<vmem>>) target_semaphore(%arg20 : memref<!tpu.dma_semaphore, #tpu.memory_space<semaphore_mem>>)
    %dma_wait3A_71 = arith.constant 0 : i32
    %dma_wait3A_72 = arith.constant 0 : i32
    %dma_wait3A_73 = tpu.memref_slice %arg14[%dma_wait3A_71, %dma_wait3A_72] : memref<10240x128xf32, #tpu.memory_space<vmem_shared>> -> memref<10240x128xf32, #tpu.memory_space<vmem_shared>>
    tpu.wait_indirect_dma semaphore(%arg18 : memref<!tpu.dma_semaphore, #tpu.memory_space<semaphore_mem>>) src(%arg13 : memref<128x128xf32, #tpu.memory_space<vmem>>) dst(%dma_wait3A_73 : memref<10240x128xf32, #tpu.memory_space<vmem_shared>>)
    %add3A_74 = arith.constant 640 : i32
    %add3A_75 = arith.addi %add3A, %add3A_74 : i32
    %multiple_of3A_76 = tpu.assume_multiple %add3A_75, 128 : i32
    %dma_start3A_77 = tpu.memref_slice %arg4[%multiple_of3A_76] : memref<328192xi32, #tpu.memory_space<hbm>> -> memref<128xi32, #tpu.memory_space<hbm>>
    %dma_start3A_78 = tpu.memref_slice %arg4[%multiple_of3A_76] : memref<328192xi32, #tpu.memory_space<hbm>> -> memref<128xi32, #tpu.memory_space<hbm>>
    tpu.enqueue_dma source(%dma_start3A_78 : memref<128xi32, #tpu.memory_space<hbm>>) target(%arg9 : memref<128xi32, #tpu.memory_space<vmem>>) target_semaphore(%arg22 : memref<!tpu.dma_semaphore, #tpu.memory_space<semaphore_mem>>)
    %add3A_79 = arith.constant 384 : i32
    %add3A_80 = arith.addi %add3A, %add3A_79 : i32
    %multiple_of3A_81 = tpu.assume_multiple %add3A_80, 128 : i32
    %dma_wait3A_82 = tpu.memref_slice %arg3[%multiple_of3A_81] : memref<328192xi32, #tpu.memory_space<hbm>> -> memref<128xi32, #tpu.memory_space<hbm>>
    %dma_wait3A_83 = tpu.memref_slice %arg3[%multiple_of3A_81] : memref<328192xi32, #tpu.memory_space<hbm>> -> memref<128xi32, #tpu.memory_space<hbm>>
    tpu.wait_dma2 semaphore(%arg20 : memref<!tpu.dma_semaphore, #tpu.memory_space<semaphore_mem>>) src(%dma_wait3A_83 : memref<128xi32, #tpu.memory_space<hbm>>) dst(%arg7 : memref<128xi32, #tpu.memory_space<vmem>>)
    %dma_start3A_84 = arith.constant 0 : i32
    %dma_start3A_85 = arith.constant 0 : i32
    %dma_start3A_86 = tpu.memref_slice %arg2[%dma_start3A_84, %dma_start3A_85] : memref<10000x128xf32, #tpu.memory_space<hbm>> -> memref<10000x128xf32, #tpu.memory_space<hbm>>
    tpu.enqueue_indirect_dma source(%dma_start3A_86 : memref<10000x128xf32, #tpu.memory_space<hbm>>) target(%arg13 : memref<128x128xf32, #tpu.memory_space<vmem>>) offsets(%arg7 : memref<128xi32, #tpu.memory_space<vmem>>) semaphore(%arg16 : memref<!tpu.dma_semaphore, #tpu.memory_space<semaphore_mem>>)
    %dma_wait3A_87 = arith.constant 0 : i32
    %dma_wait3A_88 = arith.constant 0 : i32
    %dma_wait3A_89 = tpu.memref_slice %arg2[%dma_wait3A_87, %dma_wait3A_88] : memref<10000x128xf32, #tpu.memory_space<hbm>> -> memref<10000x128xf32, #tpu.memory_space<hbm>>
    tpu.wait_indirect_dma semaphore(%arg15 : memref<!tpu.dma_semaphore, #tpu.memory_space<semaphore_mem>>) src(%dma_wait3A_89 : memref<10000x128xf32, #tpu.memory_space<hbm>>) dst(%arg12 : memref<128x128xf32, #tpu.memory_space<vmem>>)
    %dma_start3A_90 = arith.constant 0 : i32
    %dma_start3A_91 = arith.constant 0 : i32
    %dma_start3A_92 = tpu.memref_slice %arg14[%dma_start3A_90, %dma_start3A_91] : memref<10240x128xf32, #tpu.memory_space<vmem_shared>> -> memref<10240x128xf32, #tpu.memory_space<vmem_shared>>
    tpu.enqueue_indirect_dma source(%arg12 : memref<128x128xf32, #tpu.memory_space<vmem>>) target(%dma_start3A_92 : memref<10240x128xf32, #tpu.memory_space<vmem_shared>>) offsets(%arg10 : memref<128xi32, #tpu.memory_space<vmem>>) semaphore(%arg17 : memref<!tpu.dma_semaphore, #tpu.memory_space<semaphore_mem>>) {add = true}
    %add3A_93 = arith.constant 512 : i32
    %add3A_94 = arith.addi %add3A, %add3A_93 : i32
    %multiple_of3A_95 = tpu.assume_multiple %add3A_94, 128 : i32
    %dma_start3A_96 = tpu.memref_slice %arg3[%multiple_of3A_95] : memref<328192xi32, #tpu.memory_space<hbm>> -> memref<128xi32, #tpu.memory_space<hbm>>
    %dma_start3A_97 = tpu.memref_slice %arg3[%multiple_of3A_95] : memref<328192xi32, #tpu.memory_space<hbm>> -> memref<128xi32, #tpu.memory_space<hbm>>
    tpu.enqueue_dma source(%dma_start3A_97 : memref<128xi32, #tpu.memory_space<hbm>>) target(%arg6 : memref<128xi32, #tpu.memory_space<vmem>>) target_semaphore(%arg19 : memref<!tpu.dma_semaphore, #tpu.memory_space<semaphore_mem>>)
    %scan3A_98 = arith.constant 1 : i32
    %scan3A_99 = arith.constant 19 : i32
    %scan3A_100 = arith.addi %scan3A_98, %scan3A_99 : i32
    %scan3A_101 = arith.constant 1 : i32
    scf.for %scan3A_135 = %scan3A_98 to %scan3A_100 step %scan3A_101  : i32 {
      %mul3A_136 = arith.constant 4 : i32
      %mul3A_137 = arith.muli %scan3A_135, %mul3A_136 : i32
      %add3A_138 = arith.constant 0 : i32
      %add3A_139 = arith.addi %mul3A_137, %add3A_138 : i32
      %dma_wait3A_140 = arith.constant 0 : i32
      %dma_wait3A_141 = arith.constant 0 : i32
      %dma_wait3A_142 = tpu.memref_slice %arg14[%dma_wait3A_140, %dma_wait3A_141] : memref<10240x128xf32, #tpu.memory_space<vmem_shared>> -> memref<10240x128xf32, #tpu.memory_space<vmem_shared>>
      tpu.wait_indirect_dma semaphore(%arg17 : memref<!tpu.dma_semaphore, #tpu.memory_space<semaphore_mem>>) src(%arg12 : memref<128x128xf32, #tpu.memory_space<vmem>>) dst(%dma_wait3A_142 : memref<10240x128xf32, #tpu.memory_space<vmem_shared>>)
      %add3A_143 = arith.constant 2 : i32
      %add3A_144 = arith.addi %add3A_139, %add3A_143 : i32
      %mul3A_145 = arith.constant 128 : i32
      %mul3A_146 = arith.muli %add3A_144, %mul3A_145 : i32
      %add3A_147 = arith.addi %add3A, %mul3A_146 : i32
      %multiple_of3A_148 = tpu.assume_multiple %add3A_147, 128 : i32
      %dma_start3A_149 = tpu.memref_slice %arg4[%multiple_of3A_148] : memref<328192xi32, #tpu.memory_space<hbm>> -> memref<128xi32, #tpu.memory_space<hbm>>
      %dma_start3A_150 = tpu.memref_slice %arg4[%multiple_of3A_148] : memref<328192xi32, #tpu.memory_space<hbm>> -> memref<128xi32, #tpu.memory_space<hbm>>
      tpu.enqueue_dma source(%dma_start3A_150 : memref<128xi32, #tpu.memory_space<hbm>>) target(%arg10 : memref<128xi32, #tpu.memory_space<vmem>>) target_semaphore(%arg23 : memref<!tpu.dma_semaphore, #tpu.memory_space<semaphore_mem>>)
      %mul3A_151 = arith.constant 128 : i32
      %mul3A_152 = arith.muli %add3A_139, %mul3A_151 : i32
      %add3A_153 = arith.addi %add3A, %mul3A_152 : i32
      %multiple_of3A_154 = tpu.assume_multiple %add3A_153, 128 : i32
      %dma_wait3A_155 = tpu.memref_slice %arg3[%multiple_of3A_154] : memref<328192xi32, #tpu.memory_space<hbm>> -> memref<128xi32, #tpu.memory_space<hbm>>
      %dma_wait3A_156 = tpu.memref_slice %arg3[%multiple_of3A_154] : memref<328192xi32, #tpu.memory_space<hbm>> -> memref<128xi32, #tpu.memory_space<hbm>>
      tpu.wait_dma2 semaphore(%arg19 : memref<!tpu.dma_semaphore, #tpu.memory_space<semaphore_mem>>) src(%dma_wait3A_156 : memref<128xi32, #tpu.memory_space<hbm>>) dst(%arg6 : memref<128xi32, #tpu.memory_space<vmem>>)
      %mul3A_157 = arith.constant 128 : i32
      %mul3A_158 = arith.muli %add3A_139, %mul3A_157 : i32
      %add3A_159 = arith.addi %add3A, %mul3A_158 : i32
      %multiple_of3A_160 = tpu.assume_multiple %add3A_159, 128 : i32
      %dma_wait3A_161 = tpu.memref_slice %arg4[%multiple_of3A_160] : memref<328192xi32, #tpu.memory_space<hbm>> -> memref<128xi32, #tpu.memory_space<hbm>>
      %dma_wait3A_162 = tpu.memref_slice %arg4[%multiple_of3A_160] : memref<328192xi32, #tpu.memory_space<hbm>> -> memref<128xi32, #tpu.memory_space<hbm>>
      tpu.wait_dma2 semaphore(%arg21 : memref<!tpu.dma_semaphore, #tpu.memory_space<semaphore_mem>>) src(%dma_wait3A_162 : memref<128xi32, #tpu.memory_space<hbm>>) dst(%arg8 : memref<128xi32, #tpu.memory_space<vmem>>)
      %dma_start3A_163 = arith.constant 0 : i32
      %dma_start3A_164 = arith.constant 0 : i32
      %dma_start3A_165 = tpu.memref_slice %arg2[%dma_start3A_163, %dma_start3A_164] : memref<10000x128xf32, #tpu.memory_space<hbm>> -> memref<10000x128xf32, #tpu.memory_space<hbm>>
      tpu.enqueue_indirect_dma source(%dma_start3A_165 : memref<10000x128xf32, #tpu.memory_space<hbm>>) target(%arg12 : memref<128x128xf32, #tpu.memory_space<vmem>>) offsets(%arg6 : memref<128xi32, #tpu.memory_space<vmem>>) semaphore(%arg15 : memref<!tpu.dma_semaphore, #tpu.memory_space<semaphore_mem>>)
      %dma_wait3A_166 = arith.constant 0 : i32
      %dma_wait3A_167 = arith.constant 0 : i32
      %dma_wait3A_168 = tpu.memref_slice %arg2[%dma_wait3A_166, %dma_wait3A_167] : memref<10000x128xf32, #tpu.memory_space<hbm>> -> memref<10000x128xf32, #tpu.memory_space<hbm>>
      tpu.wait_indirect_dma semaphore(%arg16 : memref<!tpu.dma_semaphore, #tpu.memory_space<semaphore_mem>>) src(%dma_wait3A_168 : memref<10000x128xf32, #tpu.memory_space<hbm>>) dst(%arg13 : memref<128x128xf32, #tpu.memory_space<vmem>>)
      %dma_start3A_169 = arith.constant 0 : i32
      %dma_start3A_170 = arith.constant 0 : i32
      %dma_start3A_171 = tpu.memref_slice %arg14[%dma_start3A_169, %dma_start3A_170] : memref<10240x128xf32, #tpu.memory_space<vmem_shared>> -> memref<10240x128xf32, #tpu.memory_space<vmem_shared>>
      tpu.enqueue_indirect_dma source(%arg13 : memref<128x128xf32, #tpu.memory_space<vmem>>) target(%dma_start3A_171 : memref<10240x128xf32, #tpu.memory_space<vmem_shared>>) offsets(%arg11 : memref<128xi32, #tpu.memory_space<vmem>>) semaphore(%arg18 : memref<!tpu.dma_semaphore, #tpu.memory_space<semaphore_mem>>) {add = true}
      %add3A_172 = arith.constant 1 : i32
      %add3A_173 = arith.addi %add3A_139, %add3A_172 : i32
      %mul3A_174 = arith.constant 128 : i32
      %mul3A_175 = arith.muli %add3A_173, %mul3A_174 : i32
      %add3A_176 = arith.addi %add3A, %mul3A_175 : i32
      %multiple_of3A_177 = tpu.assume_multiple %add3A_176, 128 : i32
      %dma_start3A_178 = tpu.memref_slice %arg3[%multiple_of3A_177] : memref<328192xi32, #tpu.memory_space<hbm>> -> memref<128xi32, #tpu.memory_space<hbm>>
      %dma_start3A_179 = tpu.memref_slice %arg3[%multiple_of3A_177] : memref<328192xi32, #tpu.memory_space<hbm>> -> memref<128xi32, #tpu.memory_space<hbm>>
      tpu.enqueue_dma source(%dma_start3A_179 : memref<128xi32, #tpu.memory_space<hbm>>) target(%arg7 : memref<128xi32, #tpu.memory_space<vmem>>) target_semaphore(%arg20 : memref<!tpu.dma_semaphore, #tpu.memory_space<semaphore_mem>>)
      %mul3A_180 = arith.constant 4 : i32
      %mul3A_181 = arith.muli %scan3A_135, %mul3A_180 : i32
      %add3A_182 = arith.constant 1 : i32
      %add3A_183 = arith.addi %mul3A_181, %add3A_182 : i32
      %dma_wait3A_184 = arith.constant 0 : i32
      %dma_wait3A_185 = arith.constant 0 : i32
      %dma_wait3A_186 = tpu.memref_slice %arg14[%dma_wait3A_184, %dma_wait3A_185] : memref<10240x128xf32, #tpu.memory_space<vmem_shared>> -> memref<10240x128xf32, #tpu.memory_space<vmem_shared>>
      tpu.wait_indirect_dma semaphore(%arg18 : memref<!tpu.dma_semaphore, #tpu.memory_space<semaphore_mem>>) src(%arg13 : memref<128x128xf32, #tpu.memory_space<vmem>>) dst(%dma_wait3A_186 : memref<10240x128xf32, #tpu.memory_space<vmem_shared>>)
      %add3A_187 = arith.constant 2 : i32
      %add3A_188 = arith.addi %add3A_183, %add3A_187 : i32
      %mul3A_189 = arith.constant 128 : i32
      %mul3A_190 = arith.muli %add3A_188, %mul3A_189 : i32
      %add3A_191 = arith.addi %add3A, %mul3A_190 : i32
      %multiple_of3A_192 = tpu.assume_multiple %add3A_191, 128 : i32
      %dma_start3A_193 = tpu.memref_slice %arg4[%multiple_of3A_192] : memref<328192xi32, #tpu.memory_space<hbm>> -> memref<128xi32, #tpu.memory_space<hbm>>
      %dma_start3A_194 = tpu.memref_slice %arg4[%multiple_of3A_192] : memref<328192xi32, #tpu.memory_space<hbm>> -> memref<128xi32, #tpu.memory_space<hbm>>
      tpu.enqueue_dma source(%dma_start3A_194 : memref<128xi32, #tpu.memory_space<hbm>>) target(%arg11 : memref<128xi32, #tpu.memory_space<vmem>>) target_semaphore(%arg24 : memref<!tpu.dma_semaphore, #tpu.memory_space<semaphore_mem>>)
      %mul3A_195 = arith.constant 128 : i32
      %mul3A_196 = arith.muli %add3A_183, %mul3A_195 : i32
      %add3A_197 = arith.addi %add3A, %mul3A_196 : i32
      %multiple_of3A_198 = tpu.assume_multiple %add3A_197, 128 : i32
      %dma_wait3A_199 = tpu.memref_slice %arg3[%multiple_of3A_198] : memref<328192xi32, #tpu.memory_space<hbm>> -> memref<128xi32, #tpu.memory_space<hbm>>
      %dma_wait3A_200 = tpu.memref_slice %arg3[%multiple_of3A_198] : memref<328192xi32, #tpu.memory_space<hbm>> -> memref<128xi32, #tpu.memory_space<hbm>>
      tpu.wait_dma2 semaphore(%arg20 : memref<!tpu.dma_semaphore, #tpu.memory_space<semaphore_mem>>) src(%dma_wait3A_200 : memref<128xi32, #tpu.memory_space<hbm>>) dst(%arg7 : memref<128xi32, #tpu.memory_space<vmem>>)
      %mul3A_201 = arith.constant 128 : i32
      %mul3A_202 = arith.muli %add3A_183, %mul3A_201 : i32
      %add3A_203 = arith.addi %add3A, %mul3A_202 : i32
      %multiple_of3A_204 = tpu.assume_multiple %add3A_203, 128 : i32
      %dma_wait3A_205 = tpu.memref_slice %arg4[%multiple_of3A_204] : memref<328192xi32, #tpu.memory_space<hbm>> -> memref<128xi32, #tpu.memory_space<hbm>>
      %dma_wait3A_206 = tpu.memref_slice %arg4[%multiple_of3A_204] : memref<328192xi32, #tpu.memory_space<hbm>> -> memref<128xi32, #tpu.memory_space<hbm>>
      tpu.wait_dma2 semaphore(%arg22 : memref<!tpu.dma_semaphore, #tpu.memory_space<semaphore_mem>>) src(%dma_wait3A_206 : memref<128xi32, #tpu.memory_space<hbm>>) dst(%arg9 : memref<128xi32, #tpu.memory_space<vmem>>)
      %dma_start3A_207 = arith.constant 0 : i32
      %dma_start3A_208 = arith.constant 0 : i32
      %dma_start3A_209 = tpu.memref_slice %arg2[%dma_start3A_207, %dma_start3A_208] : memref<10000x128xf32, #tpu.memory_space<hbm>> -> memref<10000x128xf32, #tpu.memory_space<hbm>>
      tpu.enqueue_indirect_dma source(%dma_start3A_209 : memref<10000x128xf32, #tpu.memory_space<hbm>>) target(%arg13 : memref<128x128xf32, #tpu.memory_space<vmem>>) offsets(%arg7 : memref<128xi32, #tpu.memory_space<vmem>>) semaphore(%arg16 : memref<!tpu.dma_semaphore, #tpu.memory_space<semaphore_mem>>)
      %dma_wait3A_210 = arith.constant 0 : i32
      %dma_wait3A_211 = arith.constant 0 : i32
      %dma_wait3A_212 = tpu.memref_slice %arg2[%dma_wait3A_210, %dma_wait3A_211] : memref<10000x128xf32, #tpu.memory_space<hbm>> -> memref<10000x128xf32, #tpu.memory_space<hbm>>
      tpu.wait_indirect_dma semaphore(%arg15 : memref<!tpu.dma_semaphore, #tpu.memory_space<semaphore_mem>>) src(%dma_wait3A_212 : memref<10000x128xf32, #tpu.memory_space<hbm>>) dst(%arg12 : memref<128x128xf32, #tpu.memory_space<vmem>>)
      %dma_start3A_213 = arith.constant 0 : i32
      %dma_start3A_214 = arith.constant 0 : i32
      %dma_start3A_215 = tpu.memref_slice %arg14[%dma_start3A_213, %dma_start3A_214] : memref<10240x128xf32, #tpu.memory_space<vmem_shared>> -> memref<10240x128xf32, #tpu.memory_space<vmem_shared>>
      tpu.enqueue_indirect_dma source(%arg12 : memref<128x128xf32, #tpu.memory_space<vmem>>) target(%dma_start3A_215 : memref<10240x128xf32, #tpu.memory_space<vmem_shared>>) offsets(%arg8 : memref<128xi32, #tpu.memory_space<vmem>>) semaphore(%arg17 : memref<!tpu.dma_semaphore, #tpu.memory_space<semaphore_mem>>) {add = true}
      %add3A_216 = arith.constant 1 : i32
      %add3A_217 = arith.addi %add3A_183, %add3A_216 : i32
      %mul3A_218 = arith.constant 128 : i32
      %mul3A_219 = arith.muli %add3A_217, %mul3A_218 : i32
      %add3A_220 = arith.addi %add3A, %mul3A_219 : i32
      %multiple_of3A_221 = tpu.assume_multiple %add3A_220, 128 : i32
      %dma_start3A_222 = tpu.memref_slice %arg3[%multiple_of3A_221] : memref<328192xi32, #tpu.memory_space<hbm>> -> memref<128xi32, #tpu.memory_space<hbm>>
      %dma_start3A_223 = tpu.memref_slice %arg3[%multiple_of3A_221] : memref<328192xi32, #tpu.memory_space<hbm>> -> memref<128xi32, #tpu.memory_space<hbm>>
      tpu.enqueue_dma source(%dma_start3A_223 : memref<128xi32, #tpu.memory_space<hbm>>) target(%arg6 : memref<128xi32, #tpu.memory_space<vmem>>) target_semaphore(%arg19 : memref<!tpu.dma_semaphore, #tpu.memory_space<semaphore_mem>>)
      %mul3A_224 = arith.constant 4 : i32
      %mul3A_225 = arith.muli %scan3A_135, %mul3A_224 : i32
      %add3A_226 = arith.constant 2 : i32
      %add3A_227 = arith.addi %mul3A_225, %add3A_226 : i32
      %dma_wait3A_228 = arith.constant 0 : i32
      %dma_wait3A_229 = arith.constant 0 : i32
      %dma_wait3A_230 = tpu.memref_slice %arg14[%dma_wait3A_228, %dma_wait3A_229] : memref<10240x128xf32, #tpu.memory_space<vmem_shared>> -> memref<10240x128xf32, #tpu.memory_space<vmem_shared>>
      tpu.wait_indirect_dma semaphore(%arg17 : memref<!tpu.dma_semaphore, #tpu.memory_space<semaphore_mem>>) src(%arg12 : memref<128x128xf32, #tpu.memory_space<vmem>>) dst(%dma_wait3A_230 : memref<10240x128xf32, #tpu.memory_space<vmem_shared>>)
      %add3A_231 = arith.constant 2 : i32
      %add3A_232 = arith.addi %add3A_227, %add3A_231 : i32
      %mul3A_233 = arith.constant 128 : i32
      %mul3A_234 = arith.muli %add3A_232, %mul3A_233 : i32
      %add3A_235 = arith.addi %add3A, %mul3A_234 : i32
      %multiple_of3A_236 = tpu.assume_multiple %add3A_235, 128 : i32
      %dma_start3A_237 = tpu.memref_slice %arg4[%multiple_of3A_236] : memref<328192xi32, #tpu.memory_space<hbm>> -> memref<128xi32, #tpu.memory_space<hbm>>
      %dma_start3A_238 = tpu.memref_slice %arg4[%multiple_of3A_236] : memref<328192xi32, #tpu.memory_space<hbm>> -> memref<128xi32, #tpu.memory_space<hbm>>
      tpu.enqueue_dma source(%dma_start3A_238 : memref<128xi32, #tpu.memory_space<hbm>>) target(%arg8 : memref<128xi32, #tpu.memory_space<vmem>>) target_semaphore(%arg21 : memref<!tpu.dma_semaphore, #tpu.memory_space<semaphore_mem>>)
      %mul3A_239 = arith.constant 128 : i32
      %mul3A_240 = arith.muli %add3A_227, %mul3A_239 : i32
      %add3A_241 = arith.addi %add3A, %mul3A_240 : i32
      %multiple_of3A_242 = tpu.assume_multiple %add3A_241, 128 : i32
      %dma_wait3A_243 = tpu.memref_slice %arg3[%multiple_of3A_242] : memref<328192xi32, #tpu.memory_space<hbm>> -> memref<128xi32, #tpu.memory_space<hbm>>
      %dma_wait3A_244 = tpu.memref_slice %arg3[%multiple_of3A_242] : memref<328192xi32, #tpu.memory_space<hbm>> -> memref<128xi32, #tpu.memory_space<hbm>>
      tpu.wait_dma2 semaphore(%arg19 : memref<!tpu.dma_semaphore, #tpu.memory_space<semaphore_mem>>) src(%dma_wait3A_244 : memref<128xi32, #tpu.memory_space<hbm>>) dst(%arg6 : memref<128xi32, #tpu.memory_space<vmem>>)
      %mul3A_245 = arith.constant 128 : i32
      %mul3A_246 = arith.muli %add3A_227, %mul3A_245 : i32
      %add3A_247 = arith.addi %add3A, %mul3A_246 : i32
      %multiple_of3A_248 = tpu.assume_multiple %add3A_247, 128 : i32
      %dma_wait3A_249 = tpu.memref_slice %arg4[%multiple_of3A_248] : memref<328192xi32, #tpu.memory_space<hbm>> -> memref<128xi32, #tpu.memory_space<hbm>>
      %dma_wait3A_250 = tpu.memref_slice %arg4[%multiple_of3A_248] : memref<328192xi32, #tpu.memory_space<hbm>> -> memref<128xi32, #tpu.memory_space<hbm>>
      tpu.wait_dma2 semaphore(%arg23 : memref<!tpu.dma_semaphore, #tpu.memory_space<semaphore_mem>>) src(%dma_wait3A_250 : memref<128xi32, #tpu.memory_space<hbm>>) dst(%arg10 : memref<128xi32, #tpu.memory_space<vmem>>)
      %dma_start3A_251 = arith.constant 0 : i32
      %dma_start3A_252 = arith.constant 0 : i32
      %dma_start3A_253 = tpu.memref_slice %arg2[%dma_start3A_251, %dma_start3A_252] : memref<10000x128xf32, #tpu.memory_space<hbm>> -> memref<10000x128xf32, #tpu.memory_space<hbm>>
      tpu.enqueue_indirect_dma source(%dma_start3A_253 : memref<10000x128xf32, #tpu.memory_space<hbm>>) target(%arg12 : memref<128x128xf32, #tpu.memory_space<vmem>>) offsets(%arg6 : memref<128xi32, #tpu.memory_space<vmem>>) semaphore(%arg15 : memref<!tpu.dma_semaphore, #tpu.memory_space<semaphore_mem>>)
      %dma_wait3A_254 = arith.constant 0 : i32
      %dma_wait3A_255 = arith.constant 0 : i32
      %dma_wait3A_256 = tpu.memref_slice %arg2[%dma_wait3A_254, %dma_wait3A_255] : memref<10000x128xf32, #tpu.memory_space<hbm>> -> memref<10000x128xf32, #tpu.memory_space<hbm>>
      tpu.wait_indirect_dma semaphore(%arg16 : memref<!tpu.dma_semaphore, #tpu.memory_space<semaphore_mem>>) src(%dma_wait3A_256 : memref<10000x128xf32, #tpu.memory_space<hbm>>) dst(%arg13 : memref<128x128xf32, #tpu.memory_space<vmem>>)
      %dma_start3A_257 = arith.constant 0 : i32
      %dma_start3A_258 = arith.constant 0 : i32
      %dma_start3A_259 = tpu.memref_slice %arg14[%dma_start3A_257, %dma_start3A_258] : memref<10240x128xf32, #tpu.memory_space<vmem_shared>> -> memref<10240x128xf32, #tpu.memory_space<vmem_shared>>
      tpu.enqueue_indirect_dma source(%arg13 : memref<128x128xf32, #tpu.memory_space<vmem>>) target(%dma_start3A_259 : memref<10240x128xf32, #tpu.memory_space<vmem_shared>>) offsets(%arg9 : memref<128xi32, #tpu.memory_space<vmem>>) semaphore(%arg18 : memref<!tpu.dma_semaphore, #tpu.memory_space<semaphore_mem>>) {add = true}
      %add3A_260 = arith.constant 1 : i32
      %add3A_261 = arith.addi %add3A_227, %add3A_260 : i32
      %mul3A_262 = arith.constant 128 : i32
      %mul3A_263 = arith.muli %add3A_261, %mul3A_262 : i32
      %add3A_264 = arith.addi %add3A, %mul3A_263 : i32
      %multiple_of3A_265 = tpu.assume_multiple %add3A_264, 128 : i32
      %dma_start3A_266 = tpu.memref_slice %arg3[%multiple_of3A_265] : memref<328192xi32, #tpu.memory_space<hbm>> -> memref<128xi32, #tpu.memory_space<hbm>>
      %dma_start3A_267 = tpu.memref_slice %arg3[%multiple_of3A_265] : memref<328192xi32, #tpu.memory_space<hbm>> -> memref<128xi32, #tpu.memory_space<hbm>>
      tpu.enqueue_dma source(%dma_start3A_267 : memref<128xi32, #tpu.memory_space<hbm>>) target(%arg7 : memref<128xi32, #tpu.memory_space<vmem>>) target_semaphore(%arg20 : memref<!tpu.dma_semaphore, #tpu.memory_space<semaphore_mem>>)
      %mul3A_268 = arith.constant 4 : i32
      %mul3A_269 = arith.muli %scan3A_135, %mul3A_268 : i32
      %add3A_270 = arith.constant 3 : i32
      %add3A_271 = arith.addi %mul3A_269, %add3A_270 : i32
      %dma_wait3A_272 = arith.constant 0 : i32
      %dma_wait3A_273 = arith.constant 0 : i32
      %dma_wait3A_274 = tpu.memref_slice %arg14[%dma_wait3A_272, %dma_wait3A_273] : memref<10240x128xf32, #tpu.memory_space<vmem_shared>> -> memref<10240x128xf32, #tpu.memory_space<vmem_shared>>
      tpu.wait_indirect_dma semaphore(%arg18 : memref<!tpu.dma_semaphore, #tpu.memory_space<semaphore_mem>>) src(%arg13 : memref<128x128xf32, #tpu.memory_space<vmem>>) dst(%dma_wait3A_274 : memref<10240x128xf32, #tpu.memory_space<vmem_shared>>)
      %add3A_275 = arith.constant 2 : i32
      %add3A_276 = arith.addi %add3A_271, %add3A_275 : i32
      %mul3A_277 = arith.constant 128 : i32
      %mul3A_278 = arith.muli %add3A_276, %mul3A_277 : i32
      %add3A_279 = arith.addi %add3A, %mul3A_278 : i32
      %multiple_of3A_280 = tpu.assume_multiple %add3A_279, 128 : i32
      %dma_start3A_281 = tpu.memref_slice %arg4[%multiple_of3A_280] : memref<328192xi32, #tpu.memory_space<hbm>> -> memref<128xi32, #tpu.memory_space<hbm>>
      %dma_start3A_282 = tpu.memref_slice %arg4[%multiple_of3A_280] : memref<328192xi32, #tpu.memory_space<hbm>> -> memref<128xi32, #tpu.memory_space<hbm>>
      tpu.enqueue_dma source(%dma_start3A_282 : memref<128xi32, #tpu.memory_space<hbm>>) target(%arg9 : memref<128xi32, #tpu.memory_space<vmem>>) target_semaphore(%arg22 : memref<!tpu.dma_semaphore, #tpu.memory_space<semaphore_mem>>)
      %mul3A_283 = arith.constant 128 : i32
      %mul3A_284 = arith.muli %add3A_271, %mul3A_283 : i32
      %add3A_285 = arith.addi %add3A, %mul3A_284 : i32
      %multiple_of3A_286 = tpu.assume_multiple %add3A_285, 128 : i32
      %dma_wait3A_287 = tpu.memref_slice %arg3[%multiple_of3A_286] : memref<328192xi32, #tpu.memory_space<hbm>> -> memref<128xi32, #tpu.memory_space<hbm>>
      %dma_wait3A_288 = tpu.memref_slice %arg3[%multiple_of3A_286] : memref<328192xi32, #tpu.memory_space<hbm>> -> memref<128xi32, #tpu.memory_space<hbm>>
      tpu.wait_dma2 semaphore(%arg20 : memref<!tpu.dma_semaphore, #tpu.memory_space<semaphore_mem>>) src(%dma_wait3A_288 : memref<128xi32, #tpu.memory_space<hbm>>) dst(%arg7 : memref<128xi32, #tpu.memory_space<vmem>>)
      %mul3A_289 = arith.constant 128 : i32
      %mul3A_290 = arith.muli %add3A_271, %mul3A_289 : i32
      %add3A_291 = arith.addi %add3A, %mul3A_290 : i32
      %multiple_of3A_292 = tpu.assume_multiple %add3A_291, 128 : i32
      %dma_wait3A_293 = tpu.memref_slice %arg4[%multiple_of3A_292] : memref<328192xi32, #tpu.memory_space<hbm>> -> memref<128xi32, #tpu.memory_space<hbm>>
      %dma_wait3A_294 = tpu.memref_slice %arg4[%multiple_of3A_292] : memref<328192xi32, #tpu.memory_space<hbm>> -> memref<128xi32, #tpu.memory_space<hbm>>
      tpu.wait_dma2 semaphore(%arg24 : memref<!tpu.dma_semaphore, #tpu.memory_space<semaphore_mem>>) src(%dma_wait3A_294 : memref<128xi32, #tpu.memory_space<hbm>>) dst(%arg11 : memref<128xi32, #tpu.memory_space<vmem>>)
      %dma_start3A_295 = arith.constant 0 : i32
      %dma_start3A_296 = arith.constant 0 : i32
      %dma_start3A_297 = tpu.memref_slice %arg2[%dma_start3A_295, %dma_start3A_296] : memref<10000x128xf32, #tpu.memory_space<hbm>> -> memref<10000x128xf32, #tpu.memory_space<hbm>>
      tpu.enqueue_indirect_dma source(%dma_start3A_297 : memref<10000x128xf32, #tpu.memory_space<hbm>>) target(%arg13 : memref<128x128xf32, #tpu.memory_space<vmem>>) offsets(%arg7 : memref<128xi32, #tpu.memory_space<vmem>>) semaphore(%arg16 : memref<!tpu.dma_semaphore, #tpu.memory_space<semaphore_mem>>)
      %dma_wait3A_298 = arith.constant 0 : i32
      %dma_wait3A_299 = arith.constant 0 : i32
      %dma_wait3A_300 = tpu.memref_slice %arg2[%dma_wait3A_298, %dma_wait3A_299] : memref<10000x128xf32, #tpu.memory_space<hbm>> -> memref<10000x128xf32, #tpu.memory_space<hbm>>
      tpu.wait_indirect_dma semaphore(%arg15 : memref<!tpu.dma_semaphore, #tpu.memory_space<semaphore_mem>>) src(%dma_wait3A_300 : memref<10000x128xf32, #tpu.memory_space<hbm>>) dst(%arg12 : memref<128x128xf32, #tpu.memory_space<vmem>>)
      %dma_start3A_301 = arith.constant 0 : i32
      %dma_start3A_302 = arith.constant 0 : i32
      %dma_start3A_303 = tpu.memref_slice %arg14[%dma_start3A_301, %dma_start3A_302] : memref<10240x128xf32, #tpu.memory_space<vmem_shared>> -> memref<10240x128xf32, #tpu.memory_space<vmem_shared>>
      tpu.enqueue_indirect_dma source(%arg12 : memref<128x128xf32, #tpu.memory_space<vmem>>) target(%dma_start3A_303 : memref<10240x128xf32, #tpu.memory_space<vmem_shared>>) offsets(%arg10 : memref<128xi32, #tpu.memory_space<vmem>>) semaphore(%arg17 : memref<!tpu.dma_semaphore, #tpu.memory_space<semaphore_mem>>) {add = true}
      %add3A_304 = arith.constant 1 : i32
      %add3A_305 = arith.addi %add3A_271, %add3A_304 : i32
      %mul3A_306 = arith.constant 128 : i32
      %mul3A_307 = arith.muli %add3A_305, %mul3A_306 : i32
      %add3A_308 = arith.addi %add3A, %mul3A_307 : i32
      %multiple_of3A_309 = tpu.assume_multiple %add3A_308, 128 : i32
      %dma_start3A_310 = tpu.memref_slice %arg3[%multiple_of3A_309] : memref<328192xi32, #tpu.memory_space<hbm>> -> memref<128xi32, #tpu.memory_space<hbm>>
      %dma_start3A_311 = tpu.memref_slice %arg3[%multiple_of3A_309] : memref<328192xi32, #tpu.memory_space<hbm>> -> memref<128xi32, #tpu.memory_space<hbm>>
      tpu.enqueue_dma source(%dma_start3A_311 : memref<128xi32, #tpu.memory_space<hbm>>) target(%arg6 : memref<128xi32, #tpu.memory_space<vmem>>) target_semaphore(%arg19 : memref<!tpu.dma_semaphore, #tpu.memory_space<semaphore_mem>>)
    }
    %scan3A_102 = arith.constant 19 : i32
    %dma_wait3A_103 = arith.constant 0 : i32
    %dma_wait3A_104 = arith.constant 0 : i32
    %dma_wait3A_105 = tpu.memref_slice %arg2[%dma_wait3A_103, %dma_wait3A_104] : memref<10000x128xf32, #tpu.memory_space<hbm>> -> memref<10000x128xf32, #tpu.memory_space<hbm>>
    tpu.wait_indirect_dma semaphore(%arg16 : memref<!tpu.dma_semaphore, #tpu.memory_space<semaphore_mem>>) src(%dma_wait3A_105 : memref<10000x128xf32, #tpu.memory_space<hbm>>) dst(%arg13 : memref<128x128xf32, #tpu.memory_space<vmem>>)
    %dma_start3A_106 = arith.constant 0 : i32
    %dma_start3A_107 = arith.constant 0 : i32
    %dma_start3A_108 = tpu.memref_slice %arg14[%dma_start3A_106, %dma_start3A_107] : memref<10240x128xf32, #tpu.memory_space<vmem_shared>> -> memref<10240x128xf32, #tpu.memory_space<vmem_shared>>
    tpu.enqueue_indirect_dma source(%arg13 : memref<128x128xf32, #tpu.memory_space<vmem>>) target(%dma_start3A_108 : memref<10240x128xf32, #tpu.memory_space<vmem_shared>>) offsets(%arg11 : memref<128xi32, #tpu.memory_space<vmem>>) semaphore(%arg18 : memref<!tpu.dma_semaphore, #tpu.memory_space<semaphore_mem>>) {add = true}
    %dma_wait3A_109 = arith.constant 0 : i32
    %dma_wait3A_110 = arith.constant 0 : i32
    %dma_wait3A_111 = tpu.memref_slice %arg14[%dma_wait3A_109, %dma_wait3A_110] : memref<10240x128xf32, #tpu.memory_space<vmem_shared>> -> memref<10240x128xf32, #tpu.memory_space<vmem_shared>>
    tpu.wait_indirect_dma semaphore(%arg17 : memref<!tpu.dma_semaphore, #tpu.memory_space<semaphore_mem>>) src(%arg12 : memref<128x128xf32, #tpu.memory_space<vmem>>) dst(%dma_wait3A_111 : memref<10240x128xf32, #tpu.memory_space<vmem_shared>>)
    %dma_wait3A_112 = arith.constant 0 : i32
    %dma_wait3A_113 = arith.constant 0 : i32
    %dma_wait3A_114 = tpu.memref_slice %arg14[%dma_wait3A_112, %dma_wait3A_113] : memref<10240x128xf32, #tpu.memory_space<vmem_shared>> -> memref<10240x128xf32, #tpu.memory_space<vmem_shared>>
    tpu.wait_indirect_dma semaphore(%arg18 : memref<!tpu.dma_semaphore, #tpu.memory_space<semaphore_mem>>) src(%arg13 : memref<128x128xf32, #tpu.memory_space<vmem>>) dst(%dma_wait3A_114 : memref<10240x128xf32, #tpu.memory_space<vmem_shared>>)
    %add3A_115 = arith.constant 10240 : i32
    %add3A_116 = arith.addi %add3A, %add3A_115 : i32
    %multiple_of3A_117 = tpu.assume_multiple %add3A_116, 128 : i32
    %dma_wait3A_118 = tpu.memref_slice %arg3[%multiple_of3A_117] : memref<328192xi32, #tpu.memory_space<hbm>> -> memref<128xi32, #tpu.memory_space<hbm>>
    %dma_wait3A_119 = tpu.memref_slice %arg3[%multiple_of3A_117] : memref<328192xi32, #tpu.memory_space<hbm>> -> memref<128xi32, #tpu.memory_space<hbm>>
    tpu.wait_dma2 semaphore(%arg19 : memref<!tpu.dma_semaphore, #tpu.memory_space<semaphore_mem>>) src(%dma_wait3A_119 : memref<128xi32, #tpu.memory_space<hbm>>) dst(%arg6 : memref<128xi32, #tpu.memory_space<vmem>>)
    %add3A_120 = arith.constant 10240 : i32
    %add3A_121 = arith.addi %add3A, %add3A_120 : i32
    %multiple_of3A_122 = tpu.assume_multiple %add3A_121, 128 : i32
    %dma_wait3A_123 = tpu.memref_slice %arg4[%multiple_of3A_122] : memref<328192xi32, #tpu.memory_space<hbm>> -> memref<128xi32, #tpu.memory_space<hbm>>
    %dma_wait3A_124 = tpu.memref_slice %arg4[%multiple_of3A_122] : memref<328192xi32, #tpu.memory_space<hbm>> -> memref<128xi32, #tpu.memory_space<hbm>>
    tpu.wait_dma2 semaphore(%arg21 : memref<!tpu.dma_semaphore, #tpu.memory_space<semaphore_mem>>) src(%dma_wait3A_124 : memref<128xi32, #tpu.memory_space<hbm>>) dst(%arg8 : memref<128xi32, #tpu.memory_space<vmem>>)
    %add3A_125 = arith.constant 10368 : i32
    %add3A_126 = arith.addi %add3A, %add3A_125 : i32
    %multiple_of3A_127 = tpu.assume_multiple %add3A_126, 128 : i32
    %dma_wait3A_128 = tpu.memref_slice %arg4[%multiple_of3A_127] : memref<328192xi32, #tpu.memory_space<hbm>> -> memref<128xi32, #tpu.memory_space<hbm>>
    %dma_wait3A_129 = tpu.memref_slice %arg4[%multiple_of3A_127] : memref<328192xi32, #tpu.memory_space<hbm>> -> memref<128xi32, #tpu.memory_space<hbm>>
    tpu.wait_dma2 semaphore(%arg22 : memref<!tpu.dma_semaphore, #tpu.memory_space<semaphore_mem>>) src(%dma_wait3A_129 : memref<128xi32, #tpu.memory_space<hbm>>) dst(%arg9 : memref<128xi32, #tpu.memory_space<vmem>>)
    %barrier3A_130 = arith.constant 0 : index
    tpu.barrier barrier_id(%barrier3A_130)
    %mul3A_131 = arith.constant 640 : i32
    %mul3A_132 = arith.muli %arg1, %mul3A_131 : i32
    %mul3A_133 = arith.constant 640 : i32
    %mul3A_134 = arith.muli %arg1, %mul3A_133 : i32
    "tpu.region"() ({
      %run_scoped3A = tpu.sem_alloc : memref<!tpu.dma_semaphore, #tpu.memory_space<semaphore_mem>>
      %dma_start3A_135 = arith.constant 0 : i32
      %dma_start3A_136 = tpu.memref_slice %arg5[%arg0, %mul3A_134, %dma_start3A_135] : memref<2x10240x128xf32, #tpu.memory_space<hbm>> -> memref<1x640x128xf32, #tpu.memory_space<hbm>>
      %dma_start3A_137 = tpu.memref_squeeze %dma_start3A_136 : memref<1x640x128xf32, #tpu.memory_space<hbm>> -> memref<640x128xf32, #tpu.memory_space<hbm>>
      %dma_start3A_138 = arith.constant 0 : i32
      %dma_start3A_139 = tpu.memref_slice %arg14[%mul3A_132, %dma_start3A_138] : memref<10240x128xf32, #tpu.memory_space<vmem_shared>> -> memref<640x128xf32, #tpu.memory_space<vmem_shared>>
      tpu.enqueue_dma source(%dma_start3A_139 : memref<640x128xf32, #tpu.memory_space<vmem_shared>>) target(%dma_start3A_137 : memref<640x128xf32, #tpu.memory_space<hbm>>) target_semaphore(%run_scoped3A : memref<!tpu.dma_semaphore, #tpu.memory_space<semaphore_mem>>)
      %dma_wait3A_140 = arith.constant 0 : i32
      %dma_wait3A_141 = tpu.memref_slice %arg5[%arg0, %mul3A_134, %dma_wait3A_140] : memref<2x10240x128xf32, #tpu.memory_space<hbm>> -> memref<1x640x128xf32, #tpu.memory_space<hbm>>
      %dma_wait3A_142 = tpu.memref_squeeze %dma_wait3A_141 : memref<1x640x128xf32, #tpu.memory_space<hbm>> -> memref<640x128xf32, #tpu.memory_space<hbm>>
      %dma_wait3A_143 = arith.constant 0 : i32
      %dma_wait3A_144 = tpu.memref_slice %arg14[%mul3A_132, %dma_wait3A_143] : memref<10240x128xf32, #tpu.memory_space<vmem_shared>> -> memref<640x128xf32, #tpu.memory_space<vmem_shared>>
      tpu.wait_dma2 semaphore(%run_scoped3A : memref<!tpu.dma_semaphore, #tpu.memory_space<semaphore_mem>>) src(%dma_wait3A_144 : memref<640x128xf32, #tpu.memory_space<vmem_shared>>) dst(%dma_wait3A_142 : memref<640x128xf32, #tpu.memory_space<hbm>>)
      tpu.yield
    }) : () -> ()
    return
  }
}

#map = affine_map<(d0, d1) -> (0)>
#map1 = affine_map<(d0, d1) -> (0, 0, 0)>
module attributes {stable_mosaic.version = 14 : i64} {
  func.func @deg_kernel(%arg0: i32, %arg1: i32, %arg2: memref<328192xi32, #tpu.memory_space<hbm>>, %arg3: memref<2x80x128xf32, #tpu.memory_space<hbm>>, %arg4: memref<128xi32, #tpu.memory_space<vmem>>, %arg5: memref<80x128xf32, #tpu.memory_space<vmem>>, %arg6: memref<80xi32, #tpu.memory_space<vmem>>, %arg7: memref<80x128xf32, #tpu.memory_space<vmem_shared>>, %arg8: memref<!tpu.dma_semaphore, #tpu.memory_space<semaphore_mem>>) attributes {dimension_semantics = [#tpu.dimension_semantics<core_parallel>, #tpu.dimension_semantics<subcore_parallel>], iteration_bounds = array<i64: 2, 16>, scalar_prefetch = 0 : i64, scratch_operands = 5 : i64, tpu.core_type = #tpu.core_type<sc_vector_subcore>, window_params = [{transform_indices = #map}, {transform_indices = #map1}]} {
    %scan3A = arith.constant 0 : i32
    %scan3A_0 = arith.constant 80 : i32
    %scan3A_1 = arith.addi %scan3A, %scan3A_0 : i32
    %scan3A_2 = arith.constant 1 : i32
    scf.for %scan3A_28 = %scan3A to %scan3A_1 step %scan3A_2  : i32 {
      %broadcast_in_dim3A = arith.constant 0.000000e+00 : f32
      %broadcast_in_dim3A_29 = vector.broadcast %broadcast_in_dim3A : f32 to vector<16xf32>
      %swap3A = arith.index_cast %scan3A_28 : i32 to index
      %swap3A_30 = arith.constant 0 : index
      %swap3A_31 = tpu.vector_load %arg5[%swap3A, %swap3A_30] {strides = array<i32>} : memref<80x128xf32, #tpu.memory_space<vmem>>, vector<16xf32>,
      tpu.vector_store %arg5[%swap3A, %swap3A_30], %broadcast_in_dim3A_29 {strides = array<i32>} : memref<80x128xf32, #tpu.memory_space<vmem>>, vector<16xf32>,
      %broadcast_in_dim3A_32 = arith.constant 0.000000e+00 : f32
      %broadcast_in_dim3A_33 = vector.broadcast %broadcast_in_dim3A_32 : f32 to vector<16xf32>
      %swap3A_34 = arith.index_cast %scan3A_28 : i32 to index
      %swap3A_35 = arith.constant 16 : index
      %swap3A_36 = tpu.vector_load %arg5[%swap3A_34, %swap3A_35] {strides = array<i32>} : memref<80x128xf32, #tpu.memory_space<vmem>>, vector<16xf32>,
      tpu.vector_store %arg5[%swap3A_34, %swap3A_35], %broadcast_in_dim3A_33 {strides = array<i32>} : memref<80x128xf32, #tpu.memory_space<vmem>>, vector<16xf32>,
      %broadcast_in_dim3A_37 = arith.constant 0.000000e+00 : f32
      %broadcast_in_dim3A_38 = vector.broadcast %broadcast_in_dim3A_37 : f32 to vector<16xf32>
      %swap3A_39 = arith.index_cast %scan3A_28 : i32 to index
      %swap3A_40 = arith.constant 32 : index
      %swap3A_41 = tpu.vector_load %arg5[%swap3A_39, %swap3A_40] {strides = array<i32>} : memref<80x128xf32, #tpu.memory_space<vmem>>, vector<16xf32>,
      tpu.vector_store %arg5[%swap3A_39, %swap3A_40], %broadcast_in_dim3A_38 {strides = array<i32>} : memref<80x128xf32, #tpu.memory_space<vmem>>, vector<16xf32>,
      %broadcast_in_dim3A_42 = arith.constant 0.000000e+00 : f32
      %broadcast_in_dim3A_43 = vector.broadcast %broadcast_in_dim3A_42 : f32 to vector<16xf32>
      %swap3A_44 = arith.index_cast %scan3A_28 : i32 to index
      %swap3A_45 = arith.constant 48 : index
      %swap3A_46 = tpu.vector_load %arg5[%swap3A_44, %swap3A_45] {strides = array<i32>} : memref<80x128xf32, #tpu.memory_space<vmem>>, vector<16xf32>,
      tpu.vector_store %arg5[%swap3A_44, %swap3A_45], %broadcast_in_dim3A_43 {strides = array<i32>} : memref<80x128xf32, #tpu.memory_space<vmem>>, vector<16xf32>,
      %broadcast_in_dim3A_47 = arith.constant 0.000000e+00 : f32
      %broadcast_in_dim3A_48 = vector.broadcast %broadcast_in_dim3A_47 : f32 to vector<16xf32>
      %swap3A_49 = arith.index_cast %scan3A_28 : i32 to index
      %swap3A_50 = arith.constant 64 : index
      %swap3A_51 = tpu.vector_load %arg5[%swap3A_49, %swap3A_50] {strides = array<i32>} : memref<80x128xf32, #tpu.memory_space<vmem>>, vector<16xf32>,
      tpu.vector_store %arg5[%swap3A_49, %swap3A_50], %broadcast_in_dim3A_48 {strides = array<i32>} : memref<80x128xf32, #tpu.memory_space<vmem>>, vector<16xf32>,
      %broadcast_in_dim3A_52 = arith.constant 0.000000e+00 : f32
      %broadcast_in_dim3A_53 = vector.broadcast %broadcast_in_dim3A_52 : f32 to vector<16xf32>
      %swap3A_54 = arith.index_cast %scan3A_28 : i32 to index
      %swap3A_55 = arith.constant 80 : index
      %swap3A_56 = tpu.vector_load %arg5[%swap3A_54, %swap3A_55] {strides = array<i32>} : memref<80x128xf32, #tpu.memory_space<vmem>>, vector<16xf32>,
      tpu.vector_store %arg5[%swap3A_54, %swap3A_55], %broadcast_in_dim3A_53 {strides = array<i32>} : memref<80x128xf32, #tpu.memory_space<vmem>>, vector<16xf32>,
      %broadcast_in_dim3A_57 = arith.constant 0.000000e+00 : f32
      %broadcast_in_dim3A_58 = vector.broadcast %broadcast_in_dim3A_57 : f32 to vector<16xf32>
      %swap3A_59 = arith.index_cast %scan3A_28 : i32 to index
      %swap3A_60 = arith.constant 96 : index
      %swap3A_61 = tpu.vector_load %arg5[%swap3A_59, %swap3A_60] {strides = array<i32>} : memref<80x128xf32, #tpu.memory_space<vmem>>, vector<16xf32>,
      tpu.vector_store %arg5[%swap3A_59, %swap3A_60], %broadcast_in_dim3A_58 {strides = array<i32>} : memref<80x128xf32, #tpu.memory_space<vmem>>, vector<16xf32>,
      %broadcast_in_dim3A_62 = arith.constant 0.000000e+00 : f32
      %broadcast_in_dim3A_63 = vector.broadcast %broadcast_in_dim3A_62 : f32 to vector<16xf32>
      %swap3A_64 = arith.index_cast %scan3A_28 : i32 to index
      %swap3A_65 = arith.constant 112 : index
      %swap3A_66 = tpu.vector_load %arg5[%swap3A_64, %swap3A_65] {strides = array<i32>} : memref<80x128xf32, #tpu.memory_space<vmem>>, vector<16xf32>,
      tpu.vector_store %arg5[%swap3A_64, %swap3A_65], %broadcast_in_dim3A_63 {strides = array<i32>} : memref<80x128xf32, #tpu.memory_space<vmem>>, vector<16xf32>,
    }
    %scan3A_3 = arith.constant 80 : i32
    %scan3A_4 = arith.constant 0 : i32
    %scan3A_5 = arith.constant 5 : i32
    %scan3A_6 = arith.addi %scan3A_4, %scan3A_5 : i32
    %scan3A_7 = arith.constant 1 : i32
    scf.for %scan3A_28 = %scan3A_4 to %scan3A_6 step %scan3A_7  : i32 {
      %iota3A = tpu.iota {dimensions = array<i32: 0>} : vector<16xi32>
      %mul3A_29 = arith.constant 16 : i32
      %mul3A_30 = arith.muli %scan3A_28, %mul3A_29 : i32
      %add3A_31 = vector.broadcast %mul3A_30 : i32 to vector<16xi32>
      %add3A_32 = arith.addi %iota3A, %add3A_31 : vector<16xi32>
      %mul3A_33 = arith.constant 16 : i32
      %mul3A_34 = arith.muli %scan3A_28, %mul3A_33 : i32
      %swap3A = arith.index_cast %mul3A_34 : i32 to index
      %swap3A_35 = tpu.vector_load %arg6[%swap3A] {strides = array<i32>} : memref<80xi32, #tpu.memory_space<vmem>>, vector<16xi32>,
      tpu.vector_store %arg6[%swap3A], %add3A_32 {strides = array<i32>} : memref<80xi32, #tpu.memory_space<vmem>>, vector<16xi32>,
    }
    %scan3A_8 = arith.constant 5 : i32
    %eq3A = arith.constant 0 : i32
    %eq3A_9 = arith.cmpi eq, %arg1, %eq3A : i32
    %convert_element_type3A = arith.extui %eq3A_9 : i1 to i32
    %cond3A = arith.constant 0 : i32
    %cond3A_10 = arith.cmpi ne, %convert_element_type3A, %cond3A : i32
    scf.if %cond3A_10 {
      "tpu.region"() ({
        %run_scoped3A = tpu.sem_alloc : memref<!tpu.dma_semaphore, #tpu.memory_space<semaphore_mem>>
        tpu.enqueue_dma source(%arg5 : memref<80x128xf32, #tpu.memory_space<vmem>>) target(%arg7 : memref<80x128xf32, #tpu.memory_space<vmem_shared>>) target_semaphore(%run_scoped3A : memref<!tpu.dma_semaphore, #tpu.memory_space<semaphore_mem>>)
        tpu.wait_dma2 semaphore(%run_scoped3A : memref<!tpu.dma_semaphore, #tpu.memory_space<semaphore_mem>>) src(%arg5 : memref<80x128xf32, #tpu.memory_space<vmem>>) dst(%arg7 : memref<80x128xf32, #tpu.memory_space<vmem_shared>>)
        tpu.yield
      }) : () -> ()
    } else {
    }
    %barrier3A = arith.constant 0 : index
    tpu.barrier barrier_id(%barrier3A)
    %mul3A = arith.constant 163840 : i32
    %mul3A_11 = arith.muli %arg0, %mul3A : i32
    %mul3A_12 = arith.constant 10240 : i32
    %mul3A_13 = arith.muli %arg1, %mul3A_12 : i32
    %add3A = arith.addi %mul3A_11, %mul3A_13 : i32
    %scan3A_14 = arith.constant 0 : i32
    %scan3A_15 = arith.constant 80 : i32
    %scan3A_16 = arith.addi %scan3A_14, %scan3A_15 : i32
    %scan3A_17 = arith.constant 1 : i32
    scf.for %scan3A_28 = %scan3A_14 to %scan3A_16 step %scan3A_17  : i32 {
      %mul3A_29 = arith.constant 128 : i32
      %mul3A_30 = arith.muli %scan3A_28, %mul3A_29 : i32
      %add3A_31 = arith.addi %add3A, %mul3A_30 : i32
      "tpu.region"() ({
        %run_scoped3A = tpu.sem_alloc : memref<!tpu.dma_semaphore, #tpu.memory_space<semaphore_mem>>
        %dma_start3A_108 = tpu.memref_slice %arg2[%add3A_31] : memref<328192xi32, #tpu.memory_space<hbm>> -> memref<128xi32, #tpu.memory_space<hbm>>
        %dma_start3A_109 = tpu.memref_slice %arg2[%add3A_31] : memref<328192xi32, #tpu.memory_space<hbm>> -> memref<128xi32, #tpu.memory_space<hbm>>
        tpu.enqueue_dma source(%dma_start3A_109 : memref<128xi32, #tpu.memory_space<hbm>>) target(%arg4 : memref<128xi32, #tpu.memory_space<vmem>>) target_semaphore(%run_scoped3A : memref<!tpu.dma_semaphore, #tpu.memory_space<semaphore_mem>>)
        %dma_wait3A_110 = tpu.memref_slice %arg2[%add3A_31] : memref<328192xi32, #tpu.memory_space<hbm>> -> memref<128xi32, #tpu.memory_space<hbm>>
        %dma_wait3A_111 = tpu.memref_slice %arg2[%add3A_31] : memref<328192xi32, #tpu.memory_space<hbm>> -> memref<128xi32, #tpu.memory_space<hbm>>
        tpu.wait_dma2 semaphore(%run_scoped3A : memref<!tpu.dma_semaphore, #tpu.memory_space<semaphore_mem>>) src(%dma_wait3A_111 : memref<128xi32, #tpu.memory_space<hbm>>) dst(%arg4 : memref<128xi32, #tpu.memory_space<vmem>>)
        tpu.yield
      }) : () -> ()
      %get3A = arith.constant 0 : index
      %get3A_32 = tpu.vector_load %arg4[%get3A] {strides = array<i32>} : memref<128xi32, #tpu.memory_space<vmem>>, vector<16xi32>,
      %shift_right_logical3A = arith.constant 7 : i32
      %shift_right_logical3A_33 = vector.broadcast %shift_right_logical3A : i32 to vector<16xi32>
      %shift_right_logical3A_34 = arith.shrui %get3A_32, %shift_right_logical3A_33 : vector<16xi32>
      %and3A = arith.constant 127 : i32
      %and3A_35 = vector.broadcast %and3A : i32 to vector<16xi32>
      %and3A_36 = arith.andi %get3A_32, %and3A_35 : vector<16xi32>
      %broadcast_in_dim3A = arith.constant 1.000000e+00 : f32
      %broadcast_in_dim3A_37 = vector.broadcast %broadcast_in_dim3A : f32 to vector<16xf32>
      tpu.vector_store_idx %arg5[%shift_right_logical3A_34, %and3A_36], %broadcast_in_dim3A_37 {add = true} : memref<80x128xf32, #tpu.memory_space<vmem>>[vector<16xi32>, vector<16xi32>], vector<16xf32>,
      %get3A_38 = arith.constant 16 : index
      %get3A_39 = tpu.vector_load %arg4[%get3A_38] {strides = array<i32>} : memref<128xi32, #tpu.memory_space<vmem>>, vector<16xi32>,
      %shift_right_logical3A_40 = arith.constant 7 : i32
      %shift_right_logical3A_41 = vector.broadcast %shift_right_logical3A_40 : i32 to vector<16xi32>
      %shift_right_logical3A_42 = arith.shrui %get3A_39, %shift_right_logical3A_41 : vector<16xi32>
      %and3A_43 = arith.constant 127 : i32
      %and3A_44 = vector.broadcast %and3A_43 : i32 to vector<16xi32>
      %and3A_45 = arith.andi %get3A_39, %and3A_44 : vector<16xi32>
      %broadcast_in_dim3A_46 = arith.constant 1.000000e+00 : f32
      %broadcast_in_dim3A_47 = vector.broadcast %broadcast_in_dim3A_46 : f32 to vector<16xf32>
      tpu.vector_store_idx %arg5[%shift_right_logical3A_42, %and3A_45], %broadcast_in_dim3A_47 {add = true} : memref<80x128xf32, #tpu.memory_space<vmem>>[vector<16xi32>, vector<16xi32>], vector<16xf32>,
      %get3A_48 = arith.constant 32 : index
      %get3A_49 = tpu.vector_load %arg4[%get3A_48] {strides = array<i32>} : memref<128xi32, #tpu.memory_space<vmem>>, vector<16xi32>,
      %shift_right_logical3A_50 = arith.constant 7 : i32
      %shift_right_logical3A_51 = vector.broadcast %shift_right_logical3A_50 : i32 to vector<16xi32>
      %shift_right_logical3A_52 = arith.shrui %get3A_49, %shift_right_logical3A_51 : vector<16xi32>
      %and3A_53 = arith.constant 127 : i32
      %and3A_54 = vector.broadcast %and3A_53 : i32 to vector<16xi32>
      %and3A_55 = arith.andi %get3A_49, %and3A_54 : vector<16xi32>
      %broadcast_in_dim3A_56 = arith.constant 1.000000e+00 : f32
      %broadcast_in_dim3A_57 = vector.broadcast %broadcast_in_dim3A_56 : f32 to vector<16xf32>
      tpu.vector_store_idx %arg5[%shift_right_logical3A_52, %and3A_55], %broadcast_in_dim3A_57 {add = true} : memref<80x128xf32, #tpu.memory_space<vmem>>[vector<16xi32>, vector<16xi32>], vector<16xf32>,
      %get3A_58 = arith.constant 48 : index
      %get3A_59 = tpu.vector_load %arg4[%get3A_58] {strides = array<i32>} : memref<128xi32, #tpu.memory_space<vmem>>, vector<16xi32>,
      %shift_right_logical3A_60 = arith.constant 7 : i32
      %shift_right_logical3A_61 = vector.broadcast %shift_right_logical3A_60 : i32 to vector<16xi32>
      %shift_right_logical3A_62 = arith.shrui %get3A_59, %shift_right_logical3A_61 : vector<16xi32>
      %and3A_63 = arith.constant 127 : i32
      %and3A_64 = vector.broadcast %and3A_63 : i32 to vector<16xi32>
      %and3A_65 = arith.andi %get3A_59, %and3A_64 : vector<16xi32>
      %broadcast_in_dim3A_66 = arith.constant 1.000000e+00 : f32
      %broadcast_in_dim3A_67 = vector.broadcast %broadcast_in_dim3A_66 : f32 to vector<16xf32>
      tpu.vector_store_idx %arg5[%shift_right_logical3A_62, %and3A_65], %broadcast_in_dim3A_67 {add = true} : memref<80x128xf32, #tpu.memory_space<vmem>>[vector<16xi32>, vector<16xi32>], vector<16xf32>,
      %get3A_68 = arith.constant 64 : index
      %get3A_69 = tpu.vector_load %arg4[%get3A_68] {strides = array<i32>} : memref<128xi32, #tpu.memory_space<vmem>>, vector<16xi32>,
      %shift_right_logical3A_70 = arith.constant 7 : i32
      %shift_right_logical3A_71 = vector.broadcast %shift_right_logical3A_70 : i32 to vector<16xi32>
      %shift_right_logical3A_72 = arith.shrui %get3A_69, %shift_right_logical3A_71 : vector<16xi32>
      %and3A_73 = arith.constant 127 : i32
      %and3A_74 = vector.broadcast %and3A_73 : i32 to vector<16xi32>
      %and3A_75 = arith.andi %get3A_69, %and3A_74 : vector<16xi32>
      %broadcast_in_dim3A_76 = arith.constant 1.000000e+00 : f32
      %broadcast_in_dim3A_77 = vector.broadcast %broadcast_in_dim3A_76 : f32 to vector<16xf32>
      tpu.vector_store_idx %arg5[%shift_right_logical3A_72, %and3A_75], %broadcast_in_dim3A_77 {add = true} : memref<80x128xf32, #tpu.memory_space<vmem>>[vector<16xi32>, vector<16xi32>], vector<16xf32>,
      %get3A_78 = arith.constant 80 : index
      %get3A_79 = tpu.vector_load %arg4[%get3A_78] {strides = array<i32>} : memref<128xi32, #tpu.memory_space<vmem>>, vector<16xi32>,
      %shift_right_logical3A_80 = arith.constant 7 : i32
      %shift_right_logical3A_81 = vector.broadcast %shift_right_logical3A_80 : i32 to vector<16xi32>
      %shift_right_logical3A_82 = arith.shrui %get3A_79, %shift_right_logical3A_81 : vector<16xi32>
      %and3A_83 = arith.constant 127 : i32
      %and3A_84 = vector.broadcast %and3A_83 : i32 to vector<16xi32>
      %and3A_85 = arith.andi %get3A_79, %and3A_84 : vector<16xi32>
      %broadcast_in_dim3A_86 = arith.constant 1.000000e+00 : f32
      %broadcast_in_dim3A_87 = vector.broadcast %broadcast_in_dim3A_86 : f32 to vector<16xf32>
      tpu.vector_store_idx %arg5[%shift_right_logical3A_82, %and3A_85], %broadcast_in_dim3A_87 {add = true} : memref<80x128xf32, #tpu.memory_space<vmem>>[vector<16xi32>, vector<16xi32>], vector<16xf32>,
      %get3A_88 = arith.constant 96 : index
      %get3A_89 = tpu.vector_load %arg4[%get3A_88] {strides = array<i32>} : memref<128xi32, #tpu.memory_space<vmem>>, vector<16xi32>,
      %shift_right_logical3A_90 = arith.constant 7 : i32
      %shift_right_logical3A_91 = vector.broadcast %shift_right_logical3A_90 : i32 to vector<16xi32>
      %shift_right_logical3A_92 = arith.shrui %get3A_89, %shift_right_logical3A_91 : vector<16xi32>
      %and3A_93 = arith.constant 127 : i32
      %and3A_94 = vector.broadcast %and3A_93 : i32 to vector<16xi32>
      %and3A_95 = arith.andi %get3A_89, %and3A_94 : vector<16xi32>
      %broadcast_in_dim3A_96 = arith.constant 1.000000e+00 : f32
      %broadcast_in_dim3A_97 = vector.broadcast %broadcast_in_dim3A_96 : f32 to vector<16xf32>
      tpu.vector_store_idx %arg5[%shift_right_logical3A_92, %and3A_95], %broadcast_in_dim3A_97 {add = true} : memref<80x128xf32, #tpu.memory_space<vmem>>[vector<16xi32>, vector<16xi32>], vector<16xf32>,
      %get3A_98 = arith.constant 112 : index
      %get3A_99 = tpu.vector_load %arg4[%get3A_98] {strides = array<i32>} : memref<128xi32, #tpu.memory_space<vmem>>, vector<16xi32>,
      %shift_right_logical3A_100 = arith.constant 7 : i32
      %shift_right_logical3A_101 = vector.broadcast %shift_right_logical3A_100 : i32 to vector<16xi32>
      %shift_right_logical3A_102 = arith.shrui %get3A_99, %shift_right_logical3A_101 : vector<16xi32>
      %and3A_103 = arith.constant 127 : i32
      %and3A_104 = vector.broadcast %and3A_103 : i32 to vector<16xi32>
      %and3A_105 = arith.andi %get3A_99, %and3A_104 : vector<16xi32>
      %broadcast_in_dim3A_106 = arith.constant 1.000000e+00 : f32
      %broadcast_in_dim3A_107 = vector.broadcast %broadcast_in_dim3A_106 : f32 to vector<16xf32>
      tpu.vector_store_idx %arg5[%shift_right_logical3A_102, %and3A_105], %broadcast_in_dim3A_107 {add = true} : memref<80x128xf32, #tpu.memory_space<vmem>>[vector<16xi32>, vector<16xi32>], vector<16xf32>,
    }
    %scan3A_18 = arith.constant 80 : i32
    %dma_start3A = arith.constant 0 : i32
    %dma_start3A_19 = arith.constant 0 : i32
    %dma_start3A_20 = tpu.memref_slice %arg7[%dma_start3A, %dma_start3A_19] : memref<80x128xf32, #tpu.memory_space<vmem_shared>> -> memref<80x128xf32, #tpu.memory_space<vmem_shared>>
    tpu.enqueue_indirect_dma source(%arg5 : memref<80x128xf32, #tpu.memory_space<vmem>>) target(%dma_start3A_20 : memref<80x128xf32, #tpu.memory_space<vmem_shared>>) offsets(%arg6 : memref<80xi32, #tpu.memory_space<vmem>>) semaphore(%arg8 : memref<!tpu.dma_semaphore, #tpu.memory_space<semaphore_mem>>) {add = true}
    %dma_wait3A = arith.constant 0 : i32
    %dma_wait3A_21 = arith.constant 0 : i32
    %dma_wait3A_22 = tpu.memref_slice %arg7[%dma_wait3A, %dma_wait3A_21] : memref<80x128xf32, #tpu.memory_space<vmem_shared>> -> memref<80x128xf32, #tpu.memory_space<vmem_shared>>
    tpu.wait_indirect_dma semaphore(%arg8 : memref<!tpu.dma_semaphore, #tpu.memory_space<semaphore_mem>>) src(%arg5 : memref<80x128xf32, #tpu.memory_space<vmem>>) dst(%dma_wait3A_22 : memref<80x128xf32, #tpu.memory_space<vmem_shared>>)
    %barrier3A_23 = arith.constant 0 : index
    tpu.barrier barrier_id(%barrier3A_23)
    %lt3A = arith.constant 10 : i32
    %lt3A_24 = arith.cmpi slt, %arg1, %lt3A : i32
    %convert_element_type3A_25 = arith.extui %lt3A_24 : i1 to i32
    %cond3A_26 = arith.constant 0 : i32
    %cond3A_27 = arith.cmpi ne, %convert_element_type3A_25, %cond3A_26 : i32
    scf.if %cond3A_27 {
      %mul3A_28 = arith.constant 8 : i32
      %mul3A_29 = arith.muli %arg1, %mul3A_28 : i32
      %mul3A_30 = arith.constant 8 : i32
      %mul3A_31 = arith.muli %arg1, %mul3A_30 : i32
      "tpu.region"() ({
        %run_scoped3A = tpu.sem_alloc : memref<!tpu.dma_semaphore, #tpu.memory_space<semaphore_mem>>
        %dma_start3A_32 = arith.constant 0 : i32
        %dma_start3A_33 = tpu.memref_slice %arg3[%arg0, %mul3A_31, %dma_start3A_32] : memref<2x80x128xf32, #tpu.memory_space<hbm>> -> memref<1x8x128xf32, #tpu.memory_space<hbm>>
        %dma_start3A_34 = tpu.memref_squeeze %dma_start3A_33 : memref<1x8x128xf32, #tpu.memory_space<hbm>> -> memref<8x128xf32, #tpu.memory_space<hbm>>
        %dma_start3A_35 = arith.constant 0 : i32
        %dma_start3A_36 = tpu.memref_slice %arg7[%mul3A_29, %dma_start3A_35] : memref<80x128xf32, #tpu.memory_space<vmem_shared>> -> memref<8x128xf32, #tpu.memory_space<vmem_shared>>
        tpu.enqueue_dma source(%dma_start3A_36 : memref<8x128xf32, #tpu.memory_space<vmem_shared>>) target(%dma_start3A_34 : memref<8x128xf32, #tpu.memory_space<hbm>>) target_semaphore(%run_scoped3A : memref<!tpu.dma_semaphore, #tpu.memory_space<semaphore_mem>>)
        %dma_wait3A_37 = arith.constant 0 : i32
        %dma_wait3A_38 = tpu.memref_slice %arg3[%arg0, %mul3A_31, %dma_wait3A_37] : memref<2x80x128xf32, #tpu.memory_space<hbm>> -> memref<1x8x128xf32, #tpu.memory_space<hbm>>
        %dma_wait3A_39 = tpu.memref_squeeze %dma_wait3A_38 : memref<1x8x128xf32, #tpu.memory_space<hbm>> -> memref<8x128xf32, #tpu.memory_space<hbm>>
        %dma_wait3A_40 = arith.constant 0 : i32
        %dma_wait3A_41 = tpu.memref_slice %arg7[%mul3A_29, %dma_wait3A_40] : memref<80x128xf32, #tpu.memory_space<vmem_shared>> -> memref<8x128xf32, #tpu.memory_space<vmem_shared>>
        tpu.wait_dma2 semaphore(%run_scoped3A : memref<!tpu.dma_semaphore, #tpu.memory_space<semaphore_mem>>) src(%dma_wait3A_41 : memref<8x128xf32, #tpu.memory_space<vmem_shared>>) dst(%dma_wait3A_39 : memref<8x128xf32, #tpu.memory_space<hbm>>)
        tpu.yield
      }) : () -> ()
    } else {
    }
    return
  }
}

#map = affine_map<(d0, d1) -> (0, 0)>
#map1 = affine_map<(d0, d1) -> (0)>
#map2 = affine_map<(d0, d1) -> (0, 0, 0)>
module attributes {stable_mosaic.version = 14 : i64} {
  func.func @prop_kernel(%arg0: i32, %arg1: i32, %arg2: memref<10000x128xf32, #tpu.memory_space<hbm>>, %arg3: memref<328192xi32, #tpu.memory_space<hbm>>, %arg4: memref<328192xi32, #tpu.memory_space<hbm>>, %arg5: memref<2x10240x128xf32, #tpu.memory_space<hbm>>, %arg6: memref<128xi32, #tpu.memory_space<vmem>>, %arg7: memref<128xi32, #tpu.memory_space<vmem>>, %arg8: memref<128xi32, #tpu.memory_space<vmem>>, %arg9: memref<128xi32, #tpu.memory_space<vmem>>, %arg10: memref<128xi32, #tpu.memory_space<vmem>>, %arg11: memref<128xi32, #tpu.memory_space<vmem>>, %arg12: memref<128x128xf32, #tpu.memory_space<vmem>>, %arg13: memref<128x128xf32, #tpu.memory_space<vmem>>, %arg14: memref<10240x128xf32, #tpu.memory_space<vmem_shared>>, %arg15: memref<!tpu.dma_semaphore, #tpu.memory_space<semaphore_mem>>, %arg16: memref<!tpu.dma_semaphore, #tpu.memory_space<semaphore_mem>>, %arg17: memref<!tpu.dma_semaphore, #tpu.memory_space<semaphore_mem>>, %arg18: memref<!tpu.dma_semaphore, #tpu.memory_space<semaphore_mem>>, %arg19: memref<!tpu.dma_semaphore, #tpu.memory_space<semaphore_mem>>, %arg20: memref<!tpu.dma_semaphore, #tpu.memory_space<semaphore_mem>>, %arg21: memref<!tpu.dma_semaphore, #tpu.memory_space<semaphore_mem>>, %arg22: memref<!tpu.dma_semaphore, #tpu.memory_space<semaphore_mem>>, %arg23: memref<!tpu.dma_semaphore, #tpu.memory_space<semaphore_mem>>, %arg24: memref<!tpu.dma_semaphore, #tpu.memory_space<semaphore_mem>>) attributes {dimension_semantics = [#tpu.dimension_semantics<core_parallel>, #tpu.dimension_semantics<subcore_parallel>], iteration_bounds = array<i64: 2, 16>, scalar_prefetch = 0 : i64, scratch_operands = 19 : i64, tpu.core_type = #tpu.core_type<sc_vector_subcore>, window_params = [{transform_indices = #map}, {transform_indices = #map1}, {transform_indices = #map1}, {transform_indices = #map2}]} {
    %mul3A = arith.constant 163840 : i32
    %mul3A_0 = arith.muli %arg0, %mul3A : i32
    %mul3A_1 = arith.constant 10240 : i32
    %mul3A_2 = arith.muli %arg1, %mul3A_1 : i32
    %add3A = arith.addi %mul3A_0, %mul3A_2 : i32
    %scan3A = arith.constant 0 : i32
    %scan3A_3 = arith.constant 128 : i32
    %scan3A_4 = arith.addi %scan3A, %scan3A_3 : i32
    %scan3A_5 = arith.constant 1 : i32
    scf.for %scan3A_135 = %scan3A to %scan3A_4 step %scan3A_5  : i32 {
      %broadcast_in_dim3A = arith.constant 0.000000e+00 : f32
      %broadcast_in_dim3A_136 = vector.broadcast %broadcast_in_dim3A : f32 to vector<16xf32>
      %swap3A = arith.index_cast %scan3A_135 : i32 to index
      %swap3A_137 = arith.constant 0 : index
      %swap3A_138 = tpu.vector_load %arg12[%swap3A, %swap3A_137] {strides = array<i32>} : memref<128x128xf32, #tpu.memory_space<vmem>>, vector<1x16xf32>,
      %swap3A_139 = vector.shape_cast %swap3A_138 : vector<1x16xf32> to vector<16xf32>
      %swap3A_140 = vector.shape_cast %broadcast_in_dim3A_136 : vector<16xf32> to vector<1x16xf32>
      tpu.vector_store %arg12[%swap3A, %swap3A_137], %swap3A_140 {strides = array<i32>} : memref<128x128xf32, #tpu.memory_space<vmem>>, vector<1x16xf32>,
      %broadcast_in_dim3A_141 = arith.constant 0.000000e+00 : f32
      %broadcast_in_dim3A_142 = vector.broadcast %broadcast_in_dim3A_141 : f32 to vector<16xf32>
      %swap3A_143 = arith.index_cast %scan3A_135 : i32 to index
      %swap3A_144 = arith.constant 16 : index
      %swap3A_145 = tpu.vector_load %arg12[%swap3A_143, %swap3A_144] {strides = array<i32>} : memref<128x128xf32, #tpu.memory_space<vmem>>, vector<1x16xf32>,
      %swap3A_146 = vector.shape_cast %swap3A_145 : vector<1x16xf32> to vector<16xf32>
      %swap3A_147 = vector.shape_cast %broadcast_in_dim3A_142 : vector<16xf32> to vector<1x16xf32>
      tpu.vector_store %arg12[%swap3A_143, %swap3A_144], %swap3A_147 {strides = array<i32>} : memref<128x128xf32, #tpu.memory_space<vmem>>, vector<1x16xf32>,
      %broadcast_in_dim3A_148 = arith.constant 0.000000e+00 : f32
      %broadcast_in_dim3A_149 = vector.broadcast %broadcast_in_dim3A_148 : f32 to vector<16xf32>
      %swap3A_150 = arith.index_cast %scan3A_135 : i32 to index
      %swap3A_151 = arith.constant 32 : index
      %swap3A_152 = tpu.vector_load %arg12[%swap3A_150, %swap3A_151] {strides = array<i32>} : memref<128x128xf32, #tpu.memory_space<vmem>>, vector<1x16xf32>,
      %swap3A_153 = vector.shape_cast %swap3A_152 : vector<1x16xf32> to vector<16xf32>
      %swap3A_154 = vector.shape_cast %broadcast_in_dim3A_149 : vector<16xf32> to vector<1x16xf32>
      tpu.vector_store %arg12[%swap3A_150, %swap3A_151], %swap3A_154 {strides = array<i32>} : memref<128x128xf32, #tpu.memory_space<vmem>>, vector<1x16xf32>,
      %broadcast_in_dim3A_155 = arith.constant 0.000000e+00 : f32
      %broadcast_in_dim3A_156 = vector.broadcast %broadcast_in_dim3A_155 : f32 to vector<16xf32>
      %swap3A_157 = arith.index_cast %scan3A_135 : i32 to index
      %swap3A_158 = arith.constant 48 : index
      %swap3A_159 = tpu.vector_load %arg12[%swap3A_157, %swap3A_158] {strides = array<i32>} : memref<128x128xf32, #tpu.memory_space<vmem>>, vector<1x16xf32>,
      %swap3A_160 = vector.shape_cast %swap3A_159 : vector<1x16xf32> to vector<16xf32>
      %swap3A_161 = vector.shape_cast %broadcast_in_dim3A_156 : vector<16xf32> to vector<1x16xf32>
      tpu.vector_store %arg12[%swap3A_157, %swap3A_158], %swap3A_161 {strides = array<i32>} : memref<128x128xf32, #tpu.memory_space<vmem>>, vector<1x16xf32>,
      %broadcast_in_dim3A_162 = arith.constant 0.000000e+00 : f32
      %broadcast_in_dim3A_163 = vector.broadcast %broadcast_in_dim3A_162 : f32 to vector<16xf32>
      %swap3A_164 = arith.index_cast %scan3A_135 : i32 to index
      %swap3A_165 = arith.constant 64 : index
      %swap3A_166 = tpu.vector_load %arg12[%swap3A_164, %swap3A_165] {strides = array<i32>} : memref<128x128xf32, #tpu.memory_space<vmem>>, vector<1x16xf32>,
      %swap3A_167 = vector.shape_cast %swap3A_166 : vector<1x16xf32> to vector<16xf32>
      %swap3A_168 = vector.shape_cast %broadcast_in_dim3A_163 : vector<16xf32> to vector<1x16xf32>
      tpu.vector_store %arg12[%swap3A_164, %swap3A_165], %swap3A_168 {strides = array<i32>} : memref<128x128xf32, #tpu.memory_space<vmem>>, vector<1x16xf32>,
      %broadcast_in_dim3A_169 = arith.constant 0.000000e+00 : f32
      %broadcast_in_dim3A_170 = vector.broadcast %broadcast_in_dim3A_169 : f32 to vector<16xf32>
      %swap3A_171 = arith.index_cast %scan3A_135 : i32 to index
      %swap3A_172 = arith.constant 80 : index
      %swap3A_173 = tpu.vector_load %arg12[%swap3A_171, %swap3A_172] {strides = array<i32>} : memref<128x128xf32, #tpu.memory_space<vmem>>, vector<1x16xf32>,
      %swap3A_174 = vector.shape_cast %swap3A_173 : vector<1x16xf32> to vector<16xf32>
      %swap3A_175 = vector.shape_cast %broadcast_in_dim3A_170 : vector<16xf32> to vector<1x16xf32>
      tpu.vector_store %arg12[%swap3A_171, %swap3A_172], %swap3A_175 {strides = array<i32>} : memref<128x128xf32, #tpu.memory_space<vmem>>, vector<1x16xf32>,
      %broadcast_in_dim3A_176 = arith.constant 0.000000e+00 : f32
      %broadcast_in_dim3A_177 = vector.broadcast %broadcast_in_dim3A_176 : f32 to vector<16xf32>
      %swap3A_178 = arith.index_cast %scan3A_135 : i32 to index
      %swap3A_179 = arith.constant 96 : index
      %swap3A_180 = tpu.vector_load %arg12[%swap3A_178, %swap3A_179] {strides = array<i32>} : memref<128x128xf32, #tpu.memory_space<vmem>>, vector<1x16xf32>,
      %swap3A_181 = vector.shape_cast %swap3A_180 : vector<1x16xf32> to vector<16xf32>
      %swap3A_182 = vector.shape_cast %broadcast_in_dim3A_177 : vector<16xf32> to vector<1x16xf32>
      tpu.vector_store %arg12[%swap3A_178, %swap3A_179], %swap3A_182 {strides = array<i32>} : memref<128x128xf32, #tpu.memory_space<vmem>>, vector<1x16xf32>,
      %broadcast_in_dim3A_183 = arith.constant 0.000000e+00 : f32
      %broadcast_in_dim3A_184 = vector.broadcast %broadcast_in_dim3A_183 : f32 to vector<16xf32>
      %swap3A_185 = arith.index_cast %scan3A_135 : i32 to index
      %swap3A_186 = arith.constant 112 : index
      %swap3A_187 = tpu.vector_load %arg12[%swap3A_185, %swap3A_186] {strides = array<i32>} : memref<128x128xf32, #tpu.memory_space<vmem>>, vector<1x16xf32>,
      %swap3A_188 = vector.shape_cast %swap3A_187 : vector<1x16xf32> to vector<16xf32>
      %swap3A_189 = vector.shape_cast %broadcast_in_dim3A_184 : vector<16xf32> to vector<1x16xf32>
      tpu.vector_store %arg12[%swap3A_185, %swap3A_186], %swap3A_189 {strides = array<i32>} : memref<128x128xf32, #tpu.memory_space<vmem>>, vector<1x16xf32>,
    }
    %scan3A_6 = arith.constant 128 : i32
    %scan3A_7 = arith.constant 0 : i32
    %scan3A_8 = arith.constant 5 : i32
    %scan3A_9 = arith.addi %scan3A_7, %scan3A_8 : i32
    %scan3A_10 = arith.constant 1 : i32
    scf.for %scan3A_135 = %scan3A_7 to %scan3A_9 step %scan3A_10  : i32 {
      %mul3A_136 = arith.constant 5 : i32
      %mul3A_137 = arith.muli %arg1, %mul3A_136 : i32
      %add3A_138 = arith.addi %mul3A_137, %scan3A_135 : i32
      %mul3A_139 = arith.constant 128 : i32
      %mul3A_140 = arith.muli %add3A_138, %mul3A_139 : i32
      "tpu.region"() ({
        %run_scoped3A = tpu.sem_alloc : memref<!tpu.dma_semaphore, #tpu.memory_space<semaphore_mem>>
        %dma_start3A_141 = arith.constant 0 : i32
        %dma_start3A_142 = tpu.memref_slice %arg14[%mul3A_140, %dma_start3A_141] : memref<10240x128xf32, #tpu.memory_space<vmem_shared>> -> memref<128x128xf32, #tpu.memory_space<vmem_shared>>
        %dma_start3A_143 = arith.constant 0 : i32
        %dma_start3A_144 = tpu.memref_slice %arg14[%mul3A_140, %dma_start3A_143] : memref<10240x128xf32, #tpu.memory_space<vmem_shared>> -> memref<128x128xf32, #tpu.memory_space<vmem_shared>>
        tpu.enqueue_dma source(%arg12 : memref<128x128xf32, #tpu.memory_space<vmem>>) target(%dma_start3A_144 : memref<128x128xf32, #tpu.memory_space<vmem_shared>>) target_semaphore(%run_scoped3A : memref<!tpu.dma_semaphore, #tpu.memory_space<semaphore_mem>>)
        %dma_wait3A_145 = arith.constant 0 : i32
        %dma_wait3A_146 = tpu.memref_slice %arg14[%mul3A_140, %dma_wait3A_145] : memref<10240x128xf32, #tpu.memory_space<vmem_shared>> -> memref<128x128xf32, #tpu.memory_space<vmem_shared>>
        %dma_wait3A_147 = arith.constant 0 : i32
        %dma_wait3A_148 = tpu.memref_slice %arg14[%mul3A_140, %dma_wait3A_147] : memref<10240x128xf32, #tpu.memory_space<vmem_shared>> -> memref<128x128xf32, #tpu.memory_space<vmem_shared>>
        tpu.wait_dma2 semaphore(%run_scoped3A : memref<!tpu.dma_semaphore, #tpu.memory_space<semaphore_mem>>) src(%arg12 : memref<128x128xf32, #tpu.memory_space<vmem>>) dst(%dma_wait3A_148 : memref<128x128xf32, #tpu.memory_space<vmem_shared>>)
        tpu.yield
      }) : () -> ()
    }
    %scan3A_11 = arith.constant 5 : i32
    %barrier3A = arith.constant 0 : index
    tpu.barrier barrier_id(%barrier3A)
    %add3A_12 = arith.constant 0 : i32
    %add3A_13 = arith.addi %add3A, %add3A_12 : i32
    %multiple_of3A = tpu.assume_multiple %add3A_13, 128 : i32
    "tpu.region"() ({
      %run_scoped3A = tpu.sem_alloc : memref<!tpu.dma_semaphore, #tpu.memory_space<semaphore_mem>>
      %dma_start3A_135 = tpu.memref_slice %arg3[%multiple_of3A] : memref<328192xi32, #tpu.memory_space<hbm>> -> memref<128xi32, #tpu.memory_space<hbm>>
      %dma_start3A_136 = tpu.memref_slice %arg3[%multiple_of3A] : memref<328192xi32, #tpu.memory_space<hbm>> -> memref<128xi32, #tpu.memory_space<hbm>>
      tpu.enqueue_dma source(%dma_start3A_136 : memref<128xi32, #tpu.memory_space<hbm>>) target(%arg6 : memref<128xi32, #tpu.memory_space<vmem>>) target_semaphore(%run_scoped3A : memref<!tpu.dma_semaphore, #tpu.memory_space<semaphore_mem>>)
      %dma_wait3A_137 = tpu.memref_slice %arg3[%multiple_of3A] : memref<328192xi32, #tpu.memory_space<hbm>> -> memref<128xi32, #tpu.memory_space<hbm>>
      %dma_wait3A_138 = tpu.memref_slice %arg3[%multiple_of3A] : memref<328192xi32, #tpu.memory_space<hbm>> -> memref<128xi32, #tpu.memory_space<hbm>>
      tpu.wait_dma2 semaphore(%run_scoped3A : memref<!tpu.dma_semaphore, #tpu.memory_space<semaphore_mem>>) src(%dma_wait3A_138 : memref<128xi32, #tpu.memory_space<hbm>>) dst(%arg6 : memref<128xi32, #tpu.memory_space<vmem>>)
      tpu.yield
    }) : () -> ()
    %add3A_14 = arith.constant 128 : i32
    %add3A_15 = arith.addi %add3A, %add3A_14 : i32
    %multiple_of3A_16 = tpu.assume_multiple %add3A_15, 128 : i32
    "tpu.region"() ({
      %run_scoped3A = tpu.sem_alloc : memref<!tpu.dma_semaphore, #tpu.memory_space<semaphore_mem>>
      %dma_start3A_135 = tpu.memref_slice %arg3[%multiple_of3A_16] : memref<328192xi32, #tpu.memory_space<hbm>> -> memref<128xi32, #tpu.memory_space<hbm>>
      %dma_start3A_136 = tpu.memref_slice %arg3[%multiple_of3A_16] : memref<328192xi32, #tpu.memory_space<hbm>> -> memref<128xi32, #tpu.memory_space<hbm>>
      tpu.enqueue_dma source(%dma_start3A_136 : memref<128xi32, #tpu.memory_space<hbm>>) target(%arg7 : memref<128xi32, #tpu.memory_space<vmem>>) target_semaphore(%run_scoped3A : memref<!tpu.dma_semaphore, #tpu.memory_space<semaphore_mem>>)
      %dma_wait3A_137 = tpu.memref_slice %arg3[%multiple_of3A_16] : memref<328192xi32, #tpu.memory_space<hbm>> -> memref<128xi32, #tpu.memory_space<hbm>>
      %dma_wait3A_138 = tpu.memref_slice %arg3[%multiple_of3A_16] : memref<328192xi32, #tpu.memory_space<hbm>> -> memref<128xi32, #tpu.memory_space<hbm>>
      tpu.wait_dma2 semaphore(%run_scoped3A : memref<!tpu.dma_semaphore, #tpu.memory_space<semaphore_mem>>) src(%dma_wait3A_138 : memref<128xi32, #tpu.memory_space<hbm>>) dst(%arg7 : memref<128xi32, #tpu.memory_space<vmem>>)
      tpu.yield
    }) : () -> ()
    %add3A_17 = arith.constant 0 : i32
    %add3A_18 = arith.addi %add3A, %add3A_17 : i32
    %multiple_of3A_19 = tpu.assume_multiple %add3A_18, 128 : i32
    "tpu.region"() ({
      %run_scoped3A = tpu.sem_alloc : memref<!tpu.dma_semaphore, #tpu.memory_space<semaphore_mem>>
      %dma_start3A_135 = tpu.memref_slice %arg4[%multiple_of3A_19] : memref<328192xi32, #tpu.memory_space<hbm>> -> memref<128xi32, #tpu.memory_space<hbm>>
      %dma_start3A_136 = tpu.memref_slice %arg4[%multiple_of3A_19] : memref<328192xi32, #tpu.memory_space<hbm>> -> memref<128xi32, #tpu.memory_space<hbm>>
      tpu.enqueue_dma source(%dma_start3A_136 : memref<128xi32, #tpu.memory_space<hbm>>) target(%arg8 : memref<128xi32, #tpu.memory_space<vmem>>) target_semaphore(%run_scoped3A : memref<!tpu.dma_semaphore, #tpu.memory_space<semaphore_mem>>)
      %dma_wait3A_137 = tpu.memref_slice %arg4[%multiple_of3A_19] : memref<328192xi32, #tpu.memory_space<hbm>> -> memref<128xi32, #tpu.memory_space<hbm>>
      %dma_wait3A_138 = tpu.memref_slice %arg4[%multiple_of3A_19] : memref<328192xi32, #tpu.memory_space<hbm>> -> memref<128xi32, #tpu.memory_space<hbm>>
      tpu.wait_dma2 semaphore(%run_scoped3A : memref<!tpu.dma_semaphore, #tpu.memory_space<semaphore_mem>>) src(%dma_wait3A_138 : memref<128xi32, #tpu.memory_space<hbm>>) dst(%arg8 : memref<128xi32, #tpu.memory_space<vmem>>)
      tpu.yield
    }) : () -> ()
    %add3A_20 = arith.constant 128 : i32
    %add3A_21 = arith.addi %add3A, %add3A_20 : i32
    %multiple_of3A_22 = tpu.assume_multiple %add3A_21, 128 : i32
    "tpu.region"() ({
      %run_scoped3A = tpu.sem_alloc : memref<!tpu.dma_semaphore, #tpu.memory_space<semaphore_mem>>
      %dma_start3A_135 = tpu.memref_slice %arg4[%multiple_of3A_22] : memref<328192xi32, #tpu.memory_space<hbm>> -> memref<128xi32, #tpu.memory_space<hbm>>
      %dma_start3A_136 = tpu.memref_slice %arg4[%multiple_of3A_22] : memref<328192xi32, #tpu.memory_space<hbm>> -> memref<128xi32, #tpu.memory_space<hbm>>
      tpu.enqueue_dma source(%dma_start3A_136 : memref<128xi32, #tpu.memory_space<hbm>>) target(%arg9 : memref<128xi32, #tpu.memory_space<vmem>>) target_semaphore(%run_scoped3A : memref<!tpu.dma_semaphore, #tpu.memory_space<semaphore_mem>>)
      %dma_wait3A_137 = tpu.memref_slice %arg4[%multiple_of3A_22] : memref<328192xi32, #tpu.memory_space<hbm>> -> memref<128xi32, #tpu.memory_space<hbm>>
      %dma_wait3A_138 = tpu.memref_slice %arg4[%multiple_of3A_22] : memref<328192xi32, #tpu.memory_space<hbm>> -> memref<128xi32, #tpu.memory_space<hbm>>
      tpu.wait_dma2 semaphore(%run_scoped3A : memref<!tpu.dma_semaphore, #tpu.memory_space<semaphore_mem>>) src(%dma_wait3A_138 : memref<128xi32, #tpu.memory_space<hbm>>) dst(%arg9 : memref<128xi32, #tpu.memory_space<vmem>>)
      tpu.yield
    }) : () -> ()
    %add3A_23 = arith.constant 256 : i32
    %add3A_24 = arith.addi %add3A, %add3A_23 : i32
    %multiple_of3A_25 = tpu.assume_multiple %add3A_24, 128 : i32
    "tpu.region"() ({
      %run_scoped3A = tpu.sem_alloc : memref<!tpu.dma_semaphore, #tpu.memory_space<semaphore_mem>>
      %dma_start3A_135 = tpu.memref_slice %arg4[%multiple_of3A_25] : memref<328192xi32, #tpu.memory_space<hbm>> -> memref<128xi32, #tpu.memory_space<hbm>>
      %dma_start3A_136 = tpu.memref_slice %arg4[%multiple_of3A_25] : memref<328192xi32, #tpu.memory_space<hbm>> -> memref<128xi32, #tpu.memory_space<hbm>>
      tpu.enqueue_dma source(%dma_start3A_136 : memref<128xi32, #tpu.memory_space<hbm>>) target(%arg10 : memref<128xi32, #tpu.memory_space<vmem>>) target_semaphore(%run_scoped3A : memref<!tpu.dma_semaphore, #tpu.memory_space<semaphore_mem>>)
      %dma_wait3A_137 = tpu.memref_slice %arg4[%multiple_of3A_25] : memref<328192xi32, #tpu.memory_space<hbm>> -> memref<128xi32, #tpu.memory_space<hbm>>
      %dma_wait3A_138 = tpu.memref_slice %arg4[%multiple_of3A_25] : memref<328192xi32, #tpu.memory_space<hbm>> -> memref<128xi32, #tpu.memory_space<hbm>>
      tpu.wait_dma2 semaphore(%run_scoped3A : memref<!tpu.dma_semaphore, #tpu.memory_space<semaphore_mem>>) src(%dma_wait3A_138 : memref<128xi32, #tpu.memory_space<hbm>>) dst(%arg10 : memref<128xi32, #tpu.memory_space<vmem>>)
      tpu.yield
    }) : () -> ()
    %add3A_26 = arith.constant 384 : i32
    %add3A_27 = arith.addi %add3A, %add3A_26 : i32
    %multiple_of3A_28 = tpu.assume_multiple %add3A_27, 128 : i32
    "tpu.region"() ({
      %run_scoped3A = tpu.sem_alloc : memref<!tpu.dma_semaphore, #tpu.memory_space<semaphore_mem>>
      %dma_start3A_135 = tpu.memref_slice %arg4[%multiple_of3A_28] : memref<328192xi32, #tpu.memory_space<hbm>> -> memref<128xi32, #tpu.memory_space<hbm>>
      %dma_start3A_136 = tpu.memref_slice %arg4[%multiple_of3A_28] : memref<328192xi32, #tpu.memory_space<hbm>> -> memref<128xi32, #tpu.memory_space<hbm>>
      tpu.enqueue_dma source(%dma_start3A_136 : memref<128xi32, #tpu.memory_space<hbm>>) target(%arg11 : memref<128xi32, #tpu.memory_space<vmem>>) target_semaphore(%run_scoped3A : memref<!tpu.dma_semaphore, #tpu.memory_space<semaphore_mem>>)
      %dma_wait3A_137 = tpu.memref_slice %arg4[%multiple_of3A_28] : memref<328192xi32, #tpu.memory_space<hbm>> -> memref<128xi32, #tpu.memory_space<hbm>>
      %dma_wait3A_138 = tpu.memref_slice %arg4[%multiple_of3A_28] : memref<328192xi32, #tpu.memory_space<hbm>> -> memref<128xi32, #tpu.memory_space<hbm>>
      tpu.wait_dma2 semaphore(%run_scoped3A : memref<!tpu.dma_semaphore, #tpu.memory_space<semaphore_mem>>) src(%dma_wait3A_138 : memref<128xi32, #tpu.memory_space<hbm>>) dst(%arg11 : memref<128xi32, #tpu.memory_space<vmem>>)
      tpu.yield
    }) : () -> ()
    %dma_start3A = arith.constant 0 : i32
    %dma_start3A_29 = arith.constant 0 : i32
    %dma_start3A_30 = tpu.memref_slice %arg2[%dma_start3A, %dma_start3A_29] : memref<10000x128xf32, #tpu.memory_space<hbm>> -> memref<10000x128xf32, #tpu.memory_space<hbm>>
    tpu.enqueue_indirect_dma source(%dma_start3A_30 : memref<10000x128xf32, #tpu.memory_space<hbm>>) target(%arg12 : memref<128x128xf32, #tpu.memory_space<vmem>>) offsets(%arg6 : memref<128xi32, #tpu.memory_space<vmem>>) semaphore(%arg15 : memref<!tpu.dma_semaphore, #tpu.memory_space<semaphore_mem>>)
    %dma_start3A_31 = arith.constant 0 : i32
    %dma_start3A_32 = arith.constant 0 : i32
    %dma_start3A_33 = tpu.memref_slice %arg2[%dma_start3A_31, %dma_start3A_32] : memref<10000x128xf32, #tpu.memory_space<hbm>> -> memref<10000x128xf32, #tpu.memory_space<hbm>>
    tpu.enqueue_indirect_dma source(%dma_start3A_33 : memref<10000x128xf32, #tpu.memory_space<hbm>>) target(%arg13 : memref<128x128xf32, #tpu.memory_space<vmem>>) offsets(%arg7 : memref<128xi32, #tpu.memory_space<vmem>>) semaphore(%arg16 : memref<!tpu.dma_semaphore, #tpu.memory_space<semaphore_mem>>)
    %dma_wait3A = arith.constant 0 : i32
    %dma_wait3A_34 = arith.constant 0 : i32
    %dma_wait3A_35 = tpu.memref_slice %arg2[%dma_wait3A, %dma_wait3A_34] : memref<10000x128xf32, #tpu.memory_space<hbm>> -> memref<10000x128xf32, #tpu.memory_space<hbm>>
    tpu.wait_indirect_dma semaphore(%arg15 : memref<!tpu.dma_semaphore, #tpu.memory_space<semaphore_mem>>) src(%dma_wait3A_35 : memref<10000x128xf32, #tpu.memory_space<hbm>>) dst(%arg12 : memref<128x128xf32, #tpu.memory_space<vmem>>)
    %dma_start3A_36 = arith.constant 0 : i32
    %dma_start3A_37 = arith.constant 0 : i32
    %dma_start3A_38 = tpu.memref_slice %arg14[%dma_start3A_36, %dma_start3A_37] : memref<10240x128xf32, #tpu.memory_space<vmem_shared>> -> memref<10240x128xf32, #tpu.memory_space<vmem_shared>>
    tpu.enqueue_indirect_dma source(%arg12 : memref<128x128xf32, #tpu.memory_space<vmem>>) target(%dma_start3A_38 : memref<10240x128xf32, #tpu.memory_space<vmem_shared>>) offsets(%arg8 : memref<128xi32, #tpu.memory_space<vmem>>) semaphore(%arg17 : memref<!tpu.dma_semaphore, #tpu.memory_space<semaphore_mem>>) {add = true}
    %add3A_39 = arith.constant 256 : i32
    %add3A_40 = arith.addi %add3A, %add3A_39 : i32
    %multiple_of3A_41 = tpu.assume_multiple %add3A_40, 128 : i32
    %dma_start3A_42 = tpu.memref_slice %arg3[%multiple_of3A_41] : memref<328192xi32, #tpu.memory_space<hbm>> -> memref<128xi32, #tpu.memory_space<hbm>>
    %dma_start3A_43 = tpu.memref_slice %arg3[%multiple_of3A_41] : memref<328192xi32, #tpu.memory_space<hbm>> -> memref<128xi32, #tpu.memory_space<hbm>>
    tpu.enqueue_dma source(%dma_start3A_43 : memref<128xi32, #tpu.memory_space<hbm>>) target(%arg6 : memref<128xi32, #tpu.memory_space<vmem>>) target_semaphore(%arg19 : memref<!tpu.dma_semaphore, #tpu.memory_space<semaphore_mem>>)
    %dma_wait3A_44 = arith.constant 0 : i32
    %dma_wait3A_45 = arith.constant 0 : i32
    %dma_wait3A_46 = tpu.memref_slice %arg14[%dma_wait3A_44, %dma_wait3A_45] : memref<10240x128xf32, #tpu.memory_space<vmem_shared>> -> memref<10240x128xf32, #tpu.memory_space<vmem_shared>>
    tpu.wait_indirect_dma semaphore(%arg17 : memref<!tpu.dma_semaphore, #tpu.memory_space<semaphore_mem>>) src(%arg12 : memref<128x128xf32, #tpu.memory_space<vmem>>) dst(%dma_wait3A_46 : memref<10240x128xf32, #tpu.memory_space<vmem_shared>>)
    %add3A_47 = arith.constant 512 : i32
    %add3A_48 = arith.addi %add3A, %add3A_47 : i32
    %multiple_of3A_49 = tpu.assume_multiple %add3A_48, 128 : i32
    %dma_start3A_50 = tpu.memref_slice %arg4[%multiple_of3A_49] : memref<328192xi32, #tpu.memory_space<hbm>> -> memref<128xi32, #tpu.memory_space<hbm>>
    %dma_start3A_51 = tpu.memref_slice %arg4[%multiple_of3A_49] : memref<328192xi32, #tpu.memory_space<hbm>> -> memref<128xi32, #tpu.memory_space<hbm>>
    tpu.enqueue_dma source(%dma_start3A_51 : memref<128xi32, #tpu.memory_space<hbm>>) target(%arg8 : memref<128xi32, #tpu.memory_space<vmem>>) target_semaphore(%arg21 : memref<!tpu.dma_semaphore, #tpu.memory_space<semaphore_mem>>)
    %add3A_52 = arith.constant 256 : i32
    %add3A_53 = arith.addi %add3A, %add3A_52 : i32
    %multiple_of3A_54 = tpu.assume_multiple %add3A_53, 128 : i32
    %dma_wait3A_55 = tpu.memref_slice %arg3[%multiple_of3A_54] : memref<328192xi32, #tpu.memory_space<hbm>> -> memref<128xi32, #tpu.memory_space<hbm>>
    %dma_wait3A_56 = tpu.memref_slice %arg3[%multiple_of3A_54] : memref<328192xi32, #tpu.memory_space<hbm>> -> memref<128xi32, #tpu.memory_space<hbm>>
    tpu.wait_dma2 semaphore(%arg19 : memref<!tpu.dma_semaphore, #tpu.memory_space<semaphore_mem>>) src(%dma_wait3A_56 : memref<128xi32, #tpu.memory_space<hbm>>) dst(%arg6 : memref<128xi32, #tpu.memory_space<vmem>>)
    %dma_start3A_57 = arith.constant 0 : i32
    %dma_start3A_58 = arith.constant 0 : i32
    %dma_start3A_59 = tpu.memref_slice %arg2[%dma_start3A_57, %dma_start3A_58] : memref<10000x128xf32, #tpu.memory_space<hbm>> -> memref<10000x128xf32, #tpu.memory_space<hbm>>
    tpu.enqueue_indirect_dma source(%dma_start3A_59 : memref<10000x128xf32, #tpu.memory_space<hbm>>) target(%arg12 : memref<128x128xf32, #tpu.memory_space<vmem>>) offsets(%arg6 : memref<128xi32, #tpu.memory_space<vmem>>) semaphore(%arg15 : memref<!tpu.dma_semaphore, #tpu.memory_space<semaphore_mem>>)
    %dma_wait3A_60 = arith.constant 0 : i32
    %dma_wait3A_61 = arith.constant 0 : i32
    %dma_wait3A_62 = tpu.memref_slice %arg2[%dma_wait3A_60, %dma_wait3A_61] : memref<10000x128xf32, #tpu.memory_space<hbm>> -> memref<10000x128xf32, #tpu.memory_space<hbm>>
    tpu.wait_indirect_dma semaphore(%arg16 : memref<!tpu.dma_semaphore, #tpu.memory_space<semaphore_mem>>) src(%dma_wait3A_62 : memref<10000x128xf32, #tpu.memory_space<hbm>>) dst(%arg13 : memref<128x128xf32, #tpu.memory_space<vmem>>)
    %dma_start3A_63 = arith.constant 0 : i32
    %dma_start3A_64 = arith.constant 0 : i32
    %dma_start3A_65 = tpu.memref_slice %arg14[%dma_start3A_63, %dma_start3A_64] : memref<10240x128xf32, #tpu.memory_space<vmem_shared>> -> memref<10240x128xf32, #tpu.memory_space<vmem_shared>>
    tpu.enqueue_indirect_dma source(%arg13 : memref<128x128xf32, #tpu.memory_space<vmem>>) target(%dma_start3A_65 : memref<10240x128xf32, #tpu.memory_space<vmem_shared>>) offsets(%arg9 : memref<128xi32, #tpu.memory_space<vmem>>) semaphore(%arg18 : memref<!tpu.dma_semaphore, #tpu.memory_space<semaphore_mem>>) {add = true}
    %add3A_66 = arith.constant 384 : i32
    %add3A_67 = arith.addi %add3A, %add3A_66 : i32
    %multiple_of3A_68 = tpu.assume_multiple %add3A_67, 128 : i32
    %dma_start3A_69 = tpu.memref_slice %arg3[%multiple_of3A_68] : memref<328192xi32, #tpu.memory_space<hbm>> -> memref<128xi32, #tpu.memory_space<hbm>>
    %dma_start3A_70 = tpu.memref_slice %arg3[%multiple_of3A_68] : memref<328192xi32, #tpu.memory_space<hbm>> -> memref<128xi32, #tpu.memory_space<hbm>>
    tpu.enqueue_dma source(%dma_start3A_70 : memref<128xi32, #tpu.memory_space<hbm>>) target(%arg7 : memref<128xi32, #tpu.memory_space<vmem>>) target_semaphore(%arg20 : memref<!tpu.dma_semaphore, #tpu.memory_space<semaphore_mem>>)
    %dma_wait3A_71 = arith.constant 0 : i32
    %dma_wait3A_72 = arith.constant 0 : i32
    %dma_wait3A_73 = tpu.memref_slice %arg14[%dma_wait3A_71, %dma_wait3A_72] : memref<10240x128xf32, #tpu.memory_space<vmem_shared>> -> memref<10240x128xf32, #tpu.memory_space<vmem_shared>>
    tpu.wait_indirect_dma semaphore(%arg18 : memref<!tpu.dma_semaphore, #tpu.memory_space<semaphore_mem>>) src(%arg13 : memref<128x128xf32, #tpu.memory_space<vmem>>) dst(%dma_wait3A_73 : memref<10240x128xf32, #tpu.memory_space<vmem_shared>>)
    %add3A_74 = arith.constant 640 : i32
    %add3A_75 = arith.addi %add3A, %add3A_74 : i32
    %multiple_of3A_76 = tpu.assume_multiple %add3A_75, 128 : i32
    %dma_start3A_77 = tpu.memref_slice %arg4[%multiple_of3A_76] : memref<328192xi32, #tpu.memory_space<hbm>> -> memref<128xi32, #tpu.memory_space<hbm>>
    %dma_start3A_78 = tpu.memref_slice %arg4[%multiple_of3A_76] : memref<328192xi32, #tpu.memory_space<hbm>> -> memref<128xi32, #tpu.memory_space<hbm>>
    tpu.enqueue_dma source(%dma_start3A_78 : memref<128xi32, #tpu.memory_space<hbm>>) target(%arg9 : memref<128xi32, #tpu.memory_space<vmem>>) target_semaphore(%arg22 : memref<!tpu.dma_semaphore, #tpu.memory_space<semaphore_mem>>)
    %add3A_79 = arith.constant 384 : i32
    %add3A_80 = arith.addi %add3A, %add3A_79 : i32
    %multiple_of3A_81 = tpu.assume_multiple %add3A_80, 128 : i32
    %dma_wait3A_82 = tpu.memref_slice %arg3[%multiple_of3A_81] : memref<328192xi32, #tpu.memory_space<hbm>> -> memref<128xi32, #tpu.memory_space<hbm>>
    %dma_wait3A_83 = tpu.memref_slice %arg3[%multiple_of3A_81] : memref<328192xi32, #tpu.memory_space<hbm>> -> memref<128xi32, #tpu.memory_space<hbm>>
    tpu.wait_dma2 semaphore(%arg20 : memref<!tpu.dma_semaphore, #tpu.memory_space<semaphore_mem>>) src(%dma_wait3A_83 : memref<128xi32, #tpu.memory_space<hbm>>) dst(%arg7 : memref<128xi32, #tpu.memory_space<vmem>>)
    %dma_start3A_84 = arith.constant 0 : i32
    %dma_start3A_85 = arith.constant 0 : i32
    %dma_start3A_86 = tpu.memref_slice %arg2[%dma_start3A_84, %dma_start3A_85] : memref<10000x128xf32, #tpu.memory_space<hbm>> -> memref<10000x128xf32, #tpu.memory_space<hbm>>
    tpu.enqueue_indirect_dma source(%dma_start3A_86 : memref<10000x128xf32, #tpu.memory_space<hbm>>) target(%arg13 : memref<128x128xf32, #tpu.memory_space<vmem>>) offsets(%arg7 : memref<128xi32, #tpu.memory_space<vmem>>) semaphore(%arg16 : memref<!tpu.dma_semaphore, #tpu.memory_space<semaphore_mem>>)
    %dma_wait3A_87 = arith.constant 0 : i32
    %dma_wait3A_88 = arith.constant 0 : i32
    %dma_wait3A_89 = tpu.memref_slice %arg2[%dma_wait3A_87, %dma_wait3A_88] : memref<10000x128xf32, #tpu.memory_space<hbm>> -> memref<10000x128xf32, #tpu.memory_space<hbm>>
    tpu.wait_indirect_dma semaphore(%arg15 : memref<!tpu.dma_semaphore, #tpu.memory_space<semaphore_mem>>) src(%dma_wait3A_89 : memref<10000x128xf32, #tpu.memory_space<hbm>>) dst(%arg12 : memref<128x128xf32, #tpu.memory_space<vmem>>)
    %dma_start3A_90 = arith.constant 0 : i32
    %dma_start3A_91 = arith.constant 0 : i32
    %dma_start3A_92 = tpu.memref_slice %arg14[%dma_start3A_90, %dma_start3A_91] : memref<10240x128xf32, #tpu.memory_space<vmem_shared>> -> memref<10240x128xf32, #tpu.memory_space<vmem_shared>>
    tpu.enqueue_indirect_dma source(%arg12 : memref<128x128xf32, #tpu.memory_space<vmem>>) target(%dma_start3A_92 : memref<10240x128xf32, #tpu.memory_space<vmem_shared>>) offsets(%arg10 : memref<128xi32, #tpu.memory_space<vmem>>) semaphore(%arg17 : memref<!tpu.dma_semaphore, #tpu.memory_space<semaphore_mem>>) {add = true}
    %add3A_93 = arith.constant 512 : i32
    %add3A_94 = arith.addi %add3A, %add3A_93 : i32
    %multiple_of3A_95 = tpu.assume_multiple %add3A_94, 128 : i32
    %dma_start3A_96 = tpu.memref_slice %arg3[%multiple_of3A_95] : memref<328192xi32, #tpu.memory_space<hbm>> -> memref<128xi32, #tpu.memory_space<hbm>>
    %dma_start3A_97 = tpu.memref_slice %arg3[%multiple_of3A_95] : memref<328192xi32, #tpu.memory_space<hbm>> -> memref<128xi32, #tpu.memory_space<hbm>>
    tpu.enqueue_dma source(%dma_start3A_97 : memref<128xi32, #tpu.memory_space<hbm>>) target(%arg6 : memref<128xi32, #tpu.memory_space<vmem>>) target_semaphore(%arg19 : memref<!tpu.dma_semaphore, #tpu.memory_space<semaphore_mem>>)
    %scan3A_98 = arith.constant 1 : i32
    %scan3A_99 = arith.constant 19 : i32
    %scan3A_100 = arith.addi %scan3A_98, %scan3A_99 : i32
    %scan3A_101 = arith.constant 1 : i32
    scf.for %scan3A_135 = %scan3A_98 to %scan3A_100 step %scan3A_101  : i32 {
      %mul3A_136 = arith.constant 4 : i32
      %mul3A_137 = arith.muli %scan3A_135, %mul3A_136 : i32
      %add3A_138 = arith.constant 0 : i32
      %add3A_139 = arith.addi %mul3A_137, %add3A_138 : i32
      %dma_wait3A_140 = arith.constant 0 : i32
      %dma_wait3A_141 = arith.constant 0 : i32
      %dma_wait3A_142 = tpu.memref_slice %arg14[%dma_wait3A_140, %dma_wait3A_141] : memref<10240x128xf32, #tpu.memory_space<vmem_shared>> -> memref<10240x128xf32, #tpu.memory_space<vmem_shared>>
      tpu.wait_indirect_dma semaphore(%arg17 : memref<!tpu.dma_semaphore, #tpu.memory_space<semaphore_mem>>) src(%arg12 : memref<128x128xf32, #tpu.memory_space<vmem>>) dst(%dma_wait3A_142 : memref<10240x128xf32, #tpu.memory_space<vmem_shared>>)
      %add3A_143 = arith.constant 2 : i32
      %add3A_144 = arith.addi %add3A_139, %add3A_143 : i32
      %mul3A_145 = arith.constant 128 : i32
      %mul3A_146 = arith.muli %add3A_144, %mul3A_145 : i32
      %add3A_147 = arith.addi %add3A, %mul3A_146 : i32
      %multiple_of3A_148 = tpu.assume_multiple %add3A_147, 128 : i32
      %dma_start3A_149 = tpu.memref_slice %arg4[%multiple_of3A_148] : memref<328192xi32, #tpu.memory_space<hbm>> -> memref<128xi32, #tpu.memory_space<hbm>>
      %dma_start3A_150 = tpu.memref_slice %arg4[%multiple_of3A_148] : memref<328192xi32, #tpu.memory_space<hbm>> -> memref<128xi32, #tpu.memory_space<hbm>>
      tpu.enqueue_dma source(%dma_start3A_150 : memref<128xi32, #tpu.memory_space<hbm>>) target(%arg10 : memref<128xi32, #tpu.memory_space<vmem>>) target_semaphore(%arg23 : memref<!tpu.dma_semaphore, #tpu.memory_space<semaphore_mem>>)
      %mul3A_151 = arith.constant 128 : i32
      %mul3A_152 = arith.muli %add3A_139, %mul3A_151 : i32
      %add3A_153 = arith.addi %add3A, %mul3A_152 : i32
      %multiple_of3A_154 = tpu.assume_multiple %add3A_153, 128 : i32
      %dma_wait3A_155 = tpu.memref_slice %arg3[%multiple_of3A_154] : memref<328192xi32, #tpu.memory_space<hbm>> -> memref<128xi32, #tpu.memory_space<hbm>>
      %dma_wait3A_156 = tpu.memref_slice %arg3[%multiple_of3A_154] : memref<328192xi32, #tpu.memory_space<hbm>> -> memref<128xi32, #tpu.memory_space<hbm>>
      tpu.wait_dma2 semaphore(%arg19 : memref<!tpu.dma_semaphore, #tpu.memory_space<semaphore_mem>>) src(%dma_wait3A_156 : memref<128xi32, #tpu.memory_space<hbm>>) dst(%arg6 : memref<128xi32, #tpu.memory_space<vmem>>)
      %mul3A_157 = arith.constant 128 : i32
      %mul3A_158 = arith.muli %add3A_139, %mul3A_157 : i32
      %add3A_159 = arith.addi %add3A, %mul3A_158 : i32
      %multiple_of3A_160 = tpu.assume_multiple %add3A_159, 128 : i32
      %dma_wait3A_161 = tpu.memref_slice %arg4[%multiple_of3A_160] : memref<328192xi32, #tpu.memory_space<hbm>> -> memref<128xi32, #tpu.memory_space<hbm>>
      %dma_wait3A_162 = tpu.memref_slice %arg4[%multiple_of3A_160] : memref<328192xi32, #tpu.memory_space<hbm>> -> memref<128xi32, #tpu.memory_space<hbm>>
      tpu.wait_dma2 semaphore(%arg21 : memref<!tpu.dma_semaphore, #tpu.memory_space<semaphore_mem>>) src(%dma_wait3A_162 : memref<128xi32, #tpu.memory_space<hbm>>) dst(%arg8 : memref<128xi32, #tpu.memory_space<vmem>>)
      %dma_start3A_163 = arith.constant 0 : i32
      %dma_start3A_164 = arith.constant 0 : i32
      %dma_start3A_165 = tpu.memref_slice %arg2[%dma_start3A_163, %dma_start3A_164] : memref<10000x128xf32, #tpu.memory_space<hbm>> -> memref<10000x128xf32, #tpu.memory_space<hbm>>
      tpu.enqueue_indirect_dma source(%dma_start3A_165 : memref<10000x128xf32, #tpu.memory_space<hbm>>) target(%arg12 : memref<128x128xf32, #tpu.memory_space<vmem>>) offsets(%arg6 : memref<128xi32, #tpu.memory_space<vmem>>) semaphore(%arg15 : memref<!tpu.dma_semaphore, #tpu.memory_space<semaphore_mem>>)
      %dma_wait3A_166 = arith.constant 0 : i32
      %dma_wait3A_167 = arith.constant 0 : i32
      %dma_wait3A_168 = tpu.memref_slice %arg2[%dma_wait3A_166, %dma_wait3A_167] : memref<10000x128xf32, #tpu.memory_space<hbm>> -> memref<10000x128xf32, #tpu.memory_space<hbm>>
      tpu.wait_indirect_dma semaphore(%arg16 : memref<!tpu.dma_semaphore, #tpu.memory_space<semaphore_mem>>) src(%dma_wait3A_168 : memref<10000x128xf32, #tpu.memory_space<hbm>>) dst(%arg13 : memref<128x128xf32, #tpu.memory_space<vmem>>)
      %dma_start3A_169 = arith.constant 0 : i32
      %dma_start3A_170 = arith.constant 0 : i32
      %dma_start3A_171 = tpu.memref_slice %arg14[%dma_start3A_169, %dma_start3A_170] : memref<10240x128xf32, #tpu.memory_space<vmem_shared>> -> memref<10240x128xf32, #tpu.memory_space<vmem_shared>>
      tpu.enqueue_indirect_dma source(%arg13 : memref<128x128xf32, #tpu.memory_space<vmem>>) target(%dma_start3A_171 : memref<10240x128xf32, #tpu.memory_space<vmem_shared>>) offsets(%arg11 : memref<128xi32, #tpu.memory_space<vmem>>) semaphore(%arg18 : memref<!tpu.dma_semaphore, #tpu.memory_space<semaphore_mem>>) {add = true}
      %add3A_172 = arith.constant 1 : i32
      %add3A_173 = arith.addi %add3A_139, %add3A_172 : i32
      %mul3A_174 = arith.constant 128 : i32
      %mul3A_175 = arith.muli %add3A_173, %mul3A_174 : i32
      %add3A_176 = arith.addi %add3A, %mul3A_175 : i32
      %multiple_of3A_177 = tpu.assume_multiple %add3A_176, 128 : i32
      %dma_start3A_178 = tpu.memref_slice %arg3[%multiple_of3A_177] : memref<328192xi32, #tpu.memory_space<hbm>> -> memref<128xi32, #tpu.memory_space<hbm>>
      %dma_start3A_179 = tpu.memref_slice %arg3[%multiple_of3A_177] : memref<328192xi32, #tpu.memory_space<hbm>> -> memref<128xi32, #tpu.memory_space<hbm>>
      tpu.enqueue_dma source(%dma_start3A_179 : memref<128xi32, #tpu.memory_space<hbm>>) target(%arg7 : memref<128xi32, #tpu.memory_space<vmem>>) target_semaphore(%arg20 : memref<!tpu.dma_semaphore, #tpu.memory_space<semaphore_mem>>)
      %mul3A_180 = arith.constant 4 : i32
      %mul3A_181 = arith.muli %scan3A_135, %mul3A_180 : i32
      %add3A_182 = arith.constant 1 : i32
      %add3A_183 = arith.addi %mul3A_181, %add3A_182 : i32
      %dma_wait3A_184 = arith.constant 0 : i32
      %dma_wait3A_185 = arith.constant 0 : i32
      %dma_wait3A_186 = tpu.memref_slice %arg14[%dma_wait3A_184, %dma_wait3A_185] : memref<10240x128xf32, #tpu.memory_space<vmem_shared>> -> memref<10240x128xf32, #tpu.memory_space<vmem_shared>>
      tpu.wait_indirect_dma semaphore(%arg18 : memref<!tpu.dma_semaphore, #tpu.memory_space<semaphore_mem>>) src(%arg13 : memref<128x128xf32, #tpu.memory_space<vmem>>) dst(%dma_wait3A_186 : memref<10240x128xf32, #tpu.memory_space<vmem_shared>>)
      %add3A_187 = arith.constant 2 : i32
      %add3A_188 = arith.addi %add3A_183, %add3A_187 : i32
      %mul3A_189 = arith.constant 128 : i32
      %mul3A_190 = arith.muli %add3A_188, %mul3A_189 : i32
      %add3A_191 = arith.addi %add3A, %mul3A_190 : i32
      %multiple_of3A_192 = tpu.assume_multiple %add3A_191, 128 : i32
      %dma_start3A_193 = tpu.memref_slice %arg4[%multiple_of3A_192] : memref<328192xi32, #tpu.memory_space<hbm>> -> memref<128xi32, #tpu.memory_space<hbm>>
      %dma_start3A_194 = tpu.memref_slice %arg4[%multiple_of3A_192] : memref<328192xi32, #tpu.memory_space<hbm>> -> memref<128xi32, #tpu.memory_space<hbm>>
      tpu.enqueue_dma source(%dma_start3A_194 : memref<128xi32, #tpu.memory_space<hbm>>) target(%arg11 : memref<128xi32, #tpu.memory_space<vmem>>) target_semaphore(%arg24 : memref<!tpu.dma_semaphore, #tpu.memory_space<semaphore_mem>>)
      %mul3A_195 = arith.constant 128 : i32
      %mul3A_196 = arith.muli %add3A_183, %mul3A_195 : i32
      %add3A_197 = arith.addi %add3A, %mul3A_196 : i32
      %multiple_of3A_198 = tpu.assume_multiple %add3A_197, 128 : i32
      %dma_wait3A_199 = tpu.memref_slice %arg3[%multiple_of3A_198] : memref<328192xi32, #tpu.memory_space<hbm>> -> memref<128xi32, #tpu.memory_space<hbm>>
      %dma_wait3A_200 = tpu.memref_slice %arg3[%multiple_of3A_198] : memref<328192xi32, #tpu.memory_space<hbm>> -> memref<128xi32, #tpu.memory_space<hbm>>
      tpu.wait_dma2 semaphore(%arg20 : memref<!tpu.dma_semaphore, #tpu.memory_space<semaphore_mem>>) src(%dma_wait3A_200 : memref<128xi32, #tpu.memory_space<hbm>>) dst(%arg7 : memref<128xi32, #tpu.memory_space<vmem>>)
      %mul3A_201 = arith.constant 128 : i32
      %mul3A_202 = arith.muli %add3A_183, %mul3A_201 : i32
      %add3A_203 = arith.addi %add3A, %mul3A_202 : i32
      %multiple_of3A_204 = tpu.assume_multiple %add3A_203, 128 : i32
      %dma_wait3A_205 = tpu.memref_slice %arg4[%multiple_of3A_204] : memref<328192xi32, #tpu.memory_space<hbm>> -> memref<128xi32, #tpu.memory_space<hbm>>
      %dma_wait3A_206 = tpu.memref_slice %arg4[%multiple_of3A_204] : memref<328192xi32, #tpu.memory_space<hbm>> -> memref<128xi32, #tpu.memory_space<hbm>>
      tpu.wait_dma2 semaphore(%arg22 : memref<!tpu.dma_semaphore, #tpu.memory_space<semaphore_mem>>) src(%dma_wait3A_206 : memref<128xi32, #tpu.memory_space<hbm>>) dst(%arg9 : memref<128xi32, #tpu.memory_space<vmem>>)
      %dma_start3A_207 = arith.constant 0 : i32
      %dma_start3A_208 = arith.constant 0 : i32
      %dma_start3A_209 = tpu.memref_slice %arg2[%dma_start3A_207, %dma_start3A_208] : memref<10000x128xf32, #tpu.memory_space<hbm>> -> memref<10000x128xf32, #tpu.memory_space<hbm>>
      tpu.enqueue_indirect_dma source(%dma_start3A_209 : memref<10000x128xf32, #tpu.memory_space<hbm>>) target(%arg13 : memref<128x128xf32, #tpu.memory_space<vmem>>) offsets(%arg7 : memref<128xi32, #tpu.memory_space<vmem>>) semaphore(%arg16 : memref<!tpu.dma_semaphore, #tpu.memory_space<semaphore_mem>>)
      %dma_wait3A_210 = arith.constant 0 : i32
      %dma_wait3A_211 = arith.constant 0 : i32
      %dma_wait3A_212 = tpu.memref_slice %arg2[%dma_wait3A_210, %dma_wait3A_211] : memref<10000x128xf32, #tpu.memory_space<hbm>> -> memref<10000x128xf32, #tpu.memory_space<hbm>>
      tpu.wait_indirect_dma semaphore(%arg15 : memref<!tpu.dma_semaphore, #tpu.memory_space<semaphore_mem>>) src(%dma_wait3A_212 : memref<10000x128xf32, #tpu.memory_space<hbm>>) dst(%arg12 : memref<128x128xf32, #tpu.memory_space<vmem>>)
      %dma_start3A_213 = arith.constant 0 : i32
      %dma_start3A_214 = arith.constant 0 : i32
      %dma_start3A_215 = tpu.memref_slice %arg14[%dma_start3A_213, %dma_start3A_214] : memref<10240x128xf32, #tpu.memory_space<vmem_shared>> -> memref<10240x128xf32, #tpu.memory_space<vmem_shared>>
      tpu.enqueue_indirect_dma source(%arg12 : memref<128x128xf32, #tpu.memory_space<vmem>>) target(%dma_start3A_215 : memref<10240x128xf32, #tpu.memory_space<vmem_shared>>) offsets(%arg8 : memref<128xi32, #tpu.memory_space<vmem>>) semaphore(%arg17 : memref<!tpu.dma_semaphore, #tpu.memory_space<semaphore_mem>>) {add = true}
      %add3A_216 = arith.constant 1 : i32
      %add3A_217 = arith.addi %add3A_183, %add3A_216 : i32
      %mul3A_218 = arith.constant 128 : i32
      %mul3A_219 = arith.muli %add3A_217, %mul3A_218 : i32
      %add3A_220 = arith.addi %add3A, %mul3A_219 : i32
      %multiple_of3A_221 = tpu.assume_multiple %add3A_220, 128 : i32
      %dma_start3A_222 = tpu.memref_slice %arg3[%multiple_of3A_221] : memref<328192xi32, #tpu.memory_space<hbm>> -> memref<128xi32, #tpu.memory_space<hbm>>
      %dma_start3A_223 = tpu.memref_slice %arg3[%multiple_of3A_221] : memref<328192xi32, #tpu.memory_space<hbm>> -> memref<128xi32, #tpu.memory_space<hbm>>
      tpu.enqueue_dma source(%dma_start3A_223 : memref<128xi32, #tpu.memory_space<hbm>>) target(%arg6 : memref<128xi32, #tpu.memory_space<vmem>>) target_semaphore(%arg19 : memref<!tpu.dma_semaphore, #tpu.memory_space<semaphore_mem>>)
      %mul3A_224 = arith.constant 4 : i32
      %mul3A_225 = arith.muli %scan3A_135, %mul3A_224 : i32
      %add3A_226 = arith.constant 2 : i32
      %add3A_227 = arith.addi %mul3A_225, %add3A_226 : i32
      %dma_wait3A_228 = arith.constant 0 : i32
      %dma_wait3A_229 = arith.constant 0 : i32
      %dma_wait3A_230 = tpu.memref_slice %arg14[%dma_wait3A_228, %dma_wait3A_229] : memref<10240x128xf32, #tpu.memory_space<vmem_shared>> -> memref<10240x128xf32, #tpu.memory_space<vmem_shared>>
      tpu.wait_indirect_dma semaphore(%arg17 : memref<!tpu.dma_semaphore, #tpu.memory_space<semaphore_mem>>) src(%arg12 : memref<128x128xf32, #tpu.memory_space<vmem>>) dst(%dma_wait3A_230 : memref<10240x128xf32, #tpu.memory_space<vmem_shared>>)
      %add3A_231 = arith.constant 2 : i32
      %add3A_232 = arith.addi %add3A_227, %add3A_231 : i32
      %mul3A_233 = arith.constant 128 : i32
      %mul3A_234 = arith.muli %add3A_232, %mul3A_233 : i32
      %add3A_235 = arith.addi %add3A, %mul3A_234 : i32
      %multiple_of3A_236 = tpu.assume_multiple %add3A_235, 128 : i32
      %dma_start3A_237 = tpu.memref_slice %arg4[%multiple_of3A_236] : memref<328192xi32, #tpu.memory_space<hbm>> -> memref<128xi32, #tpu.memory_space<hbm>>
      %dma_start3A_238 = tpu.memref_slice %arg4[%multiple_of3A_236] : memref<328192xi32, #tpu.memory_space<hbm>> -> memref<128xi32, #tpu.memory_space<hbm>>
      tpu.enqueue_dma source(%dma_start3A_238 : memref<128xi32, #tpu.memory_space<hbm>>) target(%arg8 : memref<128xi32, #tpu.memory_space<vmem>>) target_semaphore(%arg21 : memref<!tpu.dma_semaphore, #tpu.memory_space<semaphore_mem>>)
      %mul3A_239 = arith.constant 128 : i32
      %mul3A_240 = arith.muli %add3A_227, %mul3A_239 : i32
      %add3A_241 = arith.addi %add3A, %mul3A_240 : i32
      %multiple_of3A_242 = tpu.assume_multiple %add3A_241, 128 : i32
      %dma_wait3A_243 = tpu.memref_slice %arg3[%multiple_of3A_242] : memref<328192xi32, #tpu.memory_space<hbm>> -> memref<128xi32, #tpu.memory_space<hbm>>
      %dma_wait3A_244 = tpu.memref_slice %arg3[%multiple_of3A_242] : memref<328192xi32, #tpu.memory_space<hbm>> -> memref<128xi32, #tpu.memory_space<hbm>>
      tpu.wait_dma2 semaphore(%arg19 : memref<!tpu.dma_semaphore, #tpu.memory_space<semaphore_mem>>) src(%dma_wait3A_244 : memref<128xi32, #tpu.memory_space<hbm>>) dst(%arg6 : memref<128xi32, #tpu.memory_space<vmem>>)
      %mul3A_245 = arith.constant 128 : i32
      %mul3A_246 = arith.muli %add3A_227, %mul3A_245 : i32
      %add3A_247 = arith.addi %add3A, %mul3A_246 : i32
      %multiple_of3A_248 = tpu.assume_multiple %add3A_247, 128 : i32
      %dma_wait3A_249 = tpu.memref_slice %arg4[%multiple_of3A_248] : memref<328192xi32, #tpu.memory_space<hbm>> -> memref<128xi32, #tpu.memory_space<hbm>>
      %dma_wait3A_250 = tpu.memref_slice %arg4[%multiple_of3A_248] : memref<328192xi32, #tpu.memory_space<hbm>> -> memref<128xi32, #tpu.memory_space<hbm>>
      tpu.wait_dma2 semaphore(%arg23 : memref<!tpu.dma_semaphore, #tpu.memory_space<semaphore_mem>>) src(%dma_wait3A_250 : memref<128xi32, #tpu.memory_space<hbm>>) dst(%arg10 : memref<128xi32, #tpu.memory_space<vmem>>)
      %dma_start3A_251 = arith.constant 0 : i32
      %dma_start3A_252 = arith.constant 0 : i32
      %dma_start3A_253 = tpu.memref_slice %arg2[%dma_start3A_251, %dma_start3A_252] : memref<10000x128xf32, #tpu.memory_space<hbm>> -> memref<10000x128xf32, #tpu.memory_space<hbm>>
      tpu.enqueue_indirect_dma source(%dma_start3A_253 : memref<10000x128xf32, #tpu.memory_space<hbm>>) target(%arg12 : memref<128x128xf32, #tpu.memory_space<vmem>>) offsets(%arg6 : memref<128xi32, #tpu.memory_space<vmem>>) semaphore(%arg15 : memref<!tpu.dma_semaphore, #tpu.memory_space<semaphore_mem>>)
      %dma_wait3A_254 = arith.constant 0 : i32
      %dma_wait3A_255 = arith.constant 0 : i32
      %dma_wait3A_256 = tpu.memref_slice %arg2[%dma_wait3A_254, %dma_wait3A_255] : memref<10000x128xf32, #tpu.memory_space<hbm>> -> memref<10000x128xf32, #tpu.memory_space<hbm>>
      tpu.wait_indirect_dma semaphore(%arg16 : memref<!tpu.dma_semaphore, #tpu.memory_space<semaphore_mem>>) src(%dma_wait3A_256 : memref<10000x128xf32, #tpu.memory_space<hbm>>) dst(%arg13 : memref<128x128xf32, #tpu.memory_space<vmem>>)
      %dma_start3A_257 = arith.constant 0 : i32
      %dma_start3A_258 = arith.constant 0 : i32
      %dma_start3A_259 = tpu.memref_slice %arg14[%dma_start3A_257, %dma_start3A_258] : memref<10240x128xf32, #tpu.memory_space<vmem_shared>> -> memref<10240x128xf32, #tpu.memory_space<vmem_shared>>
      tpu.enqueue_indirect_dma source(%arg13 : memref<128x128xf32, #tpu.memory_space<vmem>>) target(%dma_start3A_259 : memref<10240x128xf32, #tpu.memory_space<vmem_shared>>) offsets(%arg9 : memref<128xi32, #tpu.memory_space<vmem>>) semaphore(%arg18 : memref<!tpu.dma_semaphore, #tpu.memory_space<semaphore_mem>>) {add = true}
      %add3A_260 = arith.constant 1 : i32
      %add3A_261 = arith.addi %add3A_227, %add3A_260 : i32
      %mul3A_262 = arith.constant 128 : i32
      %mul3A_263 = arith.muli %add3A_261, %mul3A_262 : i32
      %add3A_264 = arith.addi %add3A, %mul3A_263 : i32
      %multiple_of3A_265 = tpu.assume_multiple %add3A_264, 128 : i32
      %dma_start3A_266 = tpu.memref_slice %arg3[%multiple_of3A_265] : memref<328192xi32, #tpu.memory_space<hbm>> -> memref<128xi32, #tpu.memory_space<hbm>>
      %dma_start3A_267 = tpu.memref_slice %arg3[%multiple_of3A_265] : memref<328192xi32, #tpu.memory_space<hbm>> -> memref<128xi32, #tpu.memory_space<hbm>>
      tpu.enqueue_dma source(%dma_start3A_267 : memref<128xi32, #tpu.memory_space<hbm>>) target(%arg7 : memref<128xi32, #tpu.memory_space<vmem>>) target_semaphore(%arg20 : memref<!tpu.dma_semaphore, #tpu.memory_space<semaphore_mem>>)
      %mul3A_268 = arith.constant 4 : i32
      %mul3A_269 = arith.muli %scan3A_135, %mul3A_268 : i32
      %add3A_270 = arith.constant 3 : i32
      %add3A_271 = arith.addi %mul3A_269, %add3A_270 : i32
      %dma_wait3A_272 = arith.constant 0 : i32
      %dma_wait3A_273 = arith.constant 0 : i32
      %dma_wait3A_274 = tpu.memref_slice %arg14[%dma_wait3A_272, %dma_wait3A_273] : memref<10240x128xf32, #tpu.memory_space<vmem_shared>> -> memref<10240x128xf32, #tpu.memory_space<vmem_shared>>
      tpu.wait_indirect_dma semaphore(%arg18 : memref<!tpu.dma_semaphore, #tpu.memory_space<semaphore_mem>>) src(%arg13 : memref<128x128xf32, #tpu.memory_space<vmem>>) dst(%dma_wait3A_274 : memref<10240x128xf32, #tpu.memory_space<vmem_shared>>)
      %add3A_275 = arith.constant 2 : i32
      %add3A_276 = arith.addi %add3A_271, %add3A_275 : i32
      %mul3A_277 = arith.constant 128 : i32
      %mul3A_278 = arith.muli %add3A_276, %mul3A_277 : i32
      %add3A_279 = arith.addi %add3A, %mul3A_278 : i32
      %multiple_of3A_280 = tpu.assume_multiple %add3A_279, 128 : i32
      %dma_start3A_281 = tpu.memref_slice %arg4[%multiple_of3A_280] : memref<328192xi32, #tpu.memory_space<hbm>> -> memref<128xi32, #tpu.memory_space<hbm>>
      %dma_start3A_282 = tpu.memref_slice %arg4[%multiple_of3A_280] : memref<328192xi32, #tpu.memory_space<hbm>> -> memref<128xi32, #tpu.memory_space<hbm>>
      tpu.enqueue_dma source(%dma_start3A_282 : memref<128xi32, #tpu.memory_space<hbm>>) target(%arg9 : memref<128xi32, #tpu.memory_space<vmem>>) target_semaphore(%arg22 : memref<!tpu.dma_semaphore, #tpu.memory_space<semaphore_mem>>)
      %mul3A_283 = arith.constant 128 : i32
      %mul3A_284 = arith.muli %add3A_271, %mul3A_283 : i32
      %add3A_285 = arith.addi %add3A, %mul3A_284 : i32
      %multiple_of3A_286 = tpu.assume_multiple %add3A_285, 128 : i32
      %dma_wait3A_287 = tpu.memref_slice %arg3[%multiple_of3A_286] : memref<328192xi32, #tpu.memory_space<hbm>> -> memref<128xi32, #tpu.memory_space<hbm>>
      %dma_wait3A_288 = tpu.memref_slice %arg3[%multiple_of3A_286] : memref<328192xi32, #tpu.memory_space<hbm>> -> memref<128xi32, #tpu.memory_space<hbm>>
      tpu.wait_dma2 semaphore(%arg20 : memref<!tpu.dma_semaphore, #tpu.memory_space<semaphore_mem>>) src(%dma_wait3A_288 : memref<128xi32, #tpu.memory_space<hbm>>) dst(%arg7 : memref<128xi32, #tpu.memory_space<vmem>>)
      %mul3A_289 = arith.constant 128 : i32
      %mul3A_290 = arith.muli %add3A_271, %mul3A_289 : i32
      %add3A_291 = arith.addi %add3A, %mul3A_290 : i32
      %multiple_of3A_292 = tpu.assume_multiple %add3A_291, 128 : i32
      %dma_wait3A_293 = tpu.memref_slice %arg4[%multiple_of3A_292] : memref<328192xi32, #tpu.memory_space<hbm>> -> memref<128xi32, #tpu.memory_space<hbm>>
      %dma_wait3A_294 = tpu.memref_slice %arg4[%multiple_of3A_292] : memref<328192xi32, #tpu.memory_space<hbm>> -> memref<128xi32, #tpu.memory_space<hbm>>
      tpu.wait_dma2 semaphore(%arg24 : memref<!tpu.dma_semaphore, #tpu.memory_space<semaphore_mem>>) src(%dma_wait3A_294 : memref<128xi32, #tpu.memory_space<hbm>>) dst(%arg11 : memref<128xi32, #tpu.memory_space<vmem>>)
      %dma_start3A_295 = arith.constant 0 : i32
      %dma_start3A_296 = arith.constant 0 : i32
      %dma_start3A_297 = tpu.memref_slice %arg2[%dma_start3A_295, %dma_start3A_296] : memref<10000x128xf32, #tpu.memory_space<hbm>> -> memref<10000x128xf32, #tpu.memory_space<hbm>>
      tpu.enqueue_indirect_dma source(%dma_start3A_297 : memref<10000x128xf32, #tpu.memory_space<hbm>>) target(%arg13 : memref<128x128xf32, #tpu.memory_space<vmem>>) offsets(%arg7 : memref<128xi32, #tpu.memory_space<vmem>>) semaphore(%arg16 : memref<!tpu.dma_semaphore, #tpu.memory_space<semaphore_mem>>)
      %dma_wait3A_298 = arith.constant 0 : i32
      %dma_wait3A_299 = arith.constant 0 : i32
      %dma_wait3A_300 = tpu.memref_slice %arg2[%dma_wait3A_298, %dma_wait3A_299] : memref<10000x128xf32, #tpu.memory_space<hbm>> -> memref<10000x128xf32, #tpu.memory_space<hbm>>
      tpu.wait_indirect_dma semaphore(%arg15 : memref<!tpu.dma_semaphore, #tpu.memory_space<semaphore_mem>>) src(%dma_wait3A_300 : memref<10000x128xf32, #tpu.memory_space<hbm>>) dst(%arg12 : memref<128x128xf32, #tpu.memory_space<vmem>>)
      %dma_start3A_301 = arith.constant 0 : i32
      %dma_start3A_302 = arith.constant 0 : i32
      %dma_start3A_303 = tpu.memref_slice %arg14[%dma_start3A_301, %dma_start3A_302] : memref<10240x128xf32, #tpu.memory_space<vmem_shared>> -> memref<10240x128xf32, #tpu.memory_space<vmem_shared>>
      tpu.enqueue_indirect_dma source(%arg12 : memref<128x128xf32, #tpu.memory_space<vmem>>) target(%dma_start3A_303 : memref<10240x128xf32, #tpu.memory_space<vmem_shared>>) offsets(%arg10 : memref<128xi32, #tpu.memory_space<vmem>>) semaphore(%arg17 : memref<!tpu.dma_semaphore, #tpu.memory_space<semaphore_mem>>) {add = true}
      %add3A_304 = arith.constant 1 : i32
      %add3A_305 = arith.addi %add3A_271, %add3A_304 : i32
      %mul3A_306 = arith.constant 128 : i32
      %mul3A_307 = arith.muli %add3A_305, %mul3A_306 : i32
      %add3A_308 = arith.addi %add3A, %mul3A_307 : i32
      %multiple_of3A_309 = tpu.assume_multiple %add3A_308, 128 : i32
      %dma_start3A_310 = tpu.memref_slice %arg3[%multiple_of3A_309] : memref<328192xi32, #tpu.memory_space<hbm>> -> memref<128xi32, #tpu.memory_space<hbm>>
      %dma_start3A_311 = tpu.memref_slice %arg3[%multiple_of3A_309] : memref<328192xi32, #tpu.memory_space<hbm>> -> memref<128xi32, #tpu.memory_space<hbm>>
      tpu.enqueue_dma source(%dma_start3A_311 : memref<128xi32, #tpu.memory_space<hbm>>) target(%arg6 : memref<128xi32, #tpu.memory_space<vmem>>) target_semaphore(%arg19 : memref<!tpu.dma_semaphore, #tpu.memory_space<semaphore_mem>>)
    }
    %scan3A_102 = arith.constant 19 : i32
    %dma_wait3A_103 = arith.constant 0 : i32
    %dma_wait3A_104 = arith.constant 0 : i32
    %dma_wait3A_105 = tpu.memref_slice %arg2[%dma_wait3A_103, %dma_wait3A_104] : memref<10000x128xf32, #tpu.memory_space<hbm>> -> memref<10000x128xf32, #tpu.memory_space<hbm>>
    tpu.wait_indirect_dma semaphore(%arg16 : memref<!tpu.dma_semaphore, #tpu.memory_space<semaphore_mem>>) src(%dma_wait3A_105 : memref<10000x128xf32, #tpu.memory_space<hbm>>) dst(%arg13 : memref<128x128xf32, #tpu.memory_space<vmem>>)
    %dma_start3A_106 = arith.constant 0 : i32
    %dma_start3A_107 = arith.constant 0 : i32
    %dma_start3A_108 = tpu.memref_slice %arg14[%dma_start3A_106, %dma_start3A_107] : memref<10240x128xf32, #tpu.memory_space<vmem_shared>> -> memref<10240x128xf32, #tpu.memory_space<vmem_shared>>
    tpu.enqueue_indirect_dma source(%arg13 : memref<128x128xf32, #tpu.memory_space<vmem>>) target(%dma_start3A_108 : memref<10240x128xf32, #tpu.memory_space<vmem_shared>>) offsets(%arg11 : memref<128xi32, #tpu.memory_space<vmem>>) semaphore(%arg18 : memref<!tpu.dma_semaphore, #tpu.memory_space<semaphore_mem>>) {add = true}
    %dma_wait3A_109 = arith.constant 0 : i32
    %dma_wait3A_110 = arith.constant 0 : i32
    %dma_wait3A_111 = tpu.memref_slice %arg14[%dma_wait3A_109, %dma_wait3A_110] : memref<10240x128xf32, #tpu.memory_space<vmem_shared>> -> memref<10240x128xf32, #tpu.memory_space<vmem_shared>>
    tpu.wait_indirect_dma semaphore(%arg17 : memref<!tpu.dma_semaphore, #tpu.memory_space<semaphore_mem>>) src(%arg12 : memref<128x128xf32, #tpu.memory_space<vmem>>) dst(%dma_wait3A_111 : memref<10240x128xf32, #tpu.memory_space<vmem_shared>>)
    %dma_wait3A_112 = arith.constant 0 : i32
    %dma_wait3A_113 = arith.constant 0 : i32
    %dma_wait3A_114 = tpu.memref_slice %arg14[%dma_wait3A_112, %dma_wait3A_113] : memref<10240x128xf32, #tpu.memory_space<vmem_shared>> -> memref<10240x128xf32, #tpu.memory_space<vmem_shared>>
    tpu.wait_indirect_dma semaphore(%arg18 : memref<!tpu.dma_semaphore, #tpu.memory_space<semaphore_mem>>) src(%arg13 : memref<128x128xf32, #tpu.memory_space<vmem>>) dst(%dma_wait3A_114 : memref<10240x128xf32, #tpu.memory_space<vmem_shared>>)
    %add3A_115 = arith.constant 10240 : i32
    %add3A_116 = arith.addi %add3A, %add3A_115 : i32
    %multiple_of3A_117 = tpu.assume_multiple %add3A_116, 128 : i32
    %dma_wait3A_118 = tpu.memref_slice %arg3[%multiple_of3A_117] : memref<328192xi32, #tpu.memory_space<hbm>> -> memref<128xi32, #tpu.memory_space<hbm>>
    %dma_wait3A_119 = tpu.memref_slice %arg3[%multiple_of3A_117] : memref<328192xi32, #tpu.memory_space<hbm>> -> memref<128xi32, #tpu.memory_space<hbm>>
    tpu.wait_dma2 semaphore(%arg19 : memref<!tpu.dma_semaphore, #tpu.memory_space<semaphore_mem>>) src(%dma_wait3A_119 : memref<128xi32, #tpu.memory_space<hbm>>) dst(%arg6 : memref<128xi32, #tpu.memory_space<vmem>>)
    %add3A_120 = arith.constant 10240 : i32
    %add3A_121 = arith.addi %add3A, %add3A_120 : i32
    %multiple_of3A_122 = tpu.assume_multiple %add3A_121, 128 : i32
    %dma_wait3A_123 = tpu.memref_slice %arg4[%multiple_of3A_122] : memref<328192xi32, #tpu.memory_space<hbm>> -> memref<128xi32, #tpu.memory_space<hbm>>
    %dma_wait3A_124 = tpu.memref_slice %arg4[%multiple_of3A_122] : memref<328192xi32, #tpu.memory_space<hbm>> -> memref<128xi32, #tpu.memory_space<hbm>>
    tpu.wait_dma2 semaphore(%arg21 : memref<!tpu.dma_semaphore, #tpu.memory_space<semaphore_mem>>) src(%dma_wait3A_124 : memref<128xi32, #tpu.memory_space<hbm>>) dst(%arg8 : memref<128xi32, #tpu.memory_space<vmem>>)
    %add3A_125 = arith.constant 10368 : i32
    %add3A_126 = arith.addi %add3A, %add3A_125 : i32
    %multiple_of3A_127 = tpu.assume_multiple %add3A_126, 128 : i32
    %dma_wait3A_128 = tpu.memref_slice %arg4[%multiple_of3A_127] : memref<328192xi32, #tpu.memory_space<hbm>> -> memref<128xi32, #tpu.memory_space<hbm>>
    %dma_wait3A_129 = tpu.memref_slice %arg4[%multiple_of3A_127] : memref<328192xi32, #tpu.memory_space<hbm>> -> memref<128xi32, #tpu.memory_space<hbm>>
    tpu.wait_dma2 semaphore(%arg22 : memref<!tpu.dma_semaphore, #tpu.memory_space<semaphore_mem>>) src(%dma_wait3A_129 : memref<128xi32, #tpu.memory_space<hbm>>) dst(%arg9 : memref<128xi32, #tpu.memory_space<vmem>>)
    %barrier3A_130 = arith.constant 0 : index
    tpu.barrier barrier_id(%barrier3A_130)
    %mul3A_131 = arith.constant 640 : i32
    %mul3A_132 = arith.muli %arg1, %mul3A_131 : i32
    %mul3A_133 = arith.constant 640 : i32
    %mul3A_134 = arith.muli %arg1, %mul3A_133 : i32
    "tpu.region"() ({
      %run_scoped3A = tpu.sem_alloc : memref<!tpu.dma_semaphore, #tpu.memory_space<semaphore_mem>>
      %dma_start3A_135 = arith.constant 0 : i32
      %dma_start3A_136 = tpu.memref_slice %arg5[%arg0, %mul3A_134, %dma_start3A_135] : memref<2x10240x128xf32, #tpu.memory_space<hbm>> -> memref<1x640x128xf32, #tpu.memory_space<hbm>>
      %dma_start3A_137 = tpu.memref_squeeze %dma_start3A_136 : memref<1x640x128xf32, #tpu.memory_space<hbm>> -> memref<640x128xf32, #tpu.memory_space<hbm>>
      %dma_start3A_138 = arith.constant 0 : i32
      %dma_start3A_139 = tpu.memref_slice %arg14[%mul3A_132, %dma_start3A_138] : memref<10240x128xf32, #tpu.memory_space<vmem_shared>> -> memref<640x128xf32, #tpu.memory_space<vmem_shared>>
      tpu.enqueue_dma source(%dma_start3A_139 : memref<640x128xf32, #tpu.memory_space<vmem_shared>>) target(%dma_start3A_137 : memref<640x128xf32, #tpu.memory_space<hbm>>) target_semaphore(%run_scoped3A : memref<!tpu.dma_semaphore, #tpu.memory_space<semaphore_mem>>)
      %dma_wait3A_140 = arith.constant 0 : i32
      %dma_wait3A_141 = tpu.memref_slice %arg5[%arg0, %mul3A_134, %dma_wait3A_140] : memref<2x10240x128xf32, #tpu.memory_space<hbm>> -> memref<1x640x128xf32, #tpu.memory_space<hbm>>
      %dma_wait3A_142 = tpu.memref_squeeze %dma_wait3A_141 : memref<1x640x128xf32, #tpu.memory_space<hbm>> -> memref<640x128xf32, #tpu.memory_space<hbm>>
      %dma_wait3A_143 = arith.constant 0 : i32
      %dma_wait3A_144 = tpu.memref_slice %arg14[%mul3A_132, %dma_wait3A_143] : memref<10240x128xf32, #tpu.memory_space<vmem_shared>> -> memref<640x128xf32, #tpu.memory_space<vmem_shared>>
      tpu.wait_dma2 semaphore(%run_scoped3A : memref<!tpu.dma_semaphore, #tpu.memory_space<semaphore_mem>>) src(%dma_wait3A_144 : memref<640x128xf32, #tpu.memory_space<vmem_shared>>) dst(%dma_wait3A_142 : memref<640x128xf32, #tpu.memory_space<hbm>>)
      tpu.yield
    }) : () -> ()
    return
  }
}

module attributes {stable_mosaic.version = 14 : i64} {
  func.func @body(%arg0: i32, %arg1: memref<1000x128xf32, #tpu.memory_space<vmem>>, %arg2: memref<128x128xf32, #tpu.memory_space<vmem>>, %arg3: memref<1000x1xf32, #tpu.memory_space<vmem>>, %arg4: memref<1000x1xf32, #tpu.memory_space<vmem>>, %arg5: memref<1000x128xf32, #tpu.memory_space<vmem>>) attributes {dimension_semantics = [#tpu.dimension_semantics<arbitrary>], iteration_bounds = array<i64: 10>, scalar_prefetch = 0 : i64, scratch_operands = 0 : i64, tpu.core_type = #tpu.core_type<tc>, window_params = [{transform_indices = @transform_0, window_bounds = array<i64: 1000, 128>}, {pipeline_mode = #tpu.pipeline_mode<synchronous>, transform_indices = @transform_1, window_bounds = array<i64: 128, 128>}, {transform_indices = @transform_2, window_bounds = array<i64: 1000, 1>}, {transform_indices = @transform_3, window_bounds = array<i64: 1000, 1>}, {transform_indices = @transform_4, window_bounds = array<i64: 1000, 128>}]} {
    %get3A = arith.constant 0 : index
    %get3A_0 = arith.constant 0 : index
    %get3A_1 = vector.load %arg1[%get3A, %get3A_0] : memref<1000x128xf32, #tpu.memory_space<vmem>>, vector<1000x128xf32>
    %get3A_2 = arith.constant 0 : index
    %get3A_3 = arith.constant 0 : index
    %get3A_4 = vector.load %arg2[%get3A_2, %get3A_3] : memref<128x128xf32, #tpu.memory_space<vmem>>, vector<128x128xf32>
    %dot_general3A = arith.constant dense<0.000000e+00> : vector<1000x128xf32>
    %dot_general3A_5 = tpu.matmul %get3A_1, %get3A_4, %dot_general3A {dimension_numbers = #tpu.dot_dimension_numbers<[1], [0], [0], [1], [0, 0, 1, 1], [], []>, transpose_lhs_hint = false} : vector<1000x128xf32>, vector<128x128xf32>, vector<1000x128xf32> -> vector<1000x128xf32>
    %get3A_6 = arith.constant 0 : index
    %get3A_7 = arith.constant 0 : index
    %get3A_8 = vector.load %arg3[%get3A_6, %get3A_7] : memref<1000x1xf32, #tpu.memory_space<vmem>>, vector<1000x1xf32>
    %get3A_9 = arith.constant 0 : index
    %get3A_10 = arith.constant 0 : index
    %get3A_11 = vector.load %arg4[%get3A_9, %get3A_10] : memref<1000x1xf32, #tpu.memory_space<vmem>>, vector<1000x1xf32>
    %add3A = arith.addf %get3A_8, %get3A_11 : vector<1000x1xf32>
    %add3A_12 = arith.constant 1.000000e+00 : f32
    %add3A_13 = vector.broadcast %add3A_12 : f32 to vector<1000x1xf32>
    %add3A_14 = arith.addf %add3A, %add3A_13 : vector<1000x1xf32>
    %rsqrt3A = math.rsqrt %add3A_14 : vector<1000x1xf32>
    %mul3A = vector.broadcast %rsqrt3A : vector<1000x1xf32> to vector<1000x128xf32>
    %mul3A_15 = arith.mulf %dot_general3A_5, %mul3A : vector<1000x128xf32>
    %swap3A = arith.constant 0 : index
    %swap3A_16 = arith.constant 0 : index
    %swap3A_17 = vector.load %arg5[%swap3A, %swap3A_16] : memref<1000x128xf32, #tpu.memory_space<vmem>>, vector<1000x128xf32>
    tpu.vector_store %arg5[%swap3A, %swap3A_16], %mul3A_15 {strides = array<i32>} : memref<1000x128xf32, #tpu.memory_space<vmem>>, vector<1000x128xf32>,
    return
  }
  func.func @transform_0(%arg0: i32) -> (i32, i32) {
    %c0_i32 = arith.constant 0 : i32
    %c0_i32_0 = arith.constant 0 : i32
    return %arg0, %c0_i32 : i32, i32
  }
  func.func @transform_1(%arg0: i32) -> (i32, i32) {
    %c0_i32 = arith.constant 0 : i32
    %c0_i32_0 = arith.constant 0 : i32
    %c0_i32_1 = arith.constant 0 : i32
    return %c0_i32, %c0_i32_0 : i32, i32
  }
  func.func @transform_2(%arg0: i32) -> (i32, i32) {
    %c0_i32 = arith.constant 0 : i32
    %c0_i32_0 = arith.constant 0 : i32
    return %arg0, %c0_i32 : i32, i32
  }
  func.func @transform_3(%arg0: i32) -> (i32, i32) {
    %c0_i32 = arith.constant 0 : i32
    %c0_i32_0 = arith.constant 0 : i32
    return %arg0, %c0_i32 : i32, i32
  }
  func.func @transform_4(%arg0: i32) -> (i32, i32) {
    %c0_i32 = arith.constant 0 : i32
    %c0_i32_0 = arith.constant 0 : i32
    return %arg0, %c0_i32 : i32, i32
  }
}

module attributes {stable_mosaic.version = 14 : i64} {
  func.func @body(%arg0: i32, %arg1: memref<64xi32, #tpu.memory_space<smem>>, %arg2: memref<1x1x128xf32, #tpu.memory_space<vmem>>, %arg3: memref<128x128xf32, #tpu.memory_space<vmem>>, %arg4: memref<1x1x128xf32, #tpu.memory_space<vmem>>) attributes {dimension_semantics = [#tpu.dimension_semantics<arbitrary>], iteration_bounds = array<i64: 64>, scalar_prefetch = 1 : i64, scratch_operands = 0 : i64, tpu.core_type = #tpu.core_type<tc>, window_params = [{transform_indices = @transform_0, window_bounds = array<i64: 1, 1, 128>}, {pipeline_mode = #tpu.pipeline_mode<synchronous>, transform_indices = @transform_1, window_bounds = array<i64: 128, 128>}, {transform_indices = @transform_2, window_bounds = array<i64: 1, 1, 128>}]} {
    %get3A = arith.constant 0 : index
    %get3A_0 = arith.constant 0 : index
    %get3A_1 = arith.constant 0 : index
    %get3A_2 = vector.load %arg2[%get3A, %get3A_0, %get3A_1] : memref<1x1x128xf32, #tpu.memory_space<vmem>>, vector<1x1x128xf32>
    %get3A_3 = vector.shape_cast %get3A_2 : vector<1x1x128xf32> to vector<1x128xf32>
    %max3A = arith.constant 0.000000e+00 : f32
    %max3A_4 = vector.broadcast %max3A : f32 to vector<1x128xf32>
    %max3A_5 = arith.maximumf %get3A_3, %max3A_4 : vector<1x128xf32>
    %get3A_6 = arith.constant 0 : index
    %get3A_7 = arith.constant 0 : index
    %get3A_8 = vector.load %arg3[%get3A_6, %get3A_7] : memref<128x128xf32, #tpu.memory_space<vmem>>, vector<128x128xf32>
    %dot_general3A = arith.constant dense<0.000000e+00> : vector<1x128xf32>
    %dot_general3A_9 = tpu.matmul %max3A_5, %get3A_8, %dot_general3A {dimension_numbers = #tpu.dot_dimension_numbers<[1], [0], [0], [1], [0, 0, 1, 1], [], []>, transpose_lhs_hint = false} : vector<1x128xf32>, vector<128x128xf32>, vector<1x128xf32> -> vector<1x128xf32>
    %swap3A = arith.constant 0 : index
    %swap3A_10 = arith.constant 0 : index
    %swap3A_11 = arith.constant 0 : index
    %swap3A_12 = vector.load %arg4[%swap3A, %swap3A_10, %swap3A_11] : memref<1x1x128xf32, #tpu.memory_space<vmem>>, vector<1x1x128xf32>
    %swap3A_13 = vector.shape_cast %swap3A_12 : vector<1x1x128xf32> to vector<1x128xf32>
    %swap3A_14 = vector.shape_cast %dot_general3A_9 : vector<1x128xf32> to vector<1x1x128xf32>
    tpu.vector_store %arg4[%swap3A, %swap3A_10, %swap3A_11], %swap3A_14 {strides = array<i32>} : memref<1x1x128xf32, #tpu.memory_space<vmem>>, vector<1x1x128xf32>,
    return
  }
  func.func @transform_0(%arg0: i32, %arg1: memref<64xi32, #tpu.memory_space<smem>>) -> (i32, i32, i32) {
    %get3A = arith.index_cast %arg0 : i32 to index
    %get3A_0 = memref.load %arg1[%get3A] : memref<64xi32, #tpu.memory_space<smem>>
    %c0_i32 = arith.constant 0 : i32
    %c0_i32_1 = arith.constant 0 : i32
    %c0_i32_2 = arith.constant 0 : i32
    return %get3A_0, %c0_i32, %c0_i32_1 : i32, i32, i32
  }
  func.func @transform_1(%arg0: i32, %arg1: memref<64xi32, #tpu.memory_space<smem>>) -> (i32, i32) {
    %c0_i32 = arith.constant 0 : i32
    %c0_i32_0 = arith.constant 0 : i32
    %c0_i32_1 = arith.constant 0 : i32
    return %c0_i32, %c0_i32_0 : i32, i32
  }
  func.func @transform_2(%arg0: i32, %arg1: memref<64xi32, #tpu.memory_space<smem>>) -> (i32, i32, i32) {
    %c0_i32 = arith.constant 0 : i32
    %c0_i32_0 = arith.constant 0 : i32
    %c0_i32_1 = arith.constant 0 : i32
    return %arg0, %c0_i32, %c0_i32_0 : i32, i32, i32
  }
}

module attributes {stable_mosaic.version = 14 : i64} {
  func.func @body(%arg0: i32, %arg1: memref<64xi32, #tpu.memory_space<smem>>, %arg2: memref<1x1x128xf32, #tpu.memory_space<vmem>>, %arg3: memref<1x1x128xf32, #tpu.memory_space<vmem>>) attributes {dimension_semantics = [#tpu.dimension_semantics<arbitrary>], iteration_bounds = array<i64: 64>, scalar_prefetch = 1 : i64, scratch_operands = 0 : i64, tpu.core_type = #tpu.core_type<tc>, window_params = [{transform_indices = @transform_0, window_bounds = array<i64: 1, 1, 128>}, {transform_indices = @transform_1, window_bounds = array<i64: 1, 1, 128>}]} {
    %get3A = arith.constant 0 : index
    %get3A_0 = arith.constant 0 : index
    %get3A_1 = arith.constant 0 : index
    %get3A_2 = vector.load %arg2[%get3A, %get3A_0, %get3A_1] : memref<1x1x128xf32, #tpu.memory_space<vmem>>, vector<1x1x128xf32>
    %swap3A = arith.constant 0 : index
    %swap3A_3 = arith.constant 0 : index
    %swap3A_4 = arith.constant 0 : index
    %swap3A_5 = vector.load %arg3[%swap3A, %swap3A_3, %swap3A_4] : memref<1x1x128xf32, #tpu.memory_space<vmem>>, vector<1x1x128xf32>
    tpu.vector_store %arg3[%swap3A, %swap3A_3, %swap3A_4], %get3A_2 {strides = array<i32>} : memref<1x1x128xf32, #tpu.memory_space<vmem>>, vector<1x1x128xf32>,
    return
  }
  func.func @transform_0(%arg0: i32, %arg1: memref<64xi32, #tpu.memory_space<smem>>) -> (i32, i32, i32) {
    %get3A = arith.index_cast %arg0 : i32 to index
    %get3A_0 = memref.load %arg1[%get3A] : memref<64xi32, #tpu.memory_space<smem>>
    %c0_i32 = arith.constant 0 : i32
    %c0_i32_1 = arith.constant 0 : i32
    %c0_i32_2 = arith.constant 0 : i32
    return %get3A_0, %c0_i32, %c0_i32_1 : i32, i32, i32
  }
  func.func @transform_1(%arg0: i32, %arg1: memref<64xi32, #tpu.memory_space<smem>>) -> (i32, i32, i32) {
    %c0_i32 = arith.constant 0 : i32
    %c0_i32_0 = arith.constant 0 : i32
    %c0_i32_1 = arith.constant 0 : i32
    return %arg0, %c0_i32, %c0_i32_0 : i32, i32, i32
  }
}

module attributes {stable_mosaic.version = 14 : i64} {
  func.func @body(%arg0: i32, %arg1: memref<2x1000x128xf32, #tpu.memory_space<vmem>>, %arg2: memref<1000x128xf32, #tpu.memory_space<vmem>>, %arg3: memref<1000x1xf32, #tpu.memory_space<vmem>>, %arg4: memref<1000x1xf32, #tpu.memory_space<vmem>>, %arg5: memref<1000x1xi32, #tpu.memory_space<vmem>>, %arg6: memref<64x128xf32, #tpu.memory_space<vmem>>, %arg7: memref<128x128xf32, #tpu.memory_space<vmem>>, %arg8: memref<1x128xf32, #tpu.memory_space<vmem>>, %arg9: memref<1000x128xf32, #tpu.memory_space<vmem>>, %arg10: memref<1000x128xf32, #tpu.memory_space<vmem>>) attributes {dimension_semantics = [#tpu.dimension_semantics<arbitrary>], iteration_bounds = array<i64: 10>, scalar_prefetch = 0 : i64, scratch_operands = 0 : i64, tpu.core_type = #tpu.core_type<tc>, window_params = [{transform_indices = @transform_0, window_bounds = array<i64: 2, 1000, 128>}, {transform_indices = @transform_1, window_bounds = array<i64: 1000, 128>}, {transform_indices = @transform_2, window_bounds = array<i64: 1000, 1>}, {transform_indices = @transform_3, window_bounds = array<i64: 1000, 1>}, {transform_indices = @transform_4, window_bounds = array<i64: 1000, 1>}, {pipeline_mode = #tpu.pipeline_mode<synchronous>, transform_indices = @transform_5, window_bounds = array<i64: 64, 128>}, {pipeline_mode = #tpu.pipeline_mode<synchronous>, transform_indices = @transform_6, window_bounds = array<i64: 128, 128>}, {pipeline_mode = #tpu.pipeline_mode<synchronous>, transform_indices = @transform_7, window_bounds = array<i64: 1, 128>}, {transform_indices = @transform_8, window_bounds = array<i64: 1000, 128>}, {transform_indices = @transform_9, window_bounds = array<i64: 1000, 128>}]} {
    %get3A = arith.constant 0 : index
    %get3A_0 = arith.constant 0 : index
    %get3A_1 = vector.load %arg3[%get3A, %get3A_0] : memref<1000x1xf32, #tpu.memory_space<vmem>>, vector<1000x1xf32>
    %get3A_2 = arith.constant 0 : index
    %get3A_3 = arith.constant 0 : index
    %get3A_4 = vector.load %arg4[%get3A_2, %get3A_3] : memref<1000x1xf32, #tpu.memory_space<vmem>>, vector<1000x1xf32>
    %add3A = arith.addf %get3A_1, %get3A_4 : vector<1000x1xf32>
    %add3A_5 = arith.constant 1.000000e+00 : f32
    %add3A_6 = vector.broadcast %add3A_5 : f32 to vector<1000x1xf32>
    %add3A_7 = arith.addf %add3A, %add3A_6 : vector<1000x1xf32>
    %rsqrt3A = math.rsqrt %add3A_7 : vector<1000x1xf32>
    %get3A_8 = arith.constant 0 : index
    %get3A_9 = arith.constant 0 : index
    %get3A_10 = arith.constant 0 : index
    %get3A_11 = vector.load %arg1[%get3A_8, %get3A_9, %get3A_10] : memref<2x1000x128xf32, #tpu.memory_space<vmem>>, vector<1x1000x128xf32>
    %get3A_12 = vector.shape_cast %get3A_11 : vector<1x1000x128xf32> to vector<1000x128xf32>
    %get3A_13 = arith.constant 1 : index
    %get3A_14 = arith.constant 0 : index
    %get3A_15 = arith.constant 0 : index
    %get3A_16 = vector.load %arg1[%get3A_13, %get3A_14, %get3A_15] : memref<2x1000x128xf32, #tpu.memory_space<vmem>>, vector<1x1000x128xf32>
    %get3A_17 = vector.shape_cast %get3A_16 : vector<1x1000x128xf32> to vector<1000x128xf32>
    %add3A_18 = arith.addf %get3A_12, %get3A_17 : vector<1000x128xf32>
    %get3A_19 = arith.constant 0 : index
    %get3A_20 = arith.constant 0 : index
    %get3A_21 = vector.load %arg2[%get3A_19, %get3A_20] : memref<1000x128xf32, #tpu.memory_space<vmem>>, vector<1000x128xf32>
    %add3A_22 = arith.addf %add3A_18, %get3A_21 : vector<1000x128xf32>
    %mul3A = vector.broadcast %rsqrt3A : vector<1000x1xf32> to vector<1000x128xf32>
    %mul3A_23 = arith.mulf %mul3A, %add3A_22 : vector<1000x128xf32>
    %get3A_24 = arith.constant 0 : index
    %get3A_25 = arith.constant 0 : index
    %get3A_26 = vector.load %arg8[%get3A_24, %get3A_25] : memref<1x128xf32, #tpu.memory_space<vmem>>, vector<1x128xf32>
    %add3A_27 = vector.broadcast %get3A_26 : vector<1x128xf32> to vector<1000x128xf32>
    %add3A_28 = arith.addf %mul3A_23, %add3A_27 : vector<1000x128xf32>
    %swap3A = arith.constant 0 : index
    %swap3A_29 = arith.constant 0 : index
    %swap3A_30 = vector.load %arg9[%swap3A, %swap3A_29] : memref<1000x128xf32, #tpu.memory_space<vmem>>, vector<1000x128xf32>
    tpu.vector_store %arg9[%swap3A, %swap3A_29], %add3A_28 {strides = array<i32>} : memref<1000x128xf32, #tpu.memory_space<vmem>>, vector<1000x128xf32>,
    %max3A = arith.constant 0.000000e+00 : f32
    %max3A_31 = vector.broadcast %max3A : f32 to vector<1000x128xf32>
    %max3A_32 = arith.maximumf %add3A_28, %max3A_31 : vector<1000x128xf32>
    %get3A_33 = arith.constant 0 : index
    %get3A_34 = arith.constant 0 : index
    %get3A_35 = vector.load %arg7[%get3A_33, %get3A_34] : memref<128x128xf32, #tpu.memory_space<vmem>>, vector<128x128xf32>
    %dot_general3A = arith.constant dense<0.000000e+00> : vector<1000x128xf32>
    %dot_general3A_36 = tpu.matmul %max3A_32, %get3A_35, %dot_general3A {dimension_numbers = #tpu.dot_dimension_numbers<[1], [0], [0], [1], [0, 0, 1, 1], [], []>, transpose_lhs_hint = false} : vector<1000x128xf32>, vector<128x128xf32>, vector<1000x128xf32> -> vector<1000x128xf32>
    %iota3A = tpu.iota {dimensions = array<i32: 1>} : vector<1x64xi32>
    %get3A_37 = arith.constant 0 : index
    %get3A_38 = arith.constant 0 : index
    %get3A_39 = vector.load %arg5[%get3A_37, %get3A_38] : memref<1000x1xi32, #tpu.memory_space<vmem>>, vector<1000x1xi32>
    %eq3A = vector.broadcast %get3A_39 : vector<1000x1xi32> to vector<1000x64xi32>
    %eq3A_40 = vector.broadcast %iota3A : vector<1x64xi32> to vector<1000x64xi32>
    %eq3A_41 = arith.cmpi eq, %eq3A, %eq3A_40 : vector<1000x64xi32>
    %convert_element_type3A = arith.extui %eq3A_41 : vector<1000x64xi1> to vector<1000x64xi32>
    %convert_element_type3A_42 = arith.sitofp %convert_element_type3A : vector<1000x64xi32> to vector<1000x64xf32>
    %get3A_43 = arith.constant 0 : index
    %get3A_44 = arith.constant 0 : index
    %get3A_45 = vector.load %arg6[%get3A_43, %get3A_44] : memref<64x128xf32, #tpu.memory_space<vmem>>, vector<64x128xf32>
    %dot_general3A_46 = arith.constant dense<0.000000e+00> : vector<1000x128xf32>
    %dot_general3A_47 = tpu.matmul %convert_element_type3A_42, %get3A_45, %dot_general3A_46 {dimension_numbers = #tpu.dot_dimension_numbers<[1], [0], [0], [1], [0, 0, 1, 1], [], []>, transpose_lhs_hint = false} : vector<1000x64xf32>, vector<64x128xf32>, vector<1000x128xf32> -> vector<1000x128xf32>
    %add3A_48 = arith.addf %dot_general3A_36, %dot_general3A_47 : vector<1000x128xf32>
    %mul3A_49 = vector.broadcast %rsqrt3A : vector<1000x1xf32> to vector<1000x128xf32>
    %mul3A_50 = arith.mulf %mul3A_49, %add3A_48 : vector<1000x128xf32>
    %swap3A_51 = arith.constant 0 : index
    %swap3A_52 = arith.constant 0 : index
    %swap3A_53 = vector.load %arg10[%swap3A_51, %swap3A_52] : memref<1000x128xf32, #tpu.memory_space<vmem>>, vector<1000x128xf32>
    tpu.vector_store %arg10[%swap3A_51, %swap3A_52], %mul3A_50 {strides = array<i32>} : memref<1000x128xf32, #tpu.memory_space<vmem>>, vector<1000x128xf32>,
    return
  }
  func.func @transform_0(%arg0: i32) -> (i32, i32, i32) {
    %c0_i32 = arith.constant 0 : i32
    %c0_i32_0 = arith.constant 0 : i32
    %c0_i32_1 = arith.constant 0 : i32
    return %c0_i32, %arg0, %c0_i32_0 : i32, i32, i32
  }
  func.func @transform_1(%arg0: i32) -> (i32, i32) {
    %c0_i32 = arith.constant 0 : i32
    %c0_i32_0 = arith.constant 0 : i32
    return %arg0, %c0_i32 : i32, i32
  }
  func.func @transform_2(%arg0: i32) -> (i32, i32) {
    %c0_i32 = arith.constant 0 : i32
    %c0_i32_0 = arith.constant 0 : i32
    return %arg0, %c0_i32 : i32, i32
  }
  func.func @transform_3(%arg0: i32) -> (i32, i32) {
    %c0_i32 = arith.constant 0 : i32
    %c0_i32_0 = arith.constant 0 : i32
    return %arg0, %c0_i32 : i32, i32
  }
  func.func @transform_4(%arg0: i32) -> (i32, i32) {
    %c0_i32 = arith.constant 0 : i32
    %c0_i32_0 = arith.constant 0 : i32
    return %arg0, %c0_i32 : i32, i32
  }
  func.func @transform_5(%arg0: i32) -> (i32, i32) {
    %c0_i32 = arith.constant 0 : i32
    %c0_i32_0 = arith.constant 0 : i32
    %c0_i32_1 = arith.constant 0 : i32
    return %c0_i32, %c0_i32_0 : i32, i32
  }
  func.func @transform_6(%arg0: i32) -> (i32, i32) {
    %c0_i32 = arith.constant 0 : i32
    %c0_i32_0 = arith.constant 0 : i32
    %c0_i32_1 = arith.constant 0 : i32
    return %c0_i32, %c0_i32_0 : i32, i32
  }
  func.func @transform_7(%arg0: i32) -> (i32, i32) {
    %c0_i32 = arith.constant 0 : i32
    %c0_i32_0 = arith.constant 0 : i32
    %c0_i32_1 = arith.constant 0 : i32
    return %c0_i32, %c0_i32_0 : i32, i32
  }
  func.func @transform_8(%arg0: i32) -> (i32, i32) {
    %c0_i32 = arith.constant 0 : i32
    %c0_i32_0 = arith.constant 0 : i32
    return %arg0, %c0_i32 : i32, i32
  }
  func.func @transform_9(%arg0: i32) -> (i32, i32) {
    %c0_i32 = arith.constant 0 : i32
    %c0_i32_0 = arith.constant 0 : i32
    return %arg0, %c0_i32 : i32, i32
  }
}

module attributes {stable_mosaic.version = 14 : i64} {
  func.func @body(%arg0: i32, %arg1: memref<2x1000x128xf32, #tpu.memory_space<vmem>>, %arg2: memref<1000x128xf32, #tpu.memory_space<vmem>>, %arg3: memref<1000x1xf32, #tpu.memory_space<vmem>>, %arg4: memref<1000x1xf32, #tpu.memory_space<vmem>>, %arg5: memref<1000x1xi32, #tpu.memory_space<vmem>>, %arg6: memref<64x128xf32, #tpu.memory_space<vmem>>, %arg7: memref<1x128xf32, #tpu.memory_space<vmem>>, %arg8: memref<64x128xf32, #tpu.memory_space<vmem>>, %arg9: memref<64x128xf32, #tpu.memory_space<vmem>>, %arg10: memref<64x128xf32, #tpu.memory_space<vmem>>, %arg11: memref<64x128xf32, #tpu.memory_space<vmem>>) attributes {dimension_semantics = [#tpu.dimension_semantics<arbitrary>], iteration_bounds = array<i64: 10>, scalar_prefetch = 0 : i64, scratch_operands = 2 : i64, tpu.core_type = #tpu.core_type<tc>, window_params = [{transform_indices = @transform_0, window_bounds = array<i64: 2, 1000, 128>}, {transform_indices = @transform_1, window_bounds = array<i64: 1000, 128>}, {transform_indices = @transform_2, window_bounds = array<i64: 1000, 1>}, {transform_indices = @transform_3, window_bounds = array<i64: 1000, 1>}, {transform_indices = @transform_4, window_bounds = array<i64: 1000, 1>}, {pipeline_mode = #tpu.pipeline_mode<synchronous>, transform_indices = @transform_5, window_bounds = array<i64: 64, 128>}, {pipeline_mode = #tpu.pipeline_mode<synchronous>, transform_indices = @transform_6, window_bounds = array<i64: 1, 128>}, {pipeline_mode = #tpu.pipeline_mode<synchronous>, transform_indices = @transform_7, window_bounds = array<i64: 64, 128>}, {pipeline_mode = #tpu.pipeline_mode<synchronous>, transform_indices = @transform_8, window_bounds = array<i64: 64, 128>}]} {
    %eq3A = arith.constant 0 : i32
    %eq3A_0 = arith.cmpi eq, %arg0, %eq3A : i32
    %convert_element_type3A = arith.extui %eq3A_0 : i1 to i32
    %cond3A = arith.constant 0 : i32
    %cond3A_1 = arith.cmpi ne, %convert_element_type3A, %cond3A : i32
    scf.if %cond3A_1 {
      %broadcast_in_dim3A_63 = arith.constant 0.000000e+00 : f32
      %broadcast_in_dim3A_64 = vector.broadcast %broadcast_in_dim3A_63 : f32 to vector<64x128xf32>
      %swap3A_65 = arith.constant 0 : index
      %swap3A_66 = arith.constant 0 : index
      %swap3A_67 = vector.load %arg10[%swap3A_65, %swap3A_66] : memref<64x128xf32, #tpu.memory_space<vmem>>, vector<64x128xf32>
      tpu.vector_store %arg10[%swap3A_65, %swap3A_66], %broadcast_in_dim3A_64 {strides = array<i32>} : memref<64x128xf32, #tpu.memory_space<vmem>>, vector<64x128xf32>,
      %broadcast_in_dim3A_68 = arith.constant 0.000000e+00 : f32
      %broadcast_in_dim3A_69 = vector.broadcast %broadcast_in_dim3A_68 : f32 to vector<64x128xf32>
      %swap3A_70 = arith.constant 0 : index
      %swap3A_71 = arith.constant 0 : index
      %swap3A_72 = vector.load %arg11[%swap3A_70, %swap3A_71] : memref<64x128xf32, #tpu.memory_space<vmem>>, vector<64x128xf32>
      tpu.vector_store %arg11[%swap3A_70, %swap3A_71], %broadcast_in_dim3A_69 {strides = array<i32>} : memref<64x128xf32, #tpu.memory_space<vmem>>, vector<64x128xf32>,
    } else {
    }
    %get3A = arith.constant 0 : index
    %get3A_2 = arith.constant 0 : index
    %get3A_3 = vector.load %arg3[%get3A, %get3A_2] : memref<1000x1xf32, #tpu.memory_space<vmem>>, vector<1000x1xf32>
    %get3A_4 = arith.constant 0 : index
    %get3A_5 = arith.constant 0 : index
    %get3A_6 = vector.load %arg4[%get3A_4, %get3A_5] : memref<1000x1xf32, #tpu.memory_space<vmem>>, vector<1000x1xf32>
    %add3A = arith.addf %get3A_3, %get3A_6 : vector<1000x1xf32>
    %add3A_7 = arith.constant 1.000000e+00 : f32
    %add3A_8 = vector.broadcast %add3A_7 : f32 to vector<1000x1xf32>
    %add3A_9 = arith.addf %add3A, %add3A_8 : vector<1000x1xf32>
    %rsqrt3A = math.rsqrt %add3A_9 : vector<1000x1xf32>
    %get3A_10 = arith.constant 0 : index
    %get3A_11 = arith.constant 0 : index
    %get3A_12 = arith.constant 0 : index
    %get3A_13 = vector.load %arg1[%get3A_10, %get3A_11, %get3A_12] : memref<2x1000x128xf32, #tpu.memory_space<vmem>>, vector<1x1000x128xf32>
    %get3A_14 = vector.shape_cast %get3A_13 : vector<1x1000x128xf32> to vector<1000x128xf32>
    %get3A_15 = arith.constant 1 : index
    %get3A_16 = arith.constant 0 : index
    %get3A_17 = arith.constant 0 : index
    %get3A_18 = vector.load %arg1[%get3A_15, %get3A_16, %get3A_17] : memref<2x1000x128xf32, #tpu.memory_space<vmem>>, vector<1x1000x128xf32>
    %get3A_19 = vector.shape_cast %get3A_18 : vector<1x1000x128xf32> to vector<1000x128xf32>
    %add3A_20 = arith.addf %get3A_14, %get3A_19 : vector<1000x128xf32>
    %get3A_21 = arith.constant 0 : index
    %get3A_22 = arith.constant 0 : index
    %get3A_23 = vector.load %arg2[%get3A_21, %get3A_22] : memref<1000x128xf32, #tpu.memory_space<vmem>>, vector<1000x128xf32>
    %add3A_24 = arith.addf %add3A_20, %get3A_23 : vector<1000x128xf32>
    %mul3A = vector.broadcast %rsqrt3A : vector<1000x1xf32> to vector<1000x128xf32>
    %mul3A_25 = arith.mulf %mul3A, %add3A_24 : vector<1000x128xf32>
    %get3A_26 = arith.constant 0 : index
    %get3A_27 = arith.constant 0 : index
    %get3A_28 = vector.load %arg7[%get3A_26, %get3A_27] : memref<1x128xf32, #tpu.memory_space<vmem>>, vector<1x128xf32>
    %add3A_29 = vector.broadcast %get3A_28 : vector<1x128xf32> to vector<1000x128xf32>
    %add3A_30 = arith.addf %mul3A_25, %add3A_29 : vector<1000x128xf32>
    %max3A = arith.constant 0.000000e+00 : f32
    %max3A_31 = vector.broadcast %max3A : f32 to vector<1000x128xf32>
    %max3A_32 = arith.maximumf %add3A_30, %max3A_31 : vector<1000x128xf32>
    %iota3A = tpu.iota {dimensions = array<i32: 1>} : vector<1x64xi32>
    %get3A_33 = arith.constant 0 : index
    %get3A_34 = arith.constant 0 : index
    %get3A_35 = vector.load %arg5[%get3A_33, %get3A_34] : memref<1000x1xi32, #tpu.memory_space<vmem>>, vector<1000x1xi32>
    %eq3A_36 = vector.broadcast %get3A_35 : vector<1000x1xi32> to vector<1000x64xi32>
    %eq3A_37 = vector.broadcast %iota3A : vector<1x64xi32> to vector<1000x64xi32>
    %eq3A_38 = arith.cmpi eq, %eq3A_36, %eq3A_37 : vector<1000x64xi32>
    %convert_element_type3A_39 = arith.extui %eq3A_38 : vector<1000x64xi1> to vector<1000x64xi32>
    %convert_element_type3A_40 = arith.sitofp %convert_element_type3A_39 : vector<1000x64xi32> to vector<1000x64xf32>
    %get3A_41 = arith.constant 0 : index
    %get3A_42 = arith.constant 0 : index
    %get3A_43 = vector.load %arg10[%get3A_41, %get3A_42] : memref<64x128xf32, #tpu.memory_space<vmem>>, vector<64x128xf32>
    %dot_general3A = arith.constant dense<0.000000e+00> : vector<64x128xf32>
    %dot_general3A_44 = tpu.matmul %convert_element_type3A_40, %max3A_32, %dot_general3A {dimension_numbers = #tpu.dot_dimension_numbers<[0], [0], [1], [1], [0, 1, 1, 1], [], []>, transpose_lhs_hint = false} : vector<1000x64xf32>, vector<1000x128xf32>, vector<64x128xf32> -> vector<64x128xf32>
    %add3A_45 = arith.addf %get3A_43, %dot_general3A_44 : vector<64x128xf32>
    %swap3A = arith.constant 0 : index
    %swap3A_46 = arith.constant 0 : index
    %swap3A_47 = vector.load %arg10[%swap3A, %swap3A_46] : memref<64x128xf32, #tpu.memory_space<vmem>>, vector<64x128xf32>
    tpu.vector_store %arg10[%swap3A, %swap3A_46], %add3A_45 {strides = array<i32>} : memref<64x128xf32, #tpu.memory_space<vmem>>, vector<64x128xf32>,
    %get3A_48 = arith.constant 0 : index
    %get3A_49 = arith.constant 0 : index
    %get3A_50 = vector.load %arg11[%get3A_48, %get3A_49] : memref<64x128xf32, #tpu.memory_space<vmem>>, vector<64x128xf32>
    %broadcast_in_dim3A = arith.constant 1.000000e+00 : f32
    %broadcast_in_dim3A_51 = vector.broadcast %broadcast_in_dim3A : f32 to vector<1000x128xf32>
    %dot_general3A_52 = arith.constant dense<0.000000e+00> : vector<64x128xf32>
    %dot_general3A_53 = tpu.matmul %convert_element_type3A_40, %broadcast_in_dim3A_51, %dot_general3A_52 {dimension_numbers = #tpu.dot_dimension_numbers<[0], [0], [1], [1], [0, 1, 1, 1], [], []>, transpose_lhs_hint = false} : vector<1000x64xf32>, vector<1000x128xf32>, vector<64x128xf32> -> vector<64x128xf32>
    %add3A_54 = arith.addf %get3A_50, %dot_general3A_53 : vector<64x128xf32>
    %swap3A_55 = arith.constant 0 : index
    %swap3A_56 = arith.constant 0 : index
    %swap3A_57 = vector.load %arg11[%swap3A_55, %swap3A_56] : memref<64x128xf32, #tpu.memory_space<vmem>>, vector<64x128xf32>
    tpu.vector_store %arg11[%swap3A_55, %swap3A_56], %add3A_54 {strides = array<i32>} : memref<64x128xf32, #tpu.memory_space<vmem>>, vector<64x128xf32>,
    %eq3A_58 = arith.constant 9 : i32
    %eq3A_59 = arith.cmpi eq, %arg0, %eq3A_58 : i32
    %convert_element_type3A_60 = arith.extui %eq3A_59 : i1 to i32
    %cond3A_61 = arith.constant 0 : i32
    %cond3A_62 = arith.cmpi ne, %convert_element_type3A_60, %cond3A_61 : i32
    scf.if %cond3A_62 {
      %get3A_63 = arith.constant 0 : index
      %get3A_64 = arith.constant 0 : index
      %get3A_65 = vector.load %arg11[%get3A_63, %get3A_64] : memref<64x128xf32, #tpu.memory_space<vmem>>, vector<64x128xf32>
      %get3A_66 = arith.constant 0 : index
      %get3A_67 = arith.constant 0 : index
      %get3A_68 = vector.load %arg10[%get3A_66, %get3A_67] : memref<64x128xf32, #tpu.memory_space<vmem>>, vector<64x128xf32>
      %max3A_69 = arith.constant 1.000000e+00 : f32
      %max3A_70 = vector.broadcast %max3A_69 : f32 to vector<64x128xf32>
      %max3A_71 = arith.maximumf %get3A_65, %max3A_70 : vector<64x128xf32>
      %div3A = arith.divf %get3A_68, %max3A_71 : vector<64x128xf32>
      %swap3A_72 = arith.constant 0 : index
      %swap3A_73 = arith.constant 0 : index
      %swap3A_74 = vector.load %arg8[%swap3A_72, %swap3A_73] : memref<64x128xf32, #tpu.memory_space<vmem>>, vector<64x128xf32>
      tpu.vector_store %arg8[%swap3A_72, %swap3A_73], %div3A {strides = array<i32>} : memref<64x128xf32, #tpu.memory_space<vmem>>, vector<64x128xf32>,
      %gt3A = arith.constant 0.000000e+00 : f32
      %gt3A_75 = vector.broadcast %gt3A : f32 to vector<64x128xf32>
      %gt3A_76 = arith.cmpf ogt, %get3A_65, %gt3A_75 : vector<64x128xf32>
      %get3A_77 = arith.constant 0 : index
      %get3A_78 = arith.constant 0 : index
      %get3A_79 = vector.load %arg6[%get3A_77, %get3A_78] : memref<64x128xf32, #tpu.memory_space<vmem>>, vector<64x128xf32>
      %jit3A = arith.constant 0.000000e+00 : f32
      %broadcast_in_dim3A_80 = vector.broadcast %jit3A : f32 to vector<64x128xf32>
      %select_n3A = arith.select %gt3A_76, %get3A_79, %broadcast_in_dim3A_80 : vector<64x128xi1>, vector<64x128xf32>
      %swap3A_81 = arith.constant 0 : index
      %swap3A_82 = arith.constant 0 : index
      %swap3A_83 = vector.load %arg9[%swap3A_81, %swap3A_82] : memref<64x128xf32, #tpu.memory_space<vmem>>, vector<64x128xf32>
      tpu.vector_store %arg9[%swap3A_81, %swap3A_82], %select_n3A {strides = array<i32>} : memref<64x128xf32, #tpu.memory_space<vmem>>, vector<64x128xf32>,
    } else {
    }
    return
  }
  func.func @transform_0(%arg0: i32) -> (i32, i32, i32) {
    %c0_i32 = arith.constant 0 : i32
    %c0_i32_0 = arith.constant 0 : i32
    %c0_i32_1 = arith.constant 0 : i32
    return %c0_i32, %arg0, %c0_i32_0 : i32, i32, i32
  }
  func.func @transform_1(%arg0: i32) -> (i32, i32) {
    %c0_i32 = arith.constant 0 : i32
    %c0_i32_0 = arith.constant 0 : i32
    return %arg0, %c0_i32 : i32, i32
  }
  func.func @transform_2(%arg0: i32) -> (i32, i32) {
    %c0_i32 = arith.constant 0 : i32
    %c0_i32_0 = arith.constant 0 : i32
    return %arg0, %c0_i32 : i32, i32
  }
  func.func @transform_3(%arg0: i32) -> (i32, i32) {
    %c0_i32 = arith.constant 0 : i32
    %c0_i32_0 = arith.constant 0 : i32
    return %arg0, %c0_i32 : i32, i32
  }
  func.func @transform_4(%arg0: i32) -> (i32, i32) {
    %c0_i32 = arith.constant 0 : i32
    %c0_i32_0 = arith.constant 0 : i32
    return %arg0, %c0_i32 : i32, i32
  }
  func.func @transform_5(%arg0: i32) -> (i32, i32) {
    %c0_i32 = arith.constant 0 : i32
    %c0_i32_0 = arith.constant 0 : i32
    %c0_i32_1 = arith.constant 0 : i32
    return %c0_i32, %c0_i32_0 : i32, i32
  }
  func.func @transform_6(%arg0: i32) -> (i32, i32) {
    %c0_i32 = arith.constant 0 : i32
    %c0_i32_0 = arith.constant 0 : i32
    %c0_i32_1 = arith.constant 0 : i32
    return %c0_i32, %c0_i32_0 : i32, i32
  }
  func.func @transform_7(%arg0: i32) -> (i32, i32) {
    %c0_i32 = arith.constant 0 : i32
    %c0_i32_0 = arith.constant 0 : i32
    %c0_i32_1 = arith.constant 0 : i32
    return %c0_i32, %c0_i32_0 : i32, i32
  }
  func.func @transform_8(%arg0: i32) -> (i32, i32) {
    %c0_i32 = arith.constant 0 : i32
    %c0_i32_0 = arith.constant 0 : i32
    %c0_i32_1 = arith.constant 0 : i32
    return %c0_i32, %c0_i32_0 : i32, i32
  }
}

</mosaic_0001>

<sc_bundles>
// kernel: kernel.10.cloned.1.call-start
scs
__scs_entry_jumppad:
0x0: {  	(pc) =	sbr.rel $0x88, $3  }
0x1: {  	(tag) =	ssettag $0x0;
	lr =	simm.s32 $0x1  }
0x2: {  	[smem:$0x3F99] =	sst lr;
	_ =	strace $0xD0000000  }
0x3: {  	_ = 	snop  }
0x4: {  	_ = 	snop  }
0x5: {  	_ = 	snop  }
0x6: {  	_ = 	snop  }
0x7: {  	_ = 	snop  }
__scs_overlays_trampoline_lowered:
0x8: {  	[smem:$0x3FA8] =	sst s0  }
0x9: {  	[smem:$0x3FA9] =	sst s1  }
0xa: {  	[smem:$0x3FAA] =	sst s2  }
0xb: {  	[smem:$0x3FAB] =	sst s3  }
0xc: {  	[smem:$0x3FAC] =	sst s4  }
0xd: {  	[smem:$0x3FAD] =	sst s5  }
0xe: {  	[smem:$0x3FAE] =	sst s6  }
0xf: {  	[smem:$0x3FAF] =	sst s7  }
0x10: {  	[smem:$0x3FB0] =	sst s8  }
0x11: {  	[smem:$0x3FB1] =	sst s9;
	s0 =	simm.s32 @!p0 $0x0  }
0x12: {  	s1 =	sld [smem:$0x3F97];
	s0 =	simm.s32 @p0 $0x1  }
0x13: {  	[smem:$0x3FB2] =	sst s0;
	s0 =	simm.s32 @!p1 $0x0  }
0x14: {  	s2 =	sld [smem:$0x3F96];
	s0 =	simm.s32 @p1 $0x1  }
0x15: {  	[smem:$0x3FB3] =	sst s0;
	s0 =	simm.s32 @!p2 $0x0  }
0x16: {  	s3 =	sld [smem:$0x3FDB];
	s0 =	simm.s32 @p2 $0x1  }
0x17: {  	s4 =	simm.s32 $0x1BF5;
	[smem:$0x3FB5] =	sst s0  }
0x18: {  	s0 =	sld [smem:$0x3F98];
	_ =	swait.ge [sflag:s4], $0x0  }
0x19: {  	s7 =	sld [smem:$0x3F99]  }
0x1a: {  	s8 =	sadd.s32 $0xFFFFE003, lr  }
0x1b: {  	s9 =	sadd.s32 $0xFFFFFEF7, lr;
	s5 =	simm.s32 $0xFFFFFFFF;
	p2 =	slt.u32 s8, $0xFFFFF086  }
0x1c: {  	p1 =	slt.u32 s9, $0xF7A;
	s5 =	simm.s32 @!p2 $0x0  }
0x1d: {  	s5 =	simm.s32 @p1 $0x1;
	p0 =	seq.s32 s7, s2  }
0x1e: {  	s7 =	smul.u32 @!p0 $0xF7A, s2;
	p2 =	seq.s32 @!p0 s5, $0x0  }
0x1f: {  	s9 =	smul.u32 $0xF7A, s1;
	s8 =	simm.s32 @!p0 $0x1BF5;
	p2 =	por !p2, p0  }
0x20: {  	[sflag:s8] =	ssyncset.s32 @!p0 $0xFFFFF086;
	s6 =	sadd.s32 @!p0 s3, s7;
	s7 =	simm.s32 @!p0 $0x108  }
0x21: {  	s3 =	sadd.s32 s3, s9;
	s6 =	sadd.s32 @!p0 $0x88, s6;
	s7 =	simm.s32 @p2 $0x1082  }
0x22: {  	[simem:s7], [sflag:s8] =	dma.local @!p0 [hbm:s6], $0xF7A  }
0x23: {  	s9 =	sor.u32 $0xD0000000, s2;
	s6 =	simm.s32 $0x108;
	_ =	swait.ge @!p0 [sflag:s8], $0x0  }
0x24: {  	s3 =	sadd.s32 $0x88, s3;
	s6 =	simm.s32 @!p1 $0x1082;
	[sflag:s4] =	ssyncset.s32 $0xFFFFF086  }
0x25: {  	[simem:s6], [sflag:s4] =	dma.local [hbm:s3], $0xF7A  }
0x26: {  	[smem:$0x3F99] =	sst s1;
	(tag) =	ssettag s2;
	_ =	strace s9  }
0x27: {  	s1 =	sld [smem:$0x3FA9]  }
0x28: {  	s2 =	sld [smem:$0x3FAA]  }
0x29: {  	s4 =	sld [smem:$0x3FAC]  }
0x2a: {  	p0 =	seq.s32 s5, $0x0;
	s5 =	sld [smem:$0x3FAD]  }
0x2b: {  	s6 =	sld [smem:$0x3FAE]  }
0x2c: {  	s7 =	sld [smem:$0x3FAF]  }
0x2d: {  	s3 =	simm.s32 $0x108;
	s8 =	sld [smem:$0x3FB0]  }
0x2e: {  	s3 =	simm.s32 @!p0 $0x1082;
	s9 =	sld [smem:$0x3FB1]  }
0x2f: {  	lr =	sadd.s32 s0, s3;
	s0 =	sld [smem:$0x3FA8]  }
0x30: {  	s3 =	sld [smem:$0x3FAB]  }
0x31: {  	[smem:$0x3FB4] =	sst s10  }
0x32: {  	s10 =	sld [smem:$0x3FB2];
	_ =	sdelay $0x3  }
0x33: {  	p0 =	seq.s32 s10, $0x1;
	s10 =	sld [smem:$0x3FB4];
	_ =	sdelay $0x3  }
0x34: {  	[smem:$0x3FB4] =	sst s10  }
0x35: {  	s10 =	sld [smem:$0x3FB3];
	_ =	sdelay $0x3  }
0x36: {  	p1 =	seq.s32 s10, $0x1;
	s10 =	sld [smem:$0x3FB4];
	_ =	sdelay $0x3  }
0x37: {  	[smem:$0x3FB4] =	sst s10  }
0x38: {  	s10 =	sld [smem:$0x3FB5]  }
0x39: {  	_ = 	snop;
	(pc) =	sbr.ind lr, $3  }
0x3a: {  	_ = 	snop  }
0x3b: {  	_ = 	snop  }
0x3c: {  	p2 =	seq.s32 s10, $0x1;
	s10 =	sld [smem:$0x3FB4]  }
0x3d: {  	_ =	shalt  }
0x3e: {  	_ =	shalt  }
0x3f: {  	_ =	shalt  }
0x40: {  	_ =	shalt  }
0x41: {  	_ =	shalt  }
0x42: {  	_ =	shalt  }
0x43: {  	_ =	shalt  }
0x44: {  	_ =	shalt  }
0x45: {  	_ =	shalt  }
0x46: {  	_ =	shalt  }
0x47: {  	_ =	shalt  }
0x48: {  	_ =	shalt  }
0x49: {  	_ =	shalt  }
0x4a: {  	_ =	shalt  }
0x4b: {  	_ =	shalt  }
0x4c: {  	_ =	shalt  }
0x4d: {  	_ =	shalt  }
0x4e: {  	_ =	shalt  }
0x4f: {  	_ =	shalt  }
0x50: {  	_ =	shalt  }
0x51: {  	_ =	shalt  }
0x52: {  	_ =	shalt  }
0x53: {  	_ =	shalt  }
0x54: {  	_ =	shalt  }
0x55: {  	_ =	shalt  }
0x56: {  	_ =	shalt  }
0x57: {  	_ =	shalt  }
0x58: {  	_ =	shalt  }
0x59: {  	_ =	shalt  }
0x5a: {  	_ =	shalt  }
0x5b: {  	_ =	shalt  }
0x5c: {  	_ =	shalt  }
0x5d: {  	_ =	shalt  }
0x5e: {  	_ =	shalt  }
0x5f: {  	_ =	shalt  }
0x60: {  	_ =	shalt  }
0x61: {  	_ =	shalt  }
0x62: {  	_ =	shalt  }
0x63: {  	_ =	shalt  }
0x64: {  	_ =	shalt  }
0x65: {  	_ =	shalt  }
0x66: {  	_ =	shalt  }
0x67: {  	_ =	shalt  }
0x68: {  	_ =	shalt  }
0x69: {  	_ =	shalt  }
0x6a: {  	_ =	shalt  }
0x6b: {  	_ =	shalt  }
0x6c: {  	_ =	shalt  }
0x6d: {  	_ =	shalt  }
0x6e: {  	_ =	shalt  }
0x6f: {  	_ =	shalt  }
0x70: {  	_ =	shalt  }
0x71: {  	_ =	shalt  }
0x72: {  	_ =	shalt  }
0x73: {  	_ =	shalt  }
0x74: {  	_ =	shalt  }
0x75: {  	_ =	shalt  }
0x76: {  	_ =	shalt  }
0x77: {  	_ =	shalt  }
0x78: {  	_ =	shalt  }
0x79: {  	_ =	shalt  }
0x7a: {  	_ =	shalt  }
0x7b: {  	_ =	shalt  }
0x7c: {  	_ =	shalt  }
0x7d: {  	_ =	shalt  }
0x7e: {  	_ =	shalt  }
0x7f: {  	_ =	shalt  }
0x80: {  	_ =	shalt  }
0x81: {  	_ =	shalt  }
0x82: {  	_ =	shalt  }
0x83: {  	_ =	shalt  }
0x84: {  	_ =	shalt  }
0x85: {  	_ =	shalt  }
0x86: {  	_ =	shalt  }
0x87: {  	_ =	shalt  }
.Lfunc_end0:
.L_simem_size_0:
called_computation_lowered:
.L_overlay_start_0:
0x88: {  	s2 =	sld [smem:$0x3FD9]  }
0x89: {  	s3 =	sld [smem:$0x3FFE];
	_ =	sdelay $0x1  }
0x8a: {  	s1 =	srdreg.scid  }
0x8b: {  	s0 =	sand.u32 $0x1, s1  }
0x8c: {  	s16 =	sshll.u32 s0, $0xA;
	s2 =	sadd.s32 s3, s2  }
0x8d: {  	s2 =	sadd.s32 s2, s16  }
0x8e: {  	[smem:$0x3FC0] =	sst s2  }
0x8f: {  	_ = 	snop  }
0x90: {  	(tm) =	ssettm $0x1  }
0x91: {  	s17 =	sld [smem:$0x3FFB];
	_ =	sdelay $0x3  }
0x92: {  	_ =	strace s17  }
0x93: {  	s2 =	sld [smem:$0x3FFC];
	_ =	sdelay $0x3  }
0x94: {  	_ =	strace s2  }
0x95: {  	s2 =	sld [smem:$0x3FFD];
	_ =	sdelay $0x3  }
0x96: {  	_ =	strace s2  }
0x97: {  	_ =	strace $0x8FFFFFFF  }
0x98: {  	s18 =	sld [smem:$0x3FDB];
	_ =	sdelay $0x1  }
0x99: {  	s19 =	simm.s32 $_scs_section_size  }
0x9a: {  	s4 =	simm.s32 $_size__tile_overlayer_lowered;
	s5 =	simm.s32 $_tile_overlayer_lowered  }
0x9b: {  	s22 =	simm.s32 $0x1BFF;
	s21 =	sshll.u32 s5, $0x1;
	s2 =	sadd.s32 s19, s18  }
0x9c: {  	s6 =	simm.s32 $0x0;
	s20 =	sshll.u32 s4, $0x1;
	s4 =	sadd.s32 s21, s2  }
0x9d: {  	[timem:s6], [sflag:s22] =	dma.local [hbm:s4], s20  }
0x9e: {  	_ =	swait.ge [sflag:s22], s20  }
0x9f: {  	s3 =	ssub.s32 $0x0, s20;
	[sflag:s22] =	ssyncset.done $0x0  }
0xa0: {  	[sflag:s22] =	ssyncadd.s32 s3;
	_ =	sdelay $0x1  }
0xa1: {  	s23 =	simm.s32 $0x1B8B  }
0xa2: {  	_ =	swait.ge [sflag:s23], $0x1  }
0xa3: {  	[sflag:s23] =	ssyncset.done $0x0  }
0xa4: {  	s25 =	simm.s32 $0x1B8E;
	s24 =	sld [smem:$0x3FFE];
	[sflag:s23] =	ssyncadd.s32 $0xFFFFFFFF  }
0xa5: {  	s26 =	simm.s32 $execute0_lowered;
	[smem:$0x3FD2] =	sst s25  }
0xa6: {  	s4 =	sshll.u32 s26, $0x1;
	_ =	strace $0x80000046;
	[dreg:$0x1] =	wrdreg $0xFFFFFFFF  }
0xa7: {  	s28 =	simm.s32 $_size_execute0_lowered;
	s2 =	sadd.s32 s2, s4;
	[dreg:$0x0] =	wrdreg $0x0  }
0xa8: {  	s4 =	sshll.u32 s28, $0x1;
	[dreg:$0x2] =	wrdreg s2  }
0xa9: {  	[dreg:$0x3] =	wrdreg s4  }
0xaa: {  	[dreg:$0x4] =	wrdreg $0xC0  }
0xab: {  	_ =	task [dreg:s6], $0x5FFFF  }
0xac: {  	[dreg:$0x1] =	wrdreg $0xFFFFFFFF  }
0xad: {  	[dreg:$0x0] =	wrdreg $0x60  }
0xae: {  	[dreg:$0x2] =	wrdreg s24  }
0xaf: {  	[dreg:$0x3] =	wrdreg $0x29000  }
0xb0: {  	[dreg:$0x4] =	wrdreg $0x9  }
0xb1: {  	_ =	task.clear_ibuf [dreg:s6], $0x5FFFF;
	_ =	strace $0x90000046  }
0xb2: {  	s29 =	simm.s32 $0x9;
	_ =	strace $0x80000048  }
0xb3: {  	_ =	swait.ge [sflag:s29], $0x1  }
0xb4: {  	[sflag:s29] =	ssyncadd.s32 $0xFFFFFFFF  }
0xb5: {  	_ =	strace $0x90000048  }
0xb6: {  	_ =	sfence  }
0xb7: {  	s30 =	sld [smem:$0x0];
	_ =	sdelay $0x2  }
0xb8: {  	s31 =	sshll.u32 s1, $0xD;
	s1 =	sshrl.u32 s1, $0x2  }
0xb9: {  	s3 =	sand.u32 $0x4000, s31;
	s1 =	sadd.s32 s1, s30  }
0xba: {  	s0 =	sor.u32 s3, s0;
	s1 =	sshll.u32 s1, $0x11  }
0xbb: {  	s0 =	sor.u32 s1, s0  }
0xbc: {  	s0 =	sadd.s32 $0x8F2B, s0  }
0xbd: {  	[sflag:s0] =	ssyncadd.remote.s32 $0x1  }
0xbe: {  	_ =	sfence.sel $0xFFFF  }
0xbf: {  	[dreg:$0x0] =	wrdreg $0xFFFFFFFF;
	(pc) =	sbr.abs _section_cstart, $3  }
0xc0: {  	[dreg:$0x1] =	wrdreg $0xFFFFFFFF  }
0xc1: {  	_ =	task.clear_ibuf [dreg:s6], $0x2FFFF;
	_ =	strace $0x9FFFFFFF  }
0xc2: {  	(tm) =	ssettm $0x7FFFFFFF  }
0xc3: {  	_ =	shalt  }
tec
execute0_lowered:
.L_overlay_start_1:
0x0: {  	(tag) =	ssettag $0x1  }
0x1: {  	s3 =	rddreg [dreg:$0x0];
	s0 =	srdreg.scid  }
0x2: {  	s1 =	rddreg [dreg:$0x1];
	s11 =	stileid.u32  }
0x3: {  	s2 =	simm.s32 $0x0;
	s9 =	simm.s32 $0x2880;
	s10 =	simm.s32 $0x1  }
0x4: {  	s13 =	simm.s32 $0x0;
	s4 =	sand.u32 $0x1, s0;
	s0 =	rddreg [dreg:$0x2]  }
0x5: {  	s6 =	smul.u32 $0x2800, s11;
	[smem:$0x7FF] =	sst s2;
	s8 =	sshll.u32 s11, $0xA  }
0x6: {  	p0 =	sne.s32 s11, $0x0;
	p1 =	sgt.u32 s11, $0x9;
	s5 =	smul.u32 $0x28000, s4  }
0x7: {  	s7 =	smul.u32 $0x2800, s4;
	_ =	strace $0x80000047;
	s4 =	ssub.s32 $0x2, s4  }
0x8: {  	s12 =	sadd.s32 s8, s1;
	s11 =	sshll.u32 @!p1 s11, $0x6;
	s31 =	sshrl.u32 s4, $0x1  }
0x9: {  	s11 =	sor.u32 @!p1 $0x1C02, s11;
	s12 =	sshrl.u32 @!p1 s12, $0x3;
	s5 =	sadd.s32 s6, s5  }
0xa: {  	s30 =	sadd.s32 s8, s7;
	s4 =	ssub.s32 s4, s31;
	s7 =	simm.s32 $0x80  }
0xb: {  	v0 =	vlaneseq.u32;
	s8 =	simm.s32 $0x50;
	s5 =	sshrl.u32 s5, $0x3;
	s6 =	sshrl.u32 s30, $0x3  }
0xc: {  	v1 =	vimm.f32 $0.0e+00;
	v6 =	vimm.f32 $1.000000000e+00;
	v2 =	vor.u32 $0x10, v0;
	s4 =	smax.u32 s4, $0x1;
	s5 =	sadd.s32 s5, s3;
	s3 =	sadd.s32 s6, s3  }
0xd: {  	v3 =	vor.u32 $0x20, v0;
	v4 =	vor.u32 $0x30, v0;
	v5 =	vor.u32 $0x40, v0;
	s6 =	simm.s32 $0x2;
	s3 =	sadd.s32 $0xE200, s3;
	s5 =	sadd.s32 $0x4000, s5  }
.LBB2_1:
0xe: {  	s14 =	simm.s32 $0x0;
	s15 =	simm.s32 $0x200  }
.LBB2_2:
0xf: {  	p2 =	sne.s32 s15, $0x9E00;
	[tilespmem:s14+$0xF0] =	vst v1  }
0x10: {  	[tilespmem:s14+$0x80] =	vst v1  }
0x11: {  	[tilespmem:s14+$0x90] =	vst v1  }
.Ltmp0:
0x12: {  	[tilespmem:s14+$0xA0] =	vst v1;
	(pc) =	sbr.rel @p2 .LBB2_2-.Ltmp0, $4  }
0x13: {  	[tilespmem:s14+$0xB0] =	vst v1  }
0x14: {  	[tilespmem:s14+$0xC0] =	vst v1  }
0x15: {  	[tilespmem:s14+$0xD0] =	vst v1  }
0x16: {  	[tilespmem:s14+$0xE0] =	vst v1;
	s14 =	sshra.s32 s15, $0x2;
	s15 =	sadd.s32 $0x200, s15  }
0x17: {  	[tilespmem:s14+$0xF0] =	vst v1  }
0x18: {  	[tilespmem:s14+$0x80] =	vst v1  }
0x19: {  	[tilespmem:s14+$0x90] =	vst v1  }
0x1a: {  	[tilespmem:s14+$0xA0] =	vst v1  }
0x1b: {  	[tilespmem:s14+$0xB0] =	vst v1  }
0x1c: {  	[tilespmem:s14+$0xC0] =	vst v1  }
0x1d: {  	[tilespmem:s14+$0xD0] =	vst v1  }
0x1e: {  	[tilespmem:s14+$0xE0] =	vst v1  }
0x1f: {  	[tilespmem:$0x2880] =	vst v0  }
0x20: {  	[tilespmem:$0x2890] =	vst v2  }
0x21: {  	[tilespmem:$0x28A0] =	vst v3  }
0x22: {  	[tilespmem:$0x28B0] =	vst v4  }
0x23: {  	s14 =	simm.s32 @!p0 $0x80;
	[tilespmem:$0x28C0] =	vst v5  }
0x24: {  	[spmem:s1] =	stream.linear.scatter @!p0 [tilespmem:s14], [sflag:$0x2], $0x2800, $0x38;
	[tilespmem:$0x2B80] =	vst v63  }
0x25: {  	s14 =	simm.s32 @!p0 $0x2  }
0x26: {  	_ =	swait.ge @!p0 [sflag:s14], $0x2800  }
0x27: {  	[sflag:s14] =	ssyncset.done @!p0 $0x0  }
0x28: {  	[sflag:s14] =	ssyncadd.s32 @!p0 $0xFFFFD800  }
0x29: {  	s14 =	simm.s32 $0x0;
	[bflag:$0x0] =	sbarrier.arrive $0xFFFF  }
.LBB2_4:
0x2a: {  	s15 =	sadd.s32 s14, s5  }
0x2b: {  	[tilespmem:s2], [sflag:$0x2] =	stream.linear.gather [hbm4b:s15+s2], $0x80, $0x38;
	[tilespmem:$0x2B80] =	vst v63  }
0x2c: {  	_ =	swait.ge [sflag:s6], $0x80  }
0x2d: {  	[sflag:s6] =	ssyncset.done $0x0  }
0x2e: {  	[sflag:s6] =	ssyncadd.s32 $0xFFFFFF80  }
0x2f: {  	v7 =	vld [tilespmem:$0x0];
	_ =	sdelay $0x7  }
0x30: {  	[tilespmem:v7+s7+$0x0] =	vst.idx.add.f32.msk $0xffff, v6  }
0x31: {  	v7 =	vld [tilespmem:$0x10];
	_ =	sdelay $0x7  }
0x32: {  	[tilespmem:v7+s7+$0x0] =	vst.idx.add.f32.msk $0xffff, v6  }
0x33: {  	v7 =	vld [tilespmem:$0x20];
	_ =	sdelay $0x7  }
0x34: {  	[tilespmem:v7+s7+$0x0] =	vst.idx.add.f32.msk $0xffff, v6  }
0x35: {  	v7 =	vld [tilespmem:$0x30];
	_ =	sdelay $0x7  }
0x36: {  	[tilespmem:v7+s7+$0x0] =	vst.idx.add.f32.msk $0xffff, v6  }
0x37: {  	v7 =	vld [tilespmem:$0x40];
	_ =	sdelay $0x7  }
0x38: {  	[tilespmem:v7+s7+$0x0] =	vst.idx.add.f32.msk $0xffff, v6  }
0x39: {  	v7 =	vld [tilespmem:$0x50];
	_ =	sdelay $0x7  }
0x3a: {  	[tilespmem:v7+s7+$0x0] =	vst.idx.add.f32.msk $0xffff, v6  }
0x3b: {  	v7 =	vld [tilespmem:$0x60];
	_ =	sdelay $0x7  }
0x3c: {  	[tilespmem:v7+s7+$0x0] =	vst.idx.add.f32.msk $0xffff, v6  }
0x3d: {  	v7 =	vld [tilespmem:$0x70];
	_ =	sdelay $0x2  }
0x3e: {  	p2 =	sne.s32 s14, $0x4F0  }
.Ltmp1:
0x3f: {  	_ = 	snop;
	(pc) =	sbr.rel @p2 .LBB2_4-.Ltmp1, $2  }
0x40: {  	_ =	sdelay $0x2  }
0x41: {  	s14 =	sadd.s32 $0x10, s14;
	[tilespmem:v7+s7+$0x0] =	vst.idx.add.f32.msk $0xffff, v6  }
0x42: {  	[spmem:s1] =	stream.indirect.scatter.add.f32 [tilespmem:s7], [sflag:$0x1], $0x80, s9, s8, $0xb8;
	[tilespmem:$0x2B80] =	vst v63  }
0x43: {  	_ =	swait.ge [sflag:s10], $0x2800  }
0x44: {  	s13 =	sadd.s32 $0x1, s13;
	[sflag:s10] =	ssyncset.done $0x0  }
0x45: {  	p2 =	sne.s32 s13, s4;
	[sflag:s10] =	ssyncadd.s32 $0xFFFFD800  }
.Ltmp2:
0x46: {  	s14 =	simm.s32 @!p1 $0x2;
	[bflag:$0x0] =	sbarrier.arrive $0xFFFF;
	(pc) =	sbr.rel @p2 .LBB2_1-.Ltmp2, $4  }
0x47: {  	[hbm:s3], [sflag:s11] =	dma.local @!p1 [spmem:s12], $0x80  }
0x48: {  	_ =	swait.ge @!p1 [sflag:s14], $0x80  }
0x49: {  	[sflag:s14] =	ssyncset.done @!p1 $0x0  }
0x4a: {  	[sflag:s14] =	ssyncadd.s32 @!p1 $0xFFFFFF80  }
0x4b: {  	_ =	sfence.sel $0x180000  }
0x4c: {  	[bflag:$0x0] =	sbarrier.arrive $0xFFFF  }
0x4d: {  	_ =	strace $0x90000047  }
0x4e: {  	s0 =	sadd.s32 @!p0 $0x100000, s0;
	[bflag:$0x2] =	sbarrier.arrive $0xFFFF  }
0x4f: {  	[sflag:s0] =	ssyncadd.tile.s32 @!p0 $0x1;
	_ =	shalt  }
.Lfunc_end2:
_tile_overlayer_lowered:
.L_overlay_start_2:
0x50: {  	(tag) =	ssettag $0x2  }
0x51: {  	s0 =	rddreg [dreg:$0x0];
	s2 =	stileid.u32  }
0x52: {  	s1 =	rddreg [dreg:$0x1];
	p0 =	sne.s32 s2, $0x0  }
0x53: {  	s3 =	rddreg [dreg:$0x2];
	[bflag:$0x3] =	sbarrier.arrive $0xFFFF;
	s2 =	simm.s32 @!p0 $0x1C02  }
0x54: {  	[timem:s3], [sflag:s2] =	dma.local @!p0 [hbm:s0], s1  }
0x55: {  	s0 =	simm.s32 @!p0 $0x2  }
0x56: {  	_ =	swait.ge @!p0 [sflag:s0], s1  }
0x57: {  	s1 =	ssub.s32 @!p0 $0x0, s1;
	[sflag:s0] =	ssyncset.done @!p0 $0x0  }
0x58: {  	[sflag:s0] =	ssyncadd.s32 @!p0 s1  }
0x59: {  	[bflag:$0x3] =	sbarrier.arrive $0xFFFF  }
0x5a: {  	_ =	shalt  }

// kernel: kernel.13.cloned.1.call-start
scs
__scs_entry_jumppad:
0x0: {  	(pc) =	sbr.rel $0x88, $3  }
0x1: {  	(tag) =	ssettag $0x0;
	lr =	simm.s32 $0x1  }
0x2: {  	[smem:$0x3F99] =	sst lr;
	_ =	strace $0xD0000000  }
0x3: {  	_ = 	snop  }
0x4: {  	_ = 	snop  }
0x5: {  	_ = 	snop  }
0x6: {  	_ = 	snop  }
0x7: {  	_ = 	snop  }
__scs_overlays_trampoline_lowered:
0x8: {  	[smem:$0x3FA8] =	sst s0  }
0x9: {  	[smem:$0x3FA9] =	sst s1  }
0xa: {  	[smem:$0x3FAA] =	sst s2  }
0xb: {  	[smem:$0x3FAB] =	sst s3  }
0xc: {  	[smem:$0x3FAC] =	sst s4  }
0xd: {  	[smem:$0x3FAD] =	sst s5  }
0xe: {  	[smem:$0x3FAE] =	sst s6  }
0xf: {  	[smem:$0x3FAF] =	sst s7  }
0x10: {  	[smem:$0x3FB0] =	sst s8  }
0x11: {  	[smem:$0x3FB1] =	sst s9;
	s0 =	simm.s32 @!p0 $0x0  }
0x12: {  	s1 =	sld [smem:$0x3F97];
	s0 =	simm.s32 @p0 $0x1  }
0x13: {  	[smem:$0x3FB2] =	sst s0;
	s0 =	simm.s32 @!p1 $0x0  }
0x14: {  	s2 =	sld [smem:$0x3F96];
	s0 =	simm.s32 @p1 $0x1  }
0x15: {  	[smem:$0x3FB3] =	sst s0;
	s0 =	simm.s32 @!p2 $0x0  }
0x16: {  	s3 =	sld [smem:$0x3FDB];
	s0 =	simm.s32 @p2 $0x1  }
0x17: {  	s4 =	simm.s32 $0x1BF5;
	[smem:$0x3FB5] =	sst s0  }
0x18: {  	s0 =	sld [smem:$0x3F98];
	_ =	swait.ge [sflag:s4], $0x0  }
0x19: {  	s7 =	sld [smem:$0x3F99]  }
0x1a: {  	s8 =	sadd.s32 $0xFFFFE003, lr  }
0x1b: {  	s9 =	sadd.s32 $0xFFFFFEF7, lr;
	s5 =	simm.s32 $0xFFFFFFFF;
	p2 =	slt.u32 s8, $0xFFFFF086  }
0x1c: {  	p1 =	slt.u32 s9, $0xF7A;
	s5 =	simm.s32 @!p2 $0x0  }
0x1d: {  	s5 =	simm.s32 @p1 $0x1;
	p0 =	seq.s32 s7, s2  }
0x1e: {  	s7 =	smul.u32 @!p0 $0xF7A, s2;
	p2 =	seq.s32 @!p0 s5, $0x0  }
0x1f: {  	s9 =	smul.u32 $0xF7A, s1;
	s8 =	simm.s32 @!p0 $0x1BF5;
	p2 =	por !p2, p0  }
0x20: {  	[sflag:s8] =	ssyncset.s32 @!p0 $0xFFFFF086;
	s6 =	sadd.s32 @!p0 s3, s7;
	s7 =	simm.s32 @!p0 $0x108  }
0x21: {  	s3 =	sadd.s32 s3, s9;
	s6 =	sadd.s32 @!p0 $0x88, s6;
	s7 =	simm.s32 @p2 $0x1082  }
0x22: {  	[simem:s7], [sflag:s8] =	dma.local @!p0 [hbm:s6], $0xF7A  }
0x23: {  	s9 =	sor.u32 $0xD0000000, s2;
	s6 =	simm.s32 $0x108;
	_ =	swait.ge @!p0 [sflag:s8], $0x0  }
0x24: {  	s3 =	sadd.s32 $0x88, s3;
	s6 =	simm.s32 @!p1 $0x1082;
	[sflag:s4] =	ssyncset.s32 $0xFFFFF086  }
0x25: {  	[simem:s6], [sflag:s4] =	dma.local [hbm:s3], $0xF7A  }
0x26: {  	[smem:$0x3F99] =	sst s1;
	(tag) =	ssettag s2;
	_ =	strace s9  }
0x27: {  	s1 =	sld [smem:$0x3FA9]  }
0x28: {  	s2 =	sld [smem:$0x3FAA]  }
0x29: {  	s4 =	sld [smem:$0x3FAC]  }
0x2a: {  	p0 =	seq.s32 s5, $0x0;
	s5 =	sld [smem:$0x3FAD]  }
0x2b: {  	s6 =	sld [smem:$0x3FAE]  }
0x2c: {  	s7 =	sld [smem:$0x3FAF]  }
0x2d: {  	s3 =	simm.s32 $0x108;
	s8 =	sld [smem:$0x3FB0]  }
0x2e: {  	s3 =	simm.s32 @!p0 $0x1082;
	s9 =	sld [smem:$0x3FB1]  }
0x2f: {  	lr =	sadd.s32 s0, s3;
	s0 =	sld [smem:$0x3FA8]  }
0x30: {  	s3 =	sld [smem:$0x3FAB]  }
0x31: {  	[smem:$0x3FB4] =	sst s10  }
0x32: {  	s10 =	sld [smem:$0x3FB2];
	_ =	sdelay $0x3  }
0x33: {  	p0 =	seq.s32 s10, $0x1;
	s10 =	sld [smem:$0x3FB4];
	_ =	sdelay $0x3  }
0x34: {  	[smem:$0x3FB4] =	sst s10  }
0x35: {  	s10 =	sld [smem:$0x3FB3];
	_ =	sdelay $0x3  }
0x36: {  	p1 =	seq.s32 s10, $0x1;
	s10 =	sld [smem:$0x3FB4];
	_ =	sdelay $0x3  }
0x37: {  	[smem:$0x3FB4] =	sst s10  }
0x38: {  	s10 =	sld [smem:$0x3FB5]  }
0x39: {  	_ = 	snop;
	(pc) =	sbr.ind lr, $3  }
0x3a: {  	_ = 	snop  }
0x3b: {  	_ = 	snop  }
0x3c: {  	p2 =	seq.s32 s10, $0x1;
	s10 =	sld [smem:$0x3FB4]  }
0x3d: {  	_ =	shalt  }
0x3e: {  	_ =	shalt  }
0x3f: {  	_ =	shalt  }
0x40: {  	_ =	shalt  }
0x41: {  	_ =	shalt  }
0x42: {  	_ =	shalt  }
0x43: {  	_ =	shalt  }
0x44: {  	_ =	shalt  }
0x45: {  	_ =	shalt  }
0x46: {  	_ =	shalt  }
0x47: {  	_ =	shalt  }
0x48: {  	_ =	shalt  }
0x49: {  	_ =	shalt  }
0x4a: {  	_ =	shalt  }
0x4b: {  	_ =	shalt  }
0x4c: {  	_ =	shalt  }
0x4d: {  	_ =	shalt  }
0x4e: {  	_ =	shalt  }
0x4f: {  	_ =	shalt  }
0x50: {  	_ =	shalt  }
0x51: {  	_ =	shalt  }
0x52: {  	_ =	shalt  }
0x53: {  	_ =	shalt  }
0x54: {  	_ =	shalt  }
0x55: {  	_ =	shalt  }
0x56: {  	_ =	shalt  }
0x57: {  	_ =	shalt  }
0x58: {  	_ =	shalt  }
0x59: {  	_ =	shalt  }
0x5a: {  	_ =	shalt  }
0x5b: {  	_ =	shalt  }
0x5c: {  	_ =	shalt  }
0x5d: {  	_ =	shalt  }
0x5e: {  	_ =	shalt  }
0x5f: {  	_ =	shalt  }
0x60: {  	_ =	shalt  }
0x61: {  	_ =	shalt  }
0x62: {  	_ =	shalt  }
0x63: {  	_ =	shalt  }
0x64: {  	_ =	shalt  }
0x65: {  	_ =	shalt  }
0x66: {  	_ =	shalt  }
0x67: {  	_ =	shalt  }
0x68: {  	_ =	shalt  }
0x69: {  	_ =	shalt  }
0x6a: {  	_ =	shalt  }
0x6b: {  	_ =	shalt  }
0x6c: {  	_ =	shalt  }
0x6d: {  	_ =	shalt  }
0x6e: {  	_ =	shalt  }
0x6f: {  	_ =	shalt  }
0x70: {  	_ =	shalt  }
0x71: {  	_ =	shalt  }
0x72: {  	_ =	shalt  }
0x73: {  	_ =	shalt  }
0x74: {  	_ =	shalt  }
0x75: {  	_ =	shalt  }
0x76: {  	_ =	shalt  }
0x77: {  	_ =	shalt  }
0x78: {  	_ =	shalt  }
0x79: {  	_ =	shalt  }
0x7a: {  	_ =	shalt  }
0x7b: {  	_ =	shalt  }
0x7c: {  	_ =	shalt  }
0x7d: {  	_ =	shalt  }
0x7e: {  	_ =	shalt  }
0x7f: {  	_ =	shalt  }
0x80: {  	_ =	shalt  }
0x81: {  	_ =	shalt  }
0x82: {  	_ =	shalt  }
0x83: {  	_ =	shalt  }
0x84: {  	_ =	shalt  }
0x85: {  	_ =	shalt  }
0x86: {  	_ =	shalt  }
0x87: {  	_ =	shalt  }
.Lfunc_end0:
.L_simem_size_0:
called_computation.1_lowered:
.L_overlay_start_0:
0x88: {  	s2 =	sld [smem:$0x3FD9]  }
0x89: {  	s3 =	sld [smem:$0x3FFE];
	_ =	sdelay $0x1  }
0x8a: {  	s1 =	srdreg.scid  }
0x8b: {  	s0 =	sand.u32 $0x1, s1  }
0x8c: {  	s16 =	sshll.u32 s0, $0xA;
	s2 =	sadd.s32 s3, s2  }
0x8d: {  	s2 =	sadd.s32 s2, s16  }
0x8e: {  	[smem:$0x3FC0] =	sst s2  }
0x8f: {  	_ = 	snop  }
0x90: {  	(tm) =	ssettm $0x1  }
0x91: {  	s17 =	sld [smem:$0x3FFB];
	_ =	sdelay $0x3  }
0x92: {  	_ =	strace s17  }
0x93: {  	s2 =	sld [smem:$0x3FFC];
	_ =	sdelay $0x3  }
0x94: {  	_ =	strace s2  }
0x95: {  	s2 =	sld [smem:$0x3FFD];
	_ =	sdelay $0x3  }
0x96: {  	_ =	strace s2  }
0x97: {  	_ =	strace $0x8FFFFFFF  }
0x98: {  	s18 =	sld [smem:$0x3FDB];
	_ =	sdelay $0x1  }
0x99: {  	s19 =	simm.s32 $_scs_section_size  }
0x9a: {  	s4 =	simm.s32 $_size__tile_overlayer_lowered;
	s5 =	simm.s32 $_tile_overlayer_lowered  }
0x9b: {  	s22 =	simm.s32 $0x1BFF;
	s21 =	sshll.u32 s5, $0x1;
	s2 =	sadd.s32 s19, s18  }
0x9c: {  	s6 =	simm.s32 $0x0;
	s20 =	sshll.u32 s4, $0x1;
	s4 =	sadd.s32 s21, s2  }
0x9d: {  	[timem:s6], [sflag:s22] =	dma.local [hbm:s4], s20  }
0x9e: {  	_ =	swait.ge [sflag:s22], s20  }
0x9f: {  	s3 =	ssub.s32 $0x0, s20;
	[sflag:s22] =	ssyncset.done $0x0  }
0xa0: {  	[sflag:s22] =	ssyncadd.s32 s3;
	_ =	sdelay $0x1  }
0xa1: {  	s23 =	simm.s32 $0x1B8B  }
0xa2: {  	_ =	swait.ge [sflag:s23], $0x1  }
0xa3: {  	[sflag:s23] =	ssyncset.done $0x0  }
0xa4: {  	s25 =	simm.s32 $0x1B8E;
	s24 =	sld [smem:$0x3FFE];
	[sflag:s23] =	ssyncadd.s32 $0xFFFFFFFF  }
0xa5: {  	s26 =	simm.s32 $execute0_lowered;
	[smem:$0x3FD2] =	sst s25  }
0xa6: {  	s4 =	sshll.u32 s26, $0x1;
	_ =	strace $0x80000049;
	[dreg:$0x1] =	wrdreg $0xFFFFFFFF  }
0xa7: {  	s28 =	simm.s32 $_size_execute0_lowered;
	s2 =	sadd.s32 s2, s4;
	[dreg:$0x0] =	wrdreg $0x0  }
0xa8: {  	s4 =	sshll.u32 s28, $0x1;
	[dreg:$0x2] =	wrdreg s2  }
0xa9: {  	[dreg:$0x3] =	wrdreg s4  }
0xaa: {  	[dreg:$0x4] =	wrdreg $0xC0  }
0xab: {  	_ =	task [dreg:s6], $0x5FFFF  }
0xac: {  	[dreg:$0x1] =	wrdreg $0xFFFFFFFF  }
0xad: {  	[dreg:$0x0] =	wrdreg $0x60  }
0xae: {  	[dreg:$0x2] =	wrdreg s24  }
0xaf: {  	[dreg:$0x3] =	wrdreg $0x83000  }
0xb0: {  	[dreg:$0x4] =	wrdreg $0x9  }
0xb1: {  	_ =	task.clear_ibuf [dreg:s6], $0x5FFFF;
	_ =	strace $0x90000049  }
0xb2: {  	s29 =	simm.s32 $0x9;
	_ =	strace $0x8000004B  }
0xb3: {  	_ =	swait.ge [sflag:s29], $0x1  }
0xb4: {  	[sflag:s29] =	ssyncadd.s32 $0xFFFFFFFF  }
0xb5: {  	_ =	strace $0x9000004B  }
0xb6: {  	_ =	sfence  }
0xb7: {  	s30 =	sld [smem:$0x0];
	_ =	sdelay $0x2  }
0xb8: {  	s31 =	sshll.u32 s1, $0xD;
	s1 =	sshrl.u32 s1, $0x2  }
0xb9: {  	s3 =	sand.u32 $0x4000, s31;
	s1 =	sadd.s32 s1, s30  }
0xba: {  	s0 =	sor.u32 s3, s0;
	s1 =	sshll.u32 s1, $0x11  }
0xbb: {  	s0 =	sor.u32 s1, s0  }
0xbc: {  	s0 =	sadd.s32 $0x8F2B, s0  }
0xbd: {  	[sflag:s0] =	ssyncadd.remote.s32 $0x1  }
0xbe: {  	_ =	sfence.sel $0xFFFF  }
0xbf: {  	[dreg:$0x0] =	wrdreg $0xFFFFFFFF;
	(pc) =	sbr.abs _section_cstart, $3  }
0xc0: {  	[dreg:$0x1] =	wrdreg $0xFFFFFFFF  }
0xc1: {  	_ =	task.clear_ibuf [dreg:s6], $0x2FFFF;
	_ =	strace $0x9FFFFFFF  }
0xc2: {  	(tm) =	ssettm $0x7FFFFFFF  }
0xc3: {  	_ =	shalt  }
tec
execute0_lowered:
.L_overlay_start_1:
0x0: {  	(tag) =	ssettag $0x1  }
0x1: {  	s0 =	rddreg [dreg:$0x0];
	s1 =	srdreg.scid  }
0x2: {  	s2 =	rddreg [dreg:$0x1];
	s11 =	stileid.u32;
	s3 =	simm.s32 $0x0  }
0x3: {  	s28 =	simm.s32 $0x80;
	s29 =	simm.s32 $0x100;
	s6 =	smul.u32 $0x14000, s11  }
0x4: {  	s30 =	simm.s32 $0x180;
	s31 =	simm.s32 $0x200;
	s8 =	smul.u32 $0x2800, s11  }
0x5: {  	s1 =	sand.u32 $0x1, s1;
	[smem:$0x7FF] =	sst s3;
	s24 =	smul.u32 $0x50000, s11  }
0x6: {  	s4 =	sadd.s32 $0x40000, s0;
	s9 =	sadd.s32 $0xEC00, s0;
	s5 =	smul.u32 $0x140000, s1  }
0x7: {  	s10 =	sadd.s32 $0x4000, s0;
	s7 =	smul.u32 $0x28000, s1;
	s1 =	ssub.s32 $0x2, s1  }
0x8: {  	_ =	strace $0x8000004A;
	s16 =	sshrl.u32 s1, $0x1;
	s5 =	sadd.s32 s6, s5  }
0x9: {  	s6 =	sadd.s32 s8, s7;
	s1 =	ssub.s32 s1, s16;
	s5 =	sshrl.u32 s5, $0x3  }
0xa: {  	s8 =	sshrl.u32 s6, $0x3;
	s11 =	sor.u32 $0x480, s6;
	s1 =	smax.u32 s1, $0x1  }
0xb: {  	s16 =	sor.u32 $0x380, s6;
	s18 =	sadd.s32 s9, s8;
	[dreg:$0x15] =	wrdreg s1  }
0xc: {  	s17 =	sor.u32 $0x10, s8;
	s12 =	sadd.s32 s10, s8;
	[dreg:$0x9] =	wrdreg s18  }
0xd: {  	s0 =	sadd.s32 s5, s0;
	s19 =	sadd.s32 s9, s17;
	[dreg:$0xb] =	wrdreg s12  }
0xe: {  	s20 =	sor.u32 $0x20, s8;
	s5 =	sadd.s32 s10, s17;
	[dreg:$0xa] =	wrdreg s19  }
0xf: {  	s21 =	sor.u32 $0x30, s8;
	s13 =	sadd.s32 s10, s20;
	[dreg:$0xc] =	wrdreg s5  }
0x10: {  	s8 =	sor.u32 $0x40, s8;
	s22 =	sadd.s32 s10, s21;
	[dreg:$0xd] =	wrdreg s13  }
0x11: {  	s1 =	simm.s32 $0x4300;
	s23 =	sadd.s32 s10, s8;
	[dreg:$0xe] =	wrdreg s22  }
0x12: {  	s7 =	sadd.s32 s9, s21;
	s25 =	sadd.s32 $0x50, s12;
	[dreg:$0x10] =	wrdreg s23  }
0x13: {  	s26 =	sadd.s32 s9, s8;
	s0 =	sadd.s32 $0x67200, s0;
	[dreg:$0x11] =	wrdreg s7  }
0x14: {  	s8 =	sshrl.u32 s24, $0x2;
	s12 =	sshrl.u32 s11, $0x3;
	[dreg:$0x12] =	wrdreg s25  }
0x15: {  	s11 =	simm.s32 $0x6;
	s5 =	sadd.s32 s9, s20;
	[dreg:$0x13] =	wrdreg s26  }
0x16: {  	[dreg:$0x14] =	wrdreg s0;
	s17 =	sadd.s32 s8, s2;
	s13 =	sor.u32 $0x400, s6  }
0x17: {  	s0 =	sadd.s32 s12, s10;
	s19 =	sshrl.u32 s16, $0x3;
	s23 =	sor.u32 $0x280, s6  }
0x18: {  	s25 =	sor.u32 $0x300, s6;
	s6 =	simm.s32 $0x3;
	s8 =	simm.s32 $0x5  }
0x19: {  	s12 =	simm.s32 $0x7;
	s16 =	simm.s32 $0x0;
	[dreg:$0xf] =	wrdreg s5  }
0x1a: {  	s14 =	sshrl.u32 s13, $0x3;
	[dreg:$0x3] =	wrdreg s0;
	s20 =	sadd.s32 $0x4000, s17  }
0x1b: {  	s21 =	sadd.s32 s19, s9;
	s22 =	sadd.s32 s19, s10;
	s24 =	sshrl.u32 s23, $0x3  }
0x1c: {  	s26 =	sshrl.u32 s25, $0x3;
	s25 =	simm.s32 $0x300;
	s5 =	simm.s32 $0x1  }
0x1d: {  	s13 =	simm.s32 $0x8;
	s15 =	sadd.s32 s14, s9;
	[dreg:$0x16] =	wrdreg s20  }
0x1e: {  	s18 =	sadd.s32 s14, s10;
	[dreg:$0x6] =	wrdreg s21;
	s20 =	sadd.s32 $0x8000, s17  }
0x1f: {  	[dreg:$0x7] =	wrdreg s22;
	s21 =	sadd.s32 $0xC000, s17;
	s0 =	sadd.s32 s24, s9  }
0x20: {  	s22 =	sadd.s32 $0x10000, s17;
	s23 =	sadd.s32 s26, s9;
	s24 =	sadd.s32 s26, s10  }
0x21: {  	s26 =	simm.s32 $0xB;
	s9 =	simm.s32 $0x2;
	[dreg:$0x4] =	wrdreg s15  }
0x22: {  	s10 =	simm.s32 $0x4;
	s14 =	simm.s32 $0x9;
	[dreg:$0x5] =	wrdreg s18  }
0x23: {  	v0 =	vimm.f32 $0.0e+00;
	[dreg:$0x8] =	wrdreg s0;
	s0 =	simm.s32 $0x280;
	s15 =	simm.s32 $0xA  }
.LBB2_1:
0x24: {  	s7 =	simm.s32 $0x0;
	s18 =	simm.s32 $0x200  }
.LBB2_2:
0x25: {  	p0 =	sne.s32 s18, $0xFE00;
	[tilespmem:s7+$0x370] =	vst v0  }
0x26: {  	[tilespmem:s7+$0x300] =	vst v0  }
0x27: {  	[tilespmem:s7+$0x310] =	vst v0  }
.Ltmp0:
0x28: {  	[tilespmem:s7+$0x320] =	vst v0;
	(pc) =	sbr.rel @p0 .LBB2_2-.Ltmp0, $4  }
0x29: {  	[tilespmem:s7+$0x330] =	vst v0  }
0x2a: {  	[tilespmem:s7+$0x340] =	vst v0  }
0x2b: {  	[tilespmem:s7+$0x350] =	vst v0  }
0x2c: {  	[tilespmem:s7+$0x360] =	vst v0;
	s7 =	sshra.s32 s18, $0x2;
	s18 =	sadd.s32 $0x200, s18  }
0x2d: {  	[tilespmem:s7+$0x370] =	vst v0  }
0x2e: {  	[tilespmem:s7+$0x300] =	vst v0  }
0x2f: {  	[tilespmem:s7+$0x310] =	vst v0  }
0x30: {  	[tilespmem:s7+$0x320] =	vst v0  }
0x31: {  	[tilespmem:s7+$0x330] =	vst v0  }
0x32: {  	[tilespmem:s7+$0x340] =	vst v0  }
0x33: {  	[tilespmem:s7+$0x350] =	vst v0  }
0x34: {  	[tilespmem:s7+$0x360] =	vst v0  }
0x35: {  	[spmem:s17] =	stream.linear.scatter [tilespmem:s25], [sflag:$0xB], $0x4000, $0x38;
	[tilespmem:$0x1C300] =	vst v63  }
0x36: {  	_ =	swait.ge [sflag:s26], $0x4000  }
0x37: {  	[sflag:s26] =	ssyncset.done $0x0  }
0x38: {  	s18 =	rddreg [dreg:$0x16];
	[sflag:s26] =	ssyncadd.s32 $0xFFFFC000  }
0x39: {  	[spmem:s18] =	stream.linear.scatter [tilespmem:s25], [sflag:$0xB], $0x4000, $0x38;
	[tilespmem:$0x1C300] =	vst v63  }
0x3a: {  	_ =	swait.ge [sflag:s26], $0x4000  }
0x3b: {  	[sflag:s26] =	ssyncset.done $0x0  }
0x3c: {  	[sflag:s26] =	ssyncadd.s32 $0xFFFFC000  }
0x3d: {  	[spmem:s20] =	stream.linear.scatter [tilespmem:s25], [sflag:$0xB], $0x4000, $0x38;
	[tilespmem:$0x1C300] =	vst v63  }
0x3e: {  	_ =	swait.ge [sflag:s26], $0x4000  }
0x3f: {  	[sflag:s26] =	ssyncset.done $0x0  }
0x40: {  	[sflag:s26] =	ssyncadd.s32 $0xFFFFC000  }
0x41: {  	[spmem:s21] =	stream.linear.scatter [tilespmem:s25], [sflag:$0xB], $0x4000, $0x38;
	[tilespmem:$0x1C300] =	vst v63  }
0x42: {  	_ =	swait.ge [sflag:s26], $0x4000  }
0x43: {  	[sflag:s26] =	ssyncset.done $0x0  }
0x44: {  	[sflag:s26] =	ssyncadd.s32 $0xFFFFC000  }
0x45: {  	[spmem:s22] =	stream.linear.scatter [tilespmem:s25], [sflag:$0xB], $0x4000, $0x38;
	[tilespmem:$0x1C300] =	vst v63  }
0x46: {  	_ =	swait.ge [sflag:s26], $0x4000  }
0x47: {  	[sflag:s26] =	ssyncset.done $0x0  }
0x48: {  	[sflag:s26] =	ssyncadd.s32 $0xFFFFC000  }
0x49: {  	[bflag:$0x0] =	sbarrier.arrive $0xFFFF  }
0x4a: {  	s7 =	simm.s32 $0x0;
	s18 =	rddreg [dreg:$0x9]  }
0x4b: {  	[tilespmem:s7], [sflag:$0xB] =	stream.linear.gather [hbm4b:s18+s7], $0x80, $0x38;
	[tilespmem:$0x1C300] =	vst v63  }
0x4c: {  	_ =	swait.ge [sflag:s26], $0x80  }
0x4d: {  	[sflag:s26] =	ssyncset.done $0x0  }
0x4e: {  	s19 =	rddreg [dreg:$0xa];
	[sflag:s26] =	ssyncadd.s32 $0xFFFFFF80  }
0x4f: {  	[tilespmem:s28], [sflag:$0xB] =	stream.linear.gather [hbm4b:s19+s7], $0x80, $0x38;
	[tilespmem:$0x1C300] =	vst v63  }
0x50: {  	_ =	swait.ge [sflag:s26], $0x80  }
0x51: {  	[sflag:s26] =	ssyncset.done $0x0  }
0x52: {  	s19 =	rddreg [dreg:$0xb];
	[sflag:s26] =	ssyncadd.s32 $0xFFFFFF80  }
0x53: {  	[tilespmem:s29], [sflag:$0xB] =	stream.linear.gather [hbm4b:s19+s7], $0x80, $0x38;
	[tilespmem:$0x1C300] =	vst v63  }
0x54: {  	_ =	swait.ge [sflag:s26], $0x80  }
0x55: {  	[sflag:s26] =	ssyncset.done $0x0  }
0x56: {  	s19 =	rddreg [dreg:$0xc];
	[sflag:s26] =	ssyncadd.s32 $0xFFFFFF80  }
0x57: {  	[tilespmem:s30], [sflag:$0xB] =	stream.linear.gather [hbm4b:s19+s7], $0x80, $0x38;
	[tilespmem:$0x1C300] =	vst v63  }
0x58: {  	_ =	swait.ge [sflag:s26], $0x80  }
0x59: {  	[sflag:s26] =	ssyncset.done $0x0  }
0x5a: {  	s19 =	rddreg [dreg:$0xd];
	[sflag:s26] =	ssyncadd.s32 $0xFFFFFF80  }
0x5b: {  	[tilespmem:s31], [sflag:$0xB] =	stream.linear.gather [hbm4b:s19+s7], $0x80, $0x38;
	[tilespmem:$0x1C300] =	vst v63  }
0x5c: {  	_ =	swait.ge [sflag:s26], $0x80  }
0x5d: {  	[sflag:s26] =	ssyncset.done $0x0  }
0x5e: {  	s19 =	rddreg [dreg:$0xe];
	[sflag:s26] =	ssyncadd.s32 $0xFFFFFF80  }
0x5f: {  	[tilespmem:s0], [sflag:$0xB] =	stream.linear.gather [hbm4b:s19+s7], $0x80, $0x38;
	[tilespmem:$0x1C300] =	vst v63  }
0x60: {  	_ =	swait.ge [sflag:s26], $0x80  }
0x61: {  	[sflag:s26] =	ssyncset.done $0x0  }
0x62: {  	[sflag:s26] =	ssyncadd.s32 $0xFFFFFF80  }
0x63: {  	[tilespmem:s25], [sflag:$0x1] =	stream.indirect.gather [hbm4b:s4+s28], $0x80, s7, s28, $0xb8;
	[tilespmem:$0x1C300] =	vst v63  }
0x64: {  	_ = 	snop  }
0x65: {  	[tilespmem:s1], [sflag:$0x2] =	stream.indirect.gather [hbm4b:s4+s28], $0x80, s28, s28, $0xb8;
	[tilespmem:$0x1C300] =	vst v63  }
0x66: {  	_ =	swait.ge [sflag:s5], $0x4000  }
0x67: {  	[sflag:s5] =	ssyncset.done $0x0  }
0x68: {  	[sflag:s5] =	ssyncadd.s32 $0xFFFFC000  }
0x69: {  	[spmem:s2] =	stream.indirect.scatter.add.f32 [tilespmem:s25], [sflag:$0x3], $0x80, s29, s28, $0xb8;
	[tilespmem:$0x1C300] =	vst v63  }
0x6a: {  	s19 =	rddreg [dreg:$0xf]  }
0x6b: {  	[tilespmem:s7], [sflag:$0x5] =	stream.linear.gather [hbm4b:s19+s7], $0x80, $0x38;
	[tilespmem:$0x1C300] =	vst v63  }
0x6c: {  	_ =	swait.ge [sflag:s6], $0x4000  }
0x6d: {  	[sflag:s6] =	ssyncset.done $0x0  }
0x6e: {  	s19 =	rddreg [dreg:$0x10];
	[sflag:s6] =	ssyncadd.s32 $0xFFFFC000  }
0x6f: {  	[tilespmem:s29], [sflag:$0x7] =	stream.linear.gather [hbm4b:s19+s7], $0x80, $0x38;
	[tilespmem:$0x1C300] =	vst v63  }
0x70: {  	_ =	swait.ge [sflag:s8], $0x80  }
0x71: {  	[sflag:s8] =	ssyncset.done $0x0  }
0x72: {  	[sflag:s8] =	ssyncadd.s32 $0xFFFFFF80  }
0x73: {  	[tilespmem:s25], [sflag:$0x1] =	stream.indirect.gather [hbm4b:s4+s28], $0x80, s7, s28, $0xb8;
	[tilespmem:$0x1C300] =	vst v63  }
0x74: {  	_ =	swait.ge [sflag:s9], $0x4000  }
0x75: {  	[sflag:s9] =	ssyncset.done $0x0  }
0x76: {  	[sflag:s9] =	ssyncadd.s32 $0xFFFFC000  }
0x77: {  	[spmem:s2] =	stream.indirect.scatter.add.f32 [tilespmem:s1], [sflag:$0x4], $0x80, s30, s28, $0xb8;
	[tilespmem:$0x1C300] =	vst v63  }
0x78: {  	s19 =	rddreg [dreg:$0x11]  }
0x79: {  	[tilespmem:s28], [sflag:$0x6] =	stream.linear.gather [hbm4b:s19+s7], $0x80, $0x38;
	[tilespmem:$0x1C300] =	vst v63  }
0x7a: {  	_ =	swait.ge [sflag:s10], $0x4000  }
0x7b: {  	[sflag:s10] =	ssyncset.done $0x0  }
0x7c: {  	s19 =	rddreg [dreg:$0x12];
	[sflag:s10] =	ssyncadd.s32 $0xFFFFC000  }
0x7d: {  	[tilespmem:s30], [sflag:$0x8] =	stream.linear.gather [hbm4b:s19+s7], $0x80, $0x38;
	[tilespmem:$0x1C300] =	vst v63  }
0x7e: {  	_ =	swait.ge [sflag:s11], $0x80  }
0x7f: {  	[sflag:s11] =	ssyncset.done $0x0  }
0x80: {  	[sflag:s11] =	ssyncadd.s32 $0xFFFFFF80  }
0x81: {  	[tilespmem:s1], [sflag:$0x2] =	stream.indirect.gather [hbm4b:s4+s28], $0x80, s28, s28, $0xb8;
	[tilespmem:$0x1C300] =	vst v63  }
0x82: {  	_ =	swait.ge [sflag:s5], $0x4000  }
0x83: {  	[sflag:s5] =	ssyncset.done $0x0  }
0x84: {  	[sflag:s5] =	ssyncadd.s32 $0xFFFFC000  }
0x85: {  	[spmem:s2] =	stream.indirect.scatter.add.f32 [tilespmem:s25], [sflag:$0x3], $0x80, s31, s28, $0xb8;
	[tilespmem:$0x1C300] =	vst v63  }
0x86: {  	s19 =	rddreg [dreg:$0x13]  }
0x87: {  	[tilespmem:s7], [sflag:$0x5] =	stream.linear.gather [hbm4b:s19+s7], $0x80, $0x38;
	[tilespmem:$0x1C300] =	vst v63  }
0x88: {  	_ =	swait.ge [sflag:s6], $0x4000  }
0x89: {  	[sflag:s6] =	ssyncset.done $0x0  }
0x8a: {  	s18 =	sadd.s32 $0x0, s24;
	[sflag:s6] =	ssyncadd.s32 $0xFFFFC000  }
0x8b: {  	[tilespmem:s31], [sflag:$0x9] =	stream.linear.gather [hbm4b:s18+s3], $0x80, $0x38;
	[tilespmem:$0x1C300] =	vst v63  }
0x8c: {  	_ =	swait.ge [sflag:s8], $0x80  }
0x8d: {  	[sflag:s8] =	ssyncset.done $0x0  }
0x8e: {  	[sflag:s8] =	ssyncadd.s32 $0xFFFFFF80  }
0x8f: {  	_ =	swait.ge [sflag:s12], $0x80  }
0x90: {  	[sflag:s12] =	ssyncset.done $0x0  }
0x91: {  	[sflag:s12] =	ssyncadd.s32 $0xFFFFFF80  }
0x92: {  	[tilespmem:s25], [sflag:$0x1] =	stream.indirect.gather [hbm4b:s4+s28], $0x80, s3, s28, $0xb8;
	[tilespmem:$0x1C300] =	vst v63  }
0x93: {  	_ =	swait.ge [sflag:s9], $0x4000  }
0x94: {  	[sflag:s9] =	ssyncset.done $0x0  }
0x95: {  	s19 =	rddreg [dreg:$0x8];
	[sflag:s9] =	ssyncadd.s32 $0xFFFFC000  }
0x96: {  	[spmem:s2] =	stream.indirect.scatter.add.f32 [tilespmem:s1], [sflag:$0x4], $0x80, s0, s28, $0xb8;
	[tilespmem:$0x1C300] =	vst v63  }
0x97: {  	s7 =	sadd.s32 $0x0, s19  }
0x98: {  	[tilespmem:s28], [sflag:$0x6] =	stream.linear.gather [hbm4b:s7+s3], $0x80, $0x38;
	[tilespmem:$0x1C300] =	vst v63  }
0x99: {  	_ =	swait.ge [sflag:s10], $0x4000  }
0x9a: {  	s18 =	rddreg [dreg:$0x7];
	[sflag:s10] =	ssyncset.done $0x0  }
0x9b: {  	[sflag:s10] =	ssyncadd.s32 $0xFFFFC000;
	s7 =	sadd.s32 $0x0, s18  }
0x9c: {  	[tilespmem:s0], [sflag:$0xA] =	stream.linear.gather [hbm4b:s7+s3], $0x80, $0x38;
	[tilespmem:$0x1C300] =	vst v63  }
0x9d: {  	_ =	swait.ge [sflag:s11], $0x80  }
0x9e: {  	[sflag:s11] =	ssyncset.done $0x0  }
0x9f: {  	[sflag:s11] =	ssyncadd.s32 $0xFFFFFF80  }
0xa0: {  	_ =	swait.ge [sflag:s13], $0x80  }
0xa1: {  	[sflag:s13] =	ssyncset.done $0x0  }
0xa2: {  	[sflag:s13] =	ssyncadd.s32 $0xFFFFFF80  }
0xa3: {  	[tilespmem:s1], [sflag:$0x2] =	stream.indirect.gather [hbm4b:s4+s28], $0x80, s28, s28, $0xb8;
	[tilespmem:$0x1C300] =	vst v63  }
0xa4: {  	_ =	swait.ge [sflag:s5], $0x4000  }
0xa5: {  	[sflag:s5] =	ssyncset.done $0x0  }
0xa6: {  	[sflag:s5] =	ssyncadd.s32 $0xFFFFC000  }
0xa7: {  	[spmem:s2] =	stream.indirect.scatter.add.f32 [tilespmem:s25], [sflag:$0x3], $0x80, s29, s28, $0xb8;
	[tilespmem:$0x1C300] =	vst v63  }
0xa8: {  	s19 =	sadd.s32 $0x0, s23  }
0xa9: {  	[tilespmem:s3], [sflag:$0x5] =	stream.linear.gather [hbm4b:s19+s3], $0x80, $0x38;
	[tilespmem:$0x1C300] =	vst v63  }
0xaa: {  	_ =	swait.ge [sflag:s6], $0x4000  }
0xab: {  	s18 =	rddreg [dreg:$0x5];
	[sflag:s6] =	ssyncset.done $0x0  }
0xac: {  	[sflag:s6] =	ssyncadd.s32 $0xFFFFC000;
	s7 =	sadd.s32 $0x0, s18  }
0xad: {  	[tilespmem:s29], [sflag:$0x7] =	stream.linear.gather [hbm4b:s7+s3], $0x80, $0x38;
	[tilespmem:$0x1C300] =	vst v63  }
0xae: {  	_ =	swait.ge [sflag:s8], $0x80  }
0xaf: {  	[sflag:s8] =	ssyncset.done $0x0  }
0xb0: {  	[sflag:s8] =	ssyncadd.s32 $0xFFFFFF80  }
0xb1: {  	_ =	swait.ge [sflag:s14], $0x80  }
0xb2: {  	[sflag:s14] =	ssyncset.done $0x0  }
0xb3: {  	[sflag:s14] =	ssyncadd.s32 $0xFFFFFF80  }
0xb4: {  	[tilespmem:s25], [sflag:$0x1] =	stream.indirect.gather [hbm4b:s4+s28], $0x80, s3, s28, $0xb8;
	[tilespmem:$0x1C300] =	vst v63  }
0xb5: {  	_ =	swait.ge [sflag:s9], $0x4000  }
0xb6: {  	[sflag:s9] =	ssyncset.done $0x0  }
0xb7: {  	s19 =	rddreg [dreg:$0x6];
	[sflag:s9] =	ssyncadd.s32 $0xFFFFC000  }
0xb8: {  	[spmem:s2] =	stream.indirect.scatter.add.f32 [tilespmem:s1], [sflag:$0x4], $0x80, s30, s28, $0xb8;
	[tilespmem:$0x1C300] =	vst v63  }
0xb9: {  	s7 =	sadd.s32 $0x0, s19  }
0xba: {  	[tilespmem:s28], [sflag:$0x6] =	stream.linear.gather [hbm4b:s7+s3], $0x80, $0x38;
	[tilespmem:$0x1C300] =	vst v63  }
0xbb: {  	_ =	swait.ge [sflag:s10], $0x4000  }
0xbc: {  	s18 =	rddreg [dreg:$0x3];
	[sflag:s10] =	ssyncset.done $0x0  }
0xbd: {  	[sflag:s10] =	ssyncadd.s32 $0xFFFFC000;
	s7 =	sadd.s32 $0x0, s18  }
0xbe: {  	[tilespmem:s30], [sflag:$0x8] =	stream.linear.gather [hbm4b:s7+s3], $0x80, $0x38;
	[tilespmem:$0x1C300] =	vst v63  }
0xbf: {  	_ =	swait.ge [sflag:s11], $0x80  }
0xc0: {  	[sflag:s11] =	ssyncset.done $0x0  }
0xc1: {  	[sflag:s11] =	ssyncadd.s32 $0xFFFFFF80  }
0xc2: {  	_ =	swait.ge [sflag:s15], $0x80  }
0xc3: {  	[sflag:s15] =	ssyncset.done $0x0  }
0xc4: {  	[sflag:s15] =	ssyncadd.s32 $0xFFFFFF80  }
0xc5: {  	[tilespmem:s1], [sflag:$0x2] =	stream.indirect.gather [hbm4b:s4+s28], $0x80, s28, s28, $0xb8;
	[tilespmem:$0x1C300] =	vst v63  }
0xc6: {  	_ =	swait.ge [sflag:s5], $0x4000  }
0xc7: {  	[sflag:s5] =	ssyncset.done $0x0;
	s19 =	rddreg [dreg:$0x4]  }
0xc8: {  	s7 =	simm.s32 $0x40;
	[sflag:s5] =	ssyncadd.s32 $0xFFFFC000;
	s18 =	sadd.s32 $0x0, s19  }
0xc9: {  	[spmem:s2] =	stream.indirect.scatter.add.f32 [tilespmem:s25], [sflag:$0x3], $0x80, s31, s28, $0xb8;
	[tilespmem:$0x1C300] =	vst v63  }
.LBB2_4:
0xca: {  	[tilespmem:s3], [sflag:$0x5] =	stream.linear.gather [hbm4b:s18+s3], $0x80, $0x38;
	[tilespmem:$0x1C300] =	vst v63  }
0xcb: {  	_ =	swait.ge [sflag:s6], $0x4000  }
0xcc: {  	s18 =	smov.u32 s7;
	[sflag:s6] =	ssyncset.done $0x0  }
0xcd: {  	s19 =	sadd.s32 s18, s24;
	[sflag:s6] =	ssyncadd.s32 $0xFFFFC000  }
0xce: {  	[tilespmem:s31], [sflag:$0x9] =	stream.linear.gather [hbm4b:s19+s3], $0x80, $0x38;
	[tilespmem:$0x1C300] =	vst v63  }
0xcf: {  	_ =	swait.ge [sflag:s8], $0x80  }
0xd0: {  	[sflag:s8] =	ssyncset.done $0x0  }
0xd1: {  	[sflag:s8] =	ssyncadd.s32 $0xFFFFFF80  }
0xd2: {  	_ =	swait.ge [sflag:s12], $0x80  }
0xd3: {  	[sflag:s12] =	ssyncset.done $0x0  }
0xd4: {  	[sflag:s12] =	ssyncadd.s32 $0xFFFFFF80  }
0xd5: {  	[tilespmem:s25], [sflag:$0x1] =	stream.indirect.gather [hbm4b:s4+s28], $0x80, s3, s28, $0xb8;
	[tilespmem:$0x1C300] =	vst v63  }
0xd6: {  	_ =	swait.ge [sflag:s9], $0x4000  }
0xd7: {  	[sflag:s9] =	ssyncset.done $0x0  }
0xd8: {  	s19 =	rddreg [dreg:$0x8];
	[sflag:s9] =	ssyncadd.s32 $0xFFFFC000  }
0xd9: {  	[spmem:s2] =	stream.indirect.scatter.add.f32 [tilespmem:s1], [sflag:$0x4], $0x80, s0, s28, $0xb8;
	[tilespmem:$0x1C300] =	vst v63  }
0xda: {  	s19 =	sadd.s32 s18, s19  }
0xdb: {  	[tilespmem:s28], [sflag:$0x6] =	stream.linear.gather [hbm4b:s19+s3], $0x80, $0x38;
	[tilespmem:$0x1C300] =	vst v63  }
0xdc: {  	_ =	swait.ge [sflag:s10], $0x4000  }
0xdd: {  	s19 =	rddreg [dreg:$0x7];
	[sflag:s10] =	ssyncset.done $0x0  }
0xde: {  	[sflag:s10] =	ssyncadd.s32 $0xFFFFC000;
	s19 =	sadd.s32 s18, s19  }
0xdf: {  	[tilespmem:s0], [sflag:$0xA] =	stream.linear.gather [hbm4b:s19+s3], $0x80, $0x38;
	[tilespmem:$0x1C300] =	vst v63  }
0xe0: {  	_ =	swait.ge [sflag:s11], $0x80  }
0xe1: {  	[sflag:s11] =	ssyncset.done $0x0  }
0xe2: {  	[sflag:s11] =	ssyncadd.s32 $0xFFFFFF80  }
0xe3: {  	_ =	swait.ge [sflag:s13], $0x80  }
0xe4: {  	[sflag:s13] =	ssyncset.done $0x0  }
0xe5: {  	[sflag:s13] =	ssyncadd.s32 $0xFFFFFF80  }
0xe6: {  	[tilespmem:s1], [sflag:$0x2] =	stream.indirect.gather [hbm4b:s4+s28], $0x80, s28, s28, $0xb8;
	[tilespmem:$0x1C300] =	vst v63  }
0xe7: {  	_ =	swait.ge [sflag:s5], $0x4000  }
0xe8: {  	[sflag:s5] =	ssyncset.done $0x0  }
0xe9: {  	[sflag:s5] =	ssyncadd.s32 $0xFFFFC000  }
0xea: {  	[spmem:s2] =	stream.indirect.scatter.add.f32 [tilespmem:s25], [sflag:$0x3], $0x80, s29, s28, $0xb8;
	[tilespmem:$0x1C300] =	vst v63  }
0xeb: {  	s19 =	sadd.s32 s18, s23  }
0xec: {  	[tilespmem:s3], [sflag:$0x5] =	stream.linear.gather [hbm4b:s19+s3], $0x80, $0x38;
	[tilespmem:$0x1C300] =	vst v63  }
0xed: {  	_ =	swait.ge [sflag:s6], $0x4000  }
0xee: {  	s19 =	rddreg [dreg:$0x5];
	[sflag:s6] =	ssyncset.done $0x0  }
0xef: {  	[sflag:s6] =	ssyncadd.s32 $0xFFFFC000;
	s19 =	sadd.s32 s18, s19  }
0xf0: {  	[tilespmem:s29], [sflag:$0x7] =	stream.linear.gather [hbm4b:s19+s3], $0x80, $0x38;
	[tilespmem:$0x1C300] =	vst v63  }
0xf1: {  	_ =	swait.ge [sflag:s8], $0x80  }
0xf2: {  	[sflag:s8] =	ssyncset.done $0x0  }
0xf3: {  	[sflag:s8] =	ssyncadd.s32 $0xFFFFFF80  }
0xf4: {  	_ =	swait.ge [sflag:s14], $0x80  }
0xf5: {  	[sflag:s14] =	ssyncset.done $0x0  }
0xf6: {  	[sflag:s14] =	ssyncadd.s32 $0xFFFFFF80  }
0xf7: {  	[tilespmem:s25], [sflag:$0x1] =	stream.indirect.gather [hbm4b:s4+s28], $0x80, s3, s28, $0xb8;
	[tilespmem:$0x1C300] =	vst v63  }
0xf8: {  	_ =	swait.ge [sflag:s9], $0x4000  }
0xf9: {  	[sflag:s9] =	ssyncset.done $0x0  }
0xfa: {  	s19 =	rddreg [dreg:$0x6];
	[sflag:s9] =	ssyncadd.s32 $0xFFFFC000  }
0xfb: {  	[spmem:s2] =	stream.indirect.scatter.add.f32 [tilespmem:s1], [sflag:$0x4], $0x80, s30, s28, $0xb8;
	[tilespmem:$0x1C300] =	vst v63  }
0xfc: {  	s19 =	sadd.s32 s18, s19  }
0xfd: {  	[tilespmem:s28], [sflag:$0x6] =	stream.linear.gather [hbm4b:s19+s3], $0x80, $0x38;
	[tilespmem:$0x1C300] =	vst v63  }
0xfe: {  	_ =	swait.ge [sflag:s10], $0x4000  }
0xff: {  	s19 =	rddreg [dreg:$0x3];
	[sflag:s10] =	ssyncset.done $0x0  }
0x100: {  	[sflag:s10] =	ssyncadd.s32 $0xFFFFC000;
	s19 =	sadd.s32 s18, s19  }
0x101: {  	[tilespmem:s30], [sflag:$0x8] =	stream.linear.gather [hbm4b:s19+s3], $0x80, $0x38;
	[tilespmem:$0x1C300] =	vst v63  }
0x102: {  	_ =	swait.ge [sflag:s11], $0x80  }
0x103: {  	[sflag:s11] =	ssyncset.done $0x0  }
0x104: {  	[sflag:s11] =	ssyncadd.s32 $0xFFFFFF80  }
0x105: {  	_ =	swait.ge [sflag:s15], $0x80  }
0x106: {  	[sflag:s15] =	ssyncset.done $0x0  }
0x107: {  	p0 =	sne.s32 s7, $0x480;
	[sflag:s15] =	ssyncadd.s32 $0xFFFFFF80  }
0x108: {  	[tilespmem:s1], [sflag:$0x2] =	stream.indirect.gather [hbm4b:s4+s28], $0x80, s28, s28, $0xb8;
	[tilespmem:$0x1C300] =	vst v63  }
.Ltmp1:
0x109: {  	_ = 	snop;
	(pc) =	sbr.rel @p0 .LBB2_4-.Ltmp1, $4  }
0x10a: {  	_ =	swait.ge [sflag:s5], $0x4000  }
0x10b: {  	[sflag:s5] =	ssyncset.done $0x0;
	s19 =	rddreg [dreg:$0x4]  }
0x10c: {  	s7 =	sadd.s32 $0x40, s7;
	[sflag:s5] =	ssyncadd.s32 $0xFFFFC000;
	s18 =	sadd.s32 s18, s19  }
0x10d: {  	[spmem:s2] =	stream.indirect.scatter.add.f32 [tilespmem:s25], [sflag:$0x3], $0x80, s31, s28, $0xb8;
	[tilespmem:$0x1C300] =	vst v63  }
0x10e: {  	[tilespmem:s3], [sflag:$0x5] =	stream.linear.gather [hbm4b:s18+s3], $0x80, $0x38;
	[tilespmem:$0x1C300] =	vst v63  }
0x10f: {  	_ =	swait.ge [sflag:s9], $0x4000  }
0x110: {  	[sflag:s9] =	ssyncset.done $0x0  }
0x111: {  	[sflag:s9] =	ssyncadd.s32 $0xFFFFC000  }
0x112: {  	[spmem:s2] =	stream.indirect.scatter.add.f32 [tilespmem:s1], [sflag:$0x4], $0x80, s0, s28, $0xb8;
	[tilespmem:$0x1C300] =	vst v63  }
0x113: {  	_ =	swait.ge [sflag:s6], $0x4000  }
0x114: {  	[sflag:s6] =	ssyncset.done $0x0  }
0x115: {  	[sflag:s6] =	ssyncadd.s32 $0xFFFFC000  }
0x116: {  	_ =	swait.ge [sflag:s10], $0x4000  }
0x117: {  	[sflag:s10] =	ssyncset.done $0x0  }
0x118: {  	[sflag:s10] =	ssyncadd.s32 $0xFFFFC000  }
0x119: {  	_ =	swait.ge [sflag:s8], $0x80  }
0x11a: {  	[sflag:s8] =	ssyncset.done $0x0  }
0x11b: {  	[sflag:s8] =	ssyncadd.s32 $0xFFFFFF80  }
0x11c: {  	_ =	swait.ge [sflag:s12], $0x80  }
0x11d: {  	[sflag:s12] =	ssyncset.done $0x0  }
0x11e: {  	[sflag:s12] =	ssyncadd.s32 $0xFFFFFF80  }
0x11f: {  	_ =	swait.ge [sflag:s13], $0x80  }
0x120: {  	[sflag:s13] =	ssyncset.done $0x0  }
0x121: {  	s7 =	stileid.u32;
	[sflag:s13] =	ssyncadd.s32 $0xFFFFFF80  }
0x122: {  	s7 =	sshll.u32 s7, $0x6;
	[bflag:$0x0] =	sbarrier.arrive $0xFFFF  }
0x123: {  	s18 =	sshrl.u32 s17, $0x3;
	s7 =	sor.u32 $0x1C0B, s7;
	s19 =	rddreg [dreg:$0x14]  }
0x124: {  	[hbm:s19], [sflag:s7] =	dma.local [spmem:s18], $0x2800  }
0x125: {  	_ =	swait.ge [sflag:s26], $0x2800  }
0x126: {  	s16 =	sadd.s32 $0x1, s16;
	s19 =	rddreg [dreg:$0x15]  }
0x127: {  	p0 =	sne.s32 s16, s19  }
.Ltmp2:
0x128: {  	_ = 	snop;
	(pc) =	sbr.rel @p0 .LBB2_1-.Ltmp2, $3  }
0x129: {  	_ =	sdelay $0x1  }
0x12a: {  	[sflag:s26] =	ssyncset.done $0x0  }
0x12b: {  	[sflag:s26] =	ssyncadd.s32 $0xFFFFD800  }
0x12c: {  	_ =	sfence.sel $0x180000  }
0x12d: {  	[bflag:$0x0] =	sbarrier.arrive $0xFFFF  }
0x12e: {  	_ =	strace $0x9000004A  }
0x12f: {  	s0 =	stileid.u32;
	[bflag:$0x2] =	sbarrier.arrive $0xFFFF  }
0x130: {  	p0 =	sne.s32 s0, $0x0;
	s0 =	rddreg [dreg:$0x2]  }
0x131: {  	s0 =	sadd.s32 @!p0 $0x100000, s0  }
0x132: {  	[sflag:s0] =	ssyncadd.tile.s32 @!p0 $0x1;
	_ =	shalt  }
.Lfunc_end2:
_tile_overlayer_lowered:
.L_overlay_start_2:
0x133: {  	(tag) =	ssettag $0x2  }
0x134: {  	s0 =	rddreg [dreg:$0x0];
	s2 =	stileid.u32  }
0x135: {  	s1 =	rddreg [dreg:$0x1];
	p0 =	sne.s32 s2, $0x0  }
0x136: {  	s3 =	rddreg [dreg:$0x2];
	[bflag:$0x3] =	sbarrier.arrive $0xFFFF;
	s2 =	simm.s32 @!p0 $0x1C0B  }
0x137: {  	[timem:s3], [sflag:s2] =	dma.local @!p0 [hbm:s0], s1  }
0x138: {  	s0 =	simm.s32 @!p0 $0xB  }
0x139: {  	_ =	swait.ge @!p0 [sflag:s0], s1  }
0x13a: {  	s1 =	ssub.s32 @!p0 $0x0, s1;
	[sflag:s0] =	ssyncset.done @!p0 $0x0  }
0x13b: {  	[sflag:s0] =	ssyncadd.s32 @!p0 s1  }
0x13c: {  	[bflag:$0x3] =	sbarrier.arrive $0xFFFF  }
0x13d: {  	_ =	shalt  }

// kernel: kernel.16.cloned.1.call-start
scs
__scs_entry_jumppad:
0x0: {  	(pc) =	sbr.rel $0x88, $3  }
0x1: {  	(tag) =	ssettag $0x0;
	lr =	simm.s32 $0x1  }
0x2: {  	[smem:$0x3F99] =	sst lr;
	_ =	strace $0xD0000000  }
0x3: {  	_ = 	snop  }
0x4: {  	_ = 	snop  }
0x5: {  	_ = 	snop  }
0x6: {  	_ = 	snop  }
0x7: {  	_ = 	snop  }
__scs_overlays_trampoline_lowered:
0x8: {  	[smem:$0x3FA8] =	sst s0  }
0x9: {  	[smem:$0x3FA9] =	sst s1  }
0xa: {  	[smem:$0x3FAA] =	sst s2  }
0xb: {  	[smem:$0x3FAB] =	sst s3  }
0xc: {  	[smem:$0x3FAC] =	sst s4  }
0xd: {  	[smem:$0x3FAD] =	sst s5  }
0xe: {  	[smem:$0x3FAE] =	sst s6  }
0xf: {  	[smem:$0x3FAF] =	sst s7  }
0x10: {  	[smem:$0x3FB0] =	sst s8  }
0x11: {  	[smem:$0x3FB1] =	sst s9;
	s0 =	simm.s32 @!p0 $0x0  }
0x12: {  	s1 =	sld [smem:$0x3F97];
	s0 =	simm.s32 @p0 $0x1  }
0x13: {  	[smem:$0x3FB2] =	sst s0;
	s0 =	simm.s32 @!p1 $0x0  }
0x14: {  	s2 =	sld [smem:$0x3F96];
	s0 =	simm.s32 @p1 $0x1  }
0x15: {  	[smem:$0x3FB3] =	sst s0;
	s0 =	simm.s32 @!p2 $0x0  }
0x16: {  	s3 =	sld [smem:$0x3FDB];
	s0 =	simm.s32 @p2 $0x1  }
0x17: {  	s4 =	simm.s32 $0x1BF5;
	[smem:$0x3FB5] =	sst s0  }
0x18: {  	s0 =	sld [smem:$0x3F98];
	_ =	swait.ge [sflag:s4], $0x0  }
0x19: {  	s7 =	sld [smem:$0x3F99]  }
0x1a: {  	s8 =	sadd.s32 $0xFFFFE003, lr  }
0x1b: {  	s9 =	sadd.s32 $0xFFFFFEF7, lr;
	s5 =	simm.s32 $0xFFFFFFFF;
	p2 =	slt.u32 s8, $0xFFFFF086  }
0x1c: {  	p1 =	slt.u32 s9, $0xF7A;
	s5 =	simm.s32 @!p2 $0x0  }
0x1d: {  	s5 =	simm.s32 @p1 $0x1;
	p0 =	seq.s32 s7, s2  }
0x1e: {  	s7 =	smul.u32 @!p0 $0xF7A, s2;
	p2 =	seq.s32 @!p0 s5, $0x0  }
0x1f: {  	s9 =	smul.u32 $0xF7A, s1;
	s8 =	simm.s32 @!p0 $0x1BF5;
	p2 =	por !p2, p0  }
0x20: {  	[sflag:s8] =	ssyncset.s32 @!p0 $0xFFFFF086;
	s6 =	sadd.s32 @!p0 s3, s7;
	s7 =	simm.s32 @!p0 $0x108  }
0x21: {  	s3 =	sadd.s32 s3, s9;
	s6 =	sadd.s32 @!p0 $0x88, s6;
	s7 =	simm.s32 @p2 $0x1082  }
0x22: {  	[simem:s7], [sflag:s8] =	dma.local @!p0 [hbm:s6], $0xF7A  }
0x23: {  	s9 =	sor.u32 $0xD0000000, s2;
	s6 =	simm.s32 $0x108;
	_ =	swait.ge @!p0 [sflag:s8], $0x0  }
0x24: {  	s3 =	sadd.s32 $0x88, s3;
	s6 =	simm.s32 @!p1 $0x1082;
	[sflag:s4] =	ssyncset.s32 $0xFFFFF086  }
0x25: {  	[simem:s6], [sflag:s4] =	dma.local [hbm:s3], $0xF7A  }
0x26: {  	[smem:$0x3F99] =	sst s1;
	(tag) =	ssettag s2;
	_ =	strace s9  }
0x27: {  	s1 =	sld [smem:$0x3FA9]  }
0x28: {  	s2 =	sld [smem:$0x3FAA]  }
0x29: {  	s4 =	sld [smem:$0x3FAC]  }
0x2a: {  	p0 =	seq.s32 s5, $0x0;
	s5 =	sld [smem:$0x3FAD]  }
0x2b: {  	s6 =	sld [smem:$0x3FAE]  }
0x2c: {  	s7 =	sld [smem:$0x3FAF]  }
0x2d: {  	s3 =	simm.s32 $0x108;
	s8 =	sld [smem:$0x3FB0]  }
0x2e: {  	s3 =	simm.s32 @!p0 $0x1082;
	s9 =	sld [smem:$0x3FB1]  }
0x2f: {  	lr =	sadd.s32 s0, s3;
	s0 =	sld [smem:$0x3FA8]  }
0x30: {  	s3 =	sld [smem:$0x3FAB]  }
0x31: {  	[smem:$0x3FB4] =	sst s10  }
0x32: {  	s10 =	sld [smem:$0x3FB2];
	_ =	sdelay $0x3  }
0x33: {  	p0 =	seq.s32 s10, $0x1;
	s10 =	sld [smem:$0x3FB4];
	_ =	sdelay $0x3  }
0x34: {  	[smem:$0x3FB4] =	sst s10  }
0x35: {  	s10 =	sld [smem:$0x3FB3];
	_ =	sdelay $0x3  }
0x36: {  	p1 =	seq.s32 s10, $0x1;
	s10 =	sld [smem:$0x3FB4];
	_ =	sdelay $0x3  }
0x37: {  	[smem:$0x3FB4] =	sst s10  }
0x38: {  	s10 =	sld [smem:$0x3FB5]  }
0x39: {  	_ = 	snop;
	(pc) =	sbr.ind lr, $3  }
0x3a: {  	_ = 	snop  }
0x3b: {  	_ = 	snop  }
0x3c: {  	p2 =	seq.s32 s10, $0x1;
	s10 =	sld [smem:$0x3FB4]  }
0x3d: {  	_ =	shalt  }
0x3e: {  	_ =	shalt  }
0x3f: {  	_ =	shalt  }
0x40: {  	_ =	shalt  }
0x41: {  	_ =	shalt  }
0x42: {  	_ =	shalt  }
0x43: {  	_ =	shalt  }
0x44: {  	_ =	shalt  }
0x45: {  	_ =	shalt  }
0x46: {  	_ =	shalt  }
0x47: {  	_ =	shalt  }
0x48: {  	_ =	shalt  }
0x49: {  	_ =	shalt  }
0x4a: {  	_ =	shalt  }
0x4b: {  	_ =	shalt  }
0x4c: {  	_ =	shalt  }
0x4d: {  	_ =	shalt  }
0x4e: {  	_ =	shalt  }
0x4f: {  	_ =	shalt  }
0x50: {  	_ =	shalt  }
0x51: {  	_ =	shalt  }
0x52: {  	_ =	shalt  }
0x53: {  	_ =	shalt  }
0x54: {  	_ =	shalt  }
0x55: {  	_ =	shalt  }
0x56: {  	_ =	shalt  }
0x57: {  	_ =	shalt  }
0x58: {  	_ =	shalt  }
0x59: {  	_ =	shalt  }
0x5a: {  	_ =	shalt  }
0x5b: {  	_ =	shalt  }
0x5c: {  	_ =	shalt  }
0x5d: {  	_ =	shalt  }
0x5e: {  	_ =	shalt  }
0x5f: {  	_ =	shalt  }
0x60: {  	_ =	shalt  }
0x61: {  	_ =	shalt  }
0x62: {  	_ =	shalt  }
0x63: {  	_ =	shalt  }
0x64: {  	_ =	shalt  }
0x65: {  	_ =	shalt  }
0x66: {  	_ =	shalt  }
0x67: {  	_ =	shalt  }
0x68: {  	_ =	shalt  }
0x69: {  	_ =	shalt  }
0x6a: {  	_ =	shalt  }
0x6b: {  	_ =	shalt  }
0x6c: {  	_ =	shalt  }
0x6d: {  	_ =	shalt  }
0x6e: {  	_ =	shalt  }
0x6f: {  	_ =	shalt  }
0x70: {  	_ =	shalt  }
0x71: {  	_ =	shalt  }
0x72: {  	_ =	shalt  }
0x73: {  	_ =	shalt  }
0x74: {  	_ =	shalt  }
0x75: {  	_ =	shalt  }
0x76: {  	_ =	shalt  }
0x77: {  	_ =	shalt  }
0x78: {  	_ =	shalt  }
0x79: {  	_ =	shalt  }
0x7a: {  	_ =	shalt  }
0x7b: {  	_ =	shalt  }
0x7c: {  	_ =	shalt  }
0x7d: {  	_ =	shalt  }
0x7e: {  	_ =	shalt  }
0x7f: {  	_ =	shalt  }
0x80: {  	_ =	shalt  }
0x81: {  	_ =	shalt  }
0x82: {  	_ =	shalt  }
0x83: {  	_ =	shalt  }
0x84: {  	_ =	shalt  }
0x85: {  	_ =	shalt  }
0x86: {  	_ =	shalt  }
0x87: {  	_ =	shalt  }
.Lfunc_end0:
.L_simem_size_0:
called_computation.2_lowered:
.L_overlay_start_0:
0x88: {  	s2 =	sld [smem:$0x3FD9]  }
0x89: {  	s3 =	sld [smem:$0x3FFE];
	_ =	sdelay $0x1  }
0x8a: {  	s1 =	srdreg.scid  }
0x8b: {  	s0 =	sand.u32 $0x1, s1  }
0x8c: {  	s16 =	sshll.u32 s0, $0xA;
	s2 =	sadd.s32 s3, s2  }
0x8d: {  	s2 =	sadd.s32 s2, s16  }
0x8e: {  	[smem:$0x3FC0] =	sst s2  }
0x8f: {  	_ = 	snop  }
0x90: {  	(tm) =	ssettm $0x1  }
0x91: {  	s17 =	sld [smem:$0x3FFB];
	_ =	sdelay $0x3  }
0x92: {  	_ =	strace s17  }
0x93: {  	s2 =	sld [smem:$0x3FFC];
	_ =	sdelay $0x3  }
0x94: {  	_ =	strace s2  }
0x95: {  	s2 =	sld [smem:$0x3FFD];
	_ =	sdelay $0x3  }
0x96: {  	_ =	strace s2  }
0x97: {  	_ =	strace $0x8FFFFFFF  }
0x98: {  	s18 =	sld [smem:$0x3FDB];
	_ =	sdelay $0x1  }
0x99: {  	s19 =	simm.s32 $_scs_section_size  }
0x9a: {  	s4 =	simm.s32 $_size__tile_overlayer_lowered;
	s5 =	simm.s32 $_tile_overlayer_lowered  }
0x9b: {  	s22 =	simm.s32 $0x1BFF;
	s21 =	sshll.u32 s5, $0x1;
	s2 =	sadd.s32 s19, s18  }
0x9c: {  	s6 =	simm.s32 $0x0;
	s20 =	sshll.u32 s4, $0x1;
	s4 =	sadd.s32 s21, s2  }
0x9d: {  	[timem:s6], [sflag:s22] =	dma.local [hbm:s4], s20  }
0x9e: {  	_ =	swait.ge [sflag:s22], s20  }
0x9f: {  	s3 =	ssub.s32 $0x0, s20;
	[sflag:s22] =	ssyncset.done $0x0  }
0xa0: {  	[sflag:s22] =	ssyncadd.s32 s3;
	_ =	sdelay $0x1  }
0xa1: {  	s23 =	simm.s32 $0x1B8B  }
0xa2: {  	_ =	swait.ge [sflag:s23], $0x1  }
0xa3: {  	[sflag:s23] =	ssyncset.done $0x0  }
0xa4: {  	s25 =	simm.s32 $0x1B8E;
	s24 =	sld [smem:$0x3FFE];
	[sflag:s23] =	ssyncadd.s32 $0xFFFFFFFF  }
0xa5: {  	s26 =	simm.s32 $execute0_lowered;
	[smem:$0x3FD2] =	sst s25  }
0xa6: {  	s4 =	sshll.u32 s26, $0x1;
	_ =	strace $0x8000004C;
	[dreg:$0x1] =	wrdreg $0xFFFFFFFF  }
0xa7: {  	s28 =	simm.s32 $_size_execute0_lowered;
	s2 =	sadd.s32 s2, s4;
	[dreg:$0x0] =	wrdreg $0x0  }
0xa8: {  	s4 =	sshll.u32 s28, $0x1;
	[dreg:$0x2] =	wrdreg s2  }
0xa9: {  	[dreg:$0x3] =	wrdreg s4  }
0xaa: {  	[dreg:$0x4] =	wrdreg $0xC0  }
0xab: {  	_ =	task [dreg:s6], $0x5FFFF  }
0xac: {  	[dreg:$0x1] =	wrdreg $0xFFFFFFFF  }
0xad: {  	[dreg:$0x0] =	wrdreg $0x60  }
0xae: {  	[dreg:$0x2] =	wrdreg s24  }
0xaf: {  	[dreg:$0x3] =	wrdreg $0x83000  }
0xb0: {  	[dreg:$0x4] =	wrdreg $0x9  }
0xb1: {  	_ =	task.clear_ibuf [dreg:s6], $0x5FFFF;
	_ =	strace $0x9000004C  }
0xb2: {  	s29 =	simm.s32 $0x9;
	_ =	strace $0x8000004E  }
0xb3: {  	_ =	swait.ge [sflag:s29], $0x1  }
0xb4: {  	[sflag:s29] =	ssyncadd.s32 $0xFFFFFFFF  }
0xb5: {  	_ =	strace $0x9000004E  }
0xb6: {  	_ =	sfence  }
0xb7: {  	s30 =	sld [smem:$0x0];
	_ =	sdelay $0x2  }
0xb8: {  	s31 =	sshll.u32 s1, $0xD;
	s1 =	sshrl.u32 s1, $0x2  }
0xb9: {  	s3 =	sand.u32 $0x4000, s31;
	s1 =	sadd.s32 s1, s30  }
0xba: {  	s0 =	sor.u32 s3, s0;
	s1 =	sshll.u32 s1, $0x11  }
0xbb: {  	s0 =	sor.u32 s1, s0  }
0xbc: {  	s0 =	sadd.s32 $0x8F2B, s0  }
0xbd: {  	[sflag:s0] =	ssyncadd.remote.s32 $0x1  }
0xbe: {  	_ =	sfence.sel $0xFFFF  }
0xbf: {  	[dreg:$0x0] =	wrdreg $0xFFFFFFFF;
	(pc) =	sbr.abs _section_cstart, $3  }
0xc0: {  	[dreg:$0x1] =	wrdreg $0xFFFFFFFF  }
0xc1: {  	_ =	task.clear_ibuf [dreg:s6], $0x2FFFF;
	_ =	strace $0x9FFFFFFF  }
0xc2: {  	(tm) =	ssettm $0x7FFFFFFF  }
0xc3: {  	_ =	shalt  }
tec
execute0_lowered:
.L_overlay_start_1:
0x0: {  	(tag) =	ssettag $0x1  }
0x1: {  	s0 =	rddreg [dreg:$0x0];
	s1 =	srdreg.scid  }
0x2: {  	s2 =	rddreg [dreg:$0x1];
	s11 =	stileid.u32;
	s3 =	simm.s32 $0x0  }
0x3: {  	s28 =	simm.s32 $0x80;
	s29 =	simm.s32 $0x100;
	s6 =	smul.u32 $0x14000, s11  }
0x4: {  	s30 =	simm.s32 $0x180;
	s31 =	simm.s32 $0x200;
	s8 =	smul.u32 $0x2800, s11  }
0x5: {  	s1 =	sand.u32 $0x1, s1;
	[smem:$0x7FF] =	sst s3;
	s24 =	smul.u32 $0x50000, s11  }
0x6: {  	s4 =	sadd.s32 $0x40000, s0;
	s9 =	sadd.s32 $0xEC00, s0;
	s5 =	smul.u32 $0x140000, s1  }
0x7: {  	s10 =	sadd.s32 $0x4000, s0;
	s7 =	smul.u32 $0x28000, s1;
	s1 =	ssub.s32 $0x2, s1  }
0x8: {  	_ =	strace $0x8000004D;
	s16 =	sshrl.u32 s1, $0x1;
	s5 =	sadd.s32 s6, s5  }
0x9: {  	s6 =	sadd.s32 s8, s7;
	s1 =	ssub.s32 s1, s16;
	s5 =	sshrl.u32 s5, $0x3  }
0xa: {  	s8 =	sshrl.u32 s6, $0x3;
	s11 =	sor.u32 $0x480, s6;
	s1 =	smax.u32 s1, $0x1  }
0xb: {  	s16 =	sor.u32 $0x380, s6;
	s18 =	sadd.s32 s9, s8;
	[dreg:$0x15] =	wrdreg s1  }
0xc: {  	s17 =	sor.u32 $0x10, s8;
	s12 =	sadd.s32 s10, s8;
	[dreg:$0x9] =	wrdreg s18  }
0xd: {  	s0 =	sadd.s32 s5, s0;
	s19 =	sadd.s32 s9, s17;
	[dreg:$0xb] =	wrdreg s12  }
0xe: {  	s20 =	sor.u32 $0x20, s8;
	s5 =	sadd.s32 s10, s17;
	[dreg:$0xa] =	wrdreg s19  }
0xf: {  	s21 =	sor.u32 $0x30, s8;
	s13 =	sadd.s32 s10, s20;
	[dreg:$0xc] =	wrdreg s5  }
0x10: {  	s8 =	sor.u32 $0x40, s8;
	s22 =	sadd.s32 s10, s21;
	[dreg:$0xd] =	wrdreg s13  }
0x11: {  	s1 =	simm.s32 $0x4300;
	s23 =	sadd.s32 s10, s8;
	[dreg:$0xe] =	wrdreg s22  }
0x12: {  	s7 =	sadd.s32 s9, s21;
	s25 =	sadd.s32 $0x50, s12;
	[dreg:$0x10] =	wrdreg s23  }
0x13: {  	s26 =	sadd.s32 s9, s8;
	s0 =	sadd.s32 $0x67200, s0;
	[dreg:$0x11] =	wrdreg s7  }
0x14: {  	s8 =	sshrl.u32 s24, $0x2;
	s12 =	sshrl.u32 s11, $0x3;
	[dreg:$0x12] =	wrdreg s25  }
0x15: {  	s11 =	simm.s32 $0x6;
	s5 =	sadd.s32 s9, s20;
	[dreg:$0x13] =	wrdreg s26  }
0x16: {  	[dreg:$0x14] =	wrdreg s0;
	s17 =	sadd.s32 s8, s2;
	s13 =	sor.u32 $0x400, s6  }
0x17: {  	s0 =	sadd.s32 s12, s10;
	s19 =	sshrl.u32 s16, $0x3;
	s23 =	sor.u32 $0x280, s6  }
0x18: {  	s25 =	sor.u32 $0x300, s6;
	s6 =	simm.s32 $0x3;
	s8 =	simm.s32 $0x5  }
0x19: {  	s12 =	simm.s32 $0x7;
	s16 =	simm.s32 $0x0;
	[dreg:$0xf] =	wrdreg s5  }
0x1a: {  	s14 =	sshrl.u32 s13, $0x3;
	[dreg:$0x3] =	wrdreg s0;
	s20 =	sadd.s32 $0x4000, s17  }
0x1b: {  	s21 =	sadd.s32 s19, s9;
	s22 =	sadd.s32 s19, s10;
	s24 =	sshrl.u32 s23, $0x3  }
0x1c: {  	s26 =	sshrl.u32 s25, $0x3;
	s25 =	simm.s32 $0x300;
	s5 =	simm.s32 $0x1  }
0x1d: {  	s13 =	simm.s32 $0x8;
	s15 =	sadd.s32 s14, s9;
	[dreg:$0x16] =	wrdreg s20  }
0x1e: {  	s18 =	sadd.s32 s14, s10;
	[dreg:$0x6] =	wrdreg s21;
	s20 =	sadd.s32 $0x8000, s17  }
0x1f: {  	[dreg:$0x7] =	wrdreg s22;
	s21 =	sadd.s32 $0xC000, s17;
	s0 =	sadd.s32 s24, s9  }
0x20: {  	s22 =	sadd.s32 $0x10000, s17;
	s23 =	sadd.s32 s26, s9;
	s24 =	sadd.s32 s26, s10  }
0x21: {  	s26 =	simm.s32 $0xB;
	s9 =	simm.s32 $0x2;
	[dreg:$0x4] =	wrdreg s15  }
0x22: {  	s10 =	simm.s32 $0x4;
	s14 =	simm.s32 $0x9;
	[dreg:$0x5] =	wrdreg s18  }
0x23: {  	v0 =	vimm.f32 $0.0e+00;
	[dreg:$0x8] =	wrdreg s0;
	s0 =	simm.s32 $0x280;
	s15 =	simm.s32 $0xA  }
.LBB2_1:
0x24: {  	s7 =	simm.s32 $0x0;
	s18 =	simm.s32 $0x200  }
.LBB2_2:
0x25: {  	p0 =	sne.s32 s18, $0xFE00;
	[tilespmem:s7+$0x370] =	vst v0  }
0x26: {  	[tilespmem:s7+$0x300] =	vst v0  }
0x27: {  	[tilespmem:s7+$0x310] =	vst v0  }
.Ltmp0:
0x28: {  	[tilespmem:s7+$0x320] =	vst v0;
	(pc) =	sbr.rel @p0 .LBB2_2-.Ltmp0, $4  }
0x29: {  	[tilespmem:s7+$0x330] =	vst v0  }
0x2a: {  	[tilespmem:s7+$0x340] =	vst v0  }
0x2b: {  	[tilespmem:s7+$0x350] =	vst v0  }
0x2c: {  	[tilespmem:s7+$0x360] =	vst v0;
	s7 =	sshra.s32 s18, $0x2;
	s18 =	sadd.s32 $0x200, s18  }
0x2d: {  	[tilespmem:s7+$0x370] =	vst v0  }
0x2e: {  	[tilespmem:s7+$0x300] =	vst v0  }
0x2f: {  	[tilespmem:s7+$0x310] =	vst v0  }
0x30: {  	[tilespmem:s7+$0x320] =	vst v0  }
0x31: {  	[tilespmem:s7+$0x330] =	vst v0  }
0x32: {  	[tilespmem:s7+$0x340] =	vst v0  }
0x33: {  	[tilespmem:s7+$0x350] =	vst v0  }
0x34: {  	[tilespmem:s7+$0x360] =	vst v0  }
0x35: {  	[spmem:s17] =	stream.linear.scatter [tilespmem:s25], [sflag:$0xB], $0x4000, $0x38;
	[tilespmem:$0x1C300] =	vst v63  }
0x36: {  	_ =	swait.ge [sflag:s26], $0x4000  }
0x37: {  	[sflag:s26] =	ssyncset.done $0x0  }
0x38: {  	s18 =	rddreg [dreg:$0x16];
	[sflag:s26] =	ssyncadd.s32 $0xFFFFC000  }
0x39: {  	[spmem:s18] =	stream.linear.scatter [tilespmem:s25], [sflag:$0xB], $0x4000, $0x38;
	[tilespmem:$0x1C300] =	vst v63  }
0x3a: {  	_ =	swait.ge [sflag:s26], $0x4000  }
0x3b: {  	[sflag:s26] =	ssyncset.done $0x0  }
0x3c: {  	[sflag:s26] =	ssyncadd.s32 $0xFFFFC000  }
0x3d: {  	[spmem:s20] =	stream.linear.scatter [tilespmem:s25], [sflag:$0xB], $0x4000, $0x38;
	[tilespmem:$0x1C300] =	vst v63  }
0x3e: {  	_ =	swait.ge [sflag:s26], $0x4000  }
0x3f: {  	[sflag:s26] =	ssyncset.done $0x0  }
0x40: {  	[sflag:s26] =	ssyncadd.s32 $0xFFFFC000  }
0x41: {  	[spmem:s21] =	stream.linear.scatter [tilespmem:s25], [sflag:$0xB], $0x4000, $0x38;
	[tilespmem:$0x1C300] =	vst v63  }
0x42: {  	_ =	swait.ge [sflag:s26], $0x4000  }
0x43: {  	[sflag:s26] =	ssyncset.done $0x0  }
0x44: {  	[sflag:s26] =	ssyncadd.s32 $0xFFFFC000  }
0x45: {  	[spmem:s22] =	stream.linear.scatter [tilespmem:s25], [sflag:$0xB], $0x4000, $0x38;
	[tilespmem:$0x1C300] =	vst v63  }
0x46: {  	_ =	swait.ge [sflag:s26], $0x4000  }
0x47: {  	[sflag:s26] =	ssyncset.done $0x0  }
0x48: {  	[sflag:s26] =	ssyncadd.s32 $0xFFFFC000  }
0x49: {  	[bflag:$0x0] =	sbarrier.arrive $0xFFFF  }
0x4a: {  	s7 =	simm.s32 $0x0;
	s18 =	rddreg [dreg:$0x9]  }
0x4b: {  	[tilespmem:s7], [sflag:$0xB] =	stream.linear.gather [hbm4b:s18+s7], $0x80, $0x38;
	[tilespmem:$0x1C300] =	vst v63  }
0x4c: {  	_ =	swait.ge [sflag:s26], $0x80  }
0x4d: {  	[sflag:s26] =	ssyncset.done $0x0  }
0x4e: {  	s19 =	rddreg [dreg:$0xa];
	[sflag:s26] =	ssyncadd.s32 $0xFFFFFF80  }
0x4f: {  	[tilespmem:s28], [sflag:$0xB] =	stream.linear.gather [hbm4b:s19+s7], $0x80, $0x38;
	[tilespmem:$0x1C300] =	vst v63  }
0x50: {  	_ =	swait.ge [sflag:s26], $0x80  }
0x51: {  	[sflag:s26] =	ssyncset.done $0x0  }
0x52: {  	s19 =	rddreg [dreg:$0xb];
	[sflag:s26] =	ssyncadd.s32 $0xFFFFFF80  }
0x53: {  	[tilespmem:s29], [sflag:$0xB] =	stream.linear.gather [hbm4b:s19+s7], $0x80, $0x38;
	[tilespmem:$0x1C300] =	vst v63  }
0x54: {  	_ =	swait.ge [sflag:s26], $0x80  }
0x55: {  	[sflag:s26] =	ssyncset.done $0x0  }
0x56: {  	s19 =	rddreg [dreg:$0xc];
	[sflag:s26] =	ssyncadd.s32 $0xFFFFFF80  }
0x57: {  	[tilespmem:s30], [sflag:$0xB] =	stream.linear.gather [hbm4b:s19+s7], $0x80, $0x38;
	[tilespmem:$0x1C300] =	vst v63  }
0x58: {  	_ =	swait.ge [sflag:s26], $0x80  }
0x59: {  	[sflag:s26] =	ssyncset.done $0x0  }
0x5a: {  	s19 =	rddreg [dreg:$0xd];
	[sflag:s26] =	ssyncadd.s32 $0xFFFFFF80  }
0x5b: {  	[tilespmem:s31], [sflag:$0xB] =	stream.linear.gather [hbm4b:s19+s7], $0x80, $0x38;
	[tilespmem:$0x1C300] =	vst v63  }
0x5c: {  	_ =	swait.ge [sflag:s26], $0x80  }
0x5d: {  	[sflag:s26] =	ssyncset.done $0x0  }
0x5e: {  	s19 =	rddreg [dreg:$0xe];
	[sflag:s26] =	ssyncadd.s32 $0xFFFFFF80  }
0x5f: {  	[tilespmem:s0], [sflag:$0xB] =	stream.linear.gather [hbm4b:s19+s7], $0x80, $0x38;
	[tilespmem:$0x1C300] =	vst v63  }
0x60: {  	_ =	swait.ge [sflag:s26], $0x80  }
0x61: {  	[sflag:s26] =	ssyncset.done $0x0  }
0x62: {  	[sflag:s26] =	ssyncadd.s32 $0xFFFFFF80  }
0x63: {  	[tilespmem:s25], [sflag:$0x1] =	stream.indirect.gather [hbm4b:s4+s28], $0x80, s7, s28, $0xb8;
	[tilespmem:$0x1C300] =	vst v63  }
0x64: {  	_ = 	snop  }
0x65: {  	[tilespmem:s1], [sflag:$0x2] =	stream.indirect.gather [hbm4b:s4+s28], $0x80, s28, s28, $0xb8;
	[tilespmem:$0x1C300] =	vst v63  }
0x66: {  	_ =	swait.ge [sflag:s5], $0x4000  }
0x67: {  	[sflag:s5] =	ssyncset.done $0x0  }
0x68: {  	[sflag:s5] =	ssyncadd.s32 $0xFFFFC000  }
0x69: {  	[spmem:s2] =	stream.indirect.scatter.add.f32 [tilespmem:s25], [sflag:$0x3], $0x80, s29, s28, $0xb8;
	[tilespmem:$0x1C300] =	vst v63  }
0x6a: {  	s19 =	rddreg [dreg:$0xf]  }
0x6b: {  	[tilespmem:s7], [sflag:$0x5] =	stream.linear.gather [hbm4b:s19+s7], $0x80, $0x38;
	[tilespmem:$0x1C300] =	vst v63  }
0x6c: {  	_ =	swait.ge [sflag:s6], $0x4000  }
0x6d: {  	[sflag:s6] =	ssyncset.done $0x0  }
0x6e: {  	s19 =	rddreg [dreg:$0x10];
	[sflag:s6] =	ssyncadd.s32 $0xFFFFC000  }
0x6f: {  	[tilespmem:s29], [sflag:$0x7] =	stream.linear.gather [hbm4b:s19+s7], $0x80, $0x38;
	[tilespmem:$0x1C300] =	vst v63  }
0x70: {  	_ =	swait.ge [sflag:s8], $0x80  }
0x71: {  	[sflag:s8] =	ssyncset.done $0x0  }
0x72: {  	[sflag:s8] =	ssyncadd.s32 $0xFFFFFF80  }
0x73: {  	[tilespmem:s25], [sflag:$0x1] =	stream.indirect.gather [hbm4b:s4+s28], $0x80, s7, s28, $0xb8;
	[tilespmem:$0x1C300] =	vst v63  }
0x74: {  	_ =	swait.ge [sflag:s9], $0x4000  }
0x75: {  	[sflag:s9] =	ssyncset.done $0x0  }
0x76: {  	[sflag:s9] =	ssyncadd.s32 $0xFFFFC000  }
0x77: {  	[spmem:s2] =	stream.indirect.scatter.add.f32 [tilespmem:s1], [sflag:$0x4], $0x80, s30, s28, $0xb8;
	[tilespmem:$0x1C300] =	vst v63  }
0x78: {  	s19 =	rddreg [dreg:$0x11]  }
0x79: {  	[tilespmem:s28], [sflag:$0x6] =	stream.linear.gather [hbm4b:s19+s7], $0x80, $0x38;
	[tilespmem:$0x1C300] =	vst v63  }
0x7a: {  	_ =	swait.ge [sflag:s10], $0x4000  }
0x7b: {  	[sflag:s10] =	ssyncset.done $0x0  }
0x7c: {  	s19 =	rddreg [dreg:$0x12];
	[sflag:s10] =	ssyncadd.s32 $0xFFFFC000  }
0x7d: {  	[tilespmem:s30], [sflag:$0x8] =	stream.linear.gather [hbm4b:s19+s7], $0x80, $0x38;
	[tilespmem:$0x1C300] =	vst v63  }
0x7e: {  	_ =	swait.ge [sflag:s11], $0x80  }
0x7f: {  	[sflag:s11] =	ssyncset.done $0x0  }
0x80: {  	[sflag:s11] =	ssyncadd.s32 $0xFFFFFF80  }
0x81: {  	[tilespmem:s1], [sflag:$0x2] =	stream.indirect.gather [hbm4b:s4+s28], $0x80, s28, s28, $0xb8;
	[tilespmem:$0x1C300] =	vst v63  }
0x82: {  	_ =	swait.ge [sflag:s5], $0x4000  }
0x83: {  	[sflag:s5] =	ssyncset.done $0x0  }
0x84: {  	[sflag:s5] =	ssyncadd.s32 $0xFFFFC000  }
0x85: {  	[spmem:s2] =	stream.indirect.scatter.add.f32 [tilespmem:s25], [sflag:$0x3], $0x80, s31, s28, $0xb8;
	[tilespmem:$0x1C300] =	vst v63  }
0x86: {  	s19 =	rddreg [dreg:$0x13]  }
0x87: {  	[tilespmem:s7], [sflag:$0x5] =	stream.linear.gather [hbm4b:s19+s7], $0x80, $0x38;
	[tilespmem:$0x1C300] =	vst v63  }
0x88: {  	_ =	swait.ge [sflag:s6], $0x4000  }
0x89: {  	[sflag:s6] =	ssyncset.done $0x0  }
0x8a: {  	s18 =	sadd.s32 $0x0, s24;
	[sflag:s6] =	ssyncadd.s32 $0xFFFFC000  }
0x8b: {  	[tilespmem:s31], [sflag:$0x9] =	stream.linear.gather [hbm4b:s18+s3], $0x80, $0x38;
	[tilespmem:$0x1C300] =	vst v63  }
0x8c: {  	_ =	swait.ge [sflag:s8], $0x80  }
0x8d: {  	[sflag:s8] =	ssyncset.done $0x0  }
0x8e: {  	[sflag:s8] =	ssyncadd.s32 $0xFFFFFF80  }
0x8f: {  	_ =	swait.ge [sflag:s12], $0x80  }
0x90: {  	[sflag:s12] =	ssyncset.done $0x0  }
0x91: {  	[sflag:s12] =	ssyncadd.s32 $0xFFFFFF80  }
0x92: {  	[tilespmem:s25], [sflag:$0x1] =	stream.indirect.gather [hbm4b:s4+s28], $0x80, s3, s28, $0xb8;
	[tilespmem:$0x1C300] =	vst v63  }
0x93: {  	_ =	swait.ge [sflag:s9], $0x4000  }
0x94: {  	[sflag:s9] =	ssyncset.done $0x0  }
0x95: {  	s19 =	rddreg [dreg:$0x8];
	[sflag:s9] =	ssyncadd.s32 $0xFFFFC000  }
0x96: {  	[spmem:s2] =	stream.indirect.scatter.add.f32 [tilespmem:s1], [sflag:$0x4], $0x80, s0, s28, $0xb8;
	[tilespmem:$0x1C300] =	vst v63  }
0x97: {  	s7 =	sadd.s32 $0x0, s19  }
0x98: {  	[tilespmem:s28], [sflag:$0x6] =	stream.linear.gather [hbm4b:s7+s3], $0x80, $0x38;
	[tilespmem:$0x1C300] =	vst v63  }
0x99: {  	_ =	swait.ge [sflag:s10], $0x4000  }
0x9a: {  	s18 =	rddreg [dreg:$0x7];
	[sflag:s10] =	ssyncset.done $0x0  }
0x9b: {  	[sflag:s10] =	ssyncadd.s32 $0xFFFFC000;
	s7 =	sadd.s32 $0x0, s18  }
0x9c: {  	[tilespmem:s0], [sflag:$0xA] =	stream.linear.gather [hbm4b:s7+s3], $0x80, $0x38;
	[tilespmem:$0x1C300] =	vst v63  }
0x9d: {  	_ =	swait.ge [sflag:s11], $0x80  }
0x9e: {  	[sflag:s11] =	ssyncset.done $0x0  }
0x9f: {  	[sflag:s11] =	ssyncadd.s32 $0xFFFFFF80  }
0xa0: {  	_ =	swait.ge [sflag:s13], $0x80  }
0xa1: {  	[sflag:s13] =	ssyncset.done $0x0  }
0xa2: {  	[sflag:s13] =	ssyncadd.s32 $0xFFFFFF80  }
0xa3: {  	[tilespmem:s1], [sflag:$0x2] =	stream.indirect.gather [hbm4b:s4+s28], $0x80, s28, s28, $0xb8;
	[tilespmem:$0x1C300] =	vst v63  }
0xa4: {  	_ =	swait.ge [sflag:s5], $0x4000  }
0xa5: {  	[sflag:s5] =	ssyncset.done $0x0  }
0xa6: {  	[sflag:s5] =	ssyncadd.s32 $0xFFFFC000  }
0xa7: {  	[spmem:s2] =	stream.indirect.scatter.add.f32 [tilespmem:s25], [sflag:$0x3], $0x80, s29, s28, $0xb8;
	[tilespmem:$0x1C300] =	vst v63  }
0xa8: {  	s19 =	sadd.s32 $0x0, s23  }
0xa9: {  	[tilespmem:s3], [sflag:$0x5] =	stream.linear.gather [hbm4b:s19+s3], $0x80, $0x38;
	[tilespmem:$0x1C300] =	vst v63  }
0xaa: {  	_ =	swait.ge [sflag:s6], $0x4000  }
0xab: {  	s18 =	rddreg [dreg:$0x5];
	[sflag:s6] =	ssyncset.done $0x0  }
0xac: {  	[sflag:s6] =	ssyncadd.s32 $0xFFFFC000;
	s7 =	sadd.s32 $0x0, s18  }
0xad: {  	[tilespmem:s29], [sflag:$0x7] =	stream.linear.gather [hbm4b:s7+s3], $0x80, $0x38;
	[tilespmem:$0x1C300] =	vst v63  }
0xae: {  	_ =	swait.ge [sflag:s8], $0x80  }
0xaf: {  	[sflag:s8] =	ssyncset.done $0x0  }
0xb0: {  	[sflag:s8] =	ssyncadd.s32 $0xFFFFFF80  }
0xb1: {  	_ =	swait.ge [sflag:s14], $0x80  }
0xb2: {  	[sflag:s14] =	ssyncset.done $0x0  }
0xb3: {  	[sflag:s14] =	ssyncadd.s32 $0xFFFFFF80  }
0xb4: {  	[tilespmem:s25], [sflag:$0x1] =	stream.indirect.gather [hbm4b:s4+s28], $0x80, s3, s28, $0xb8;
	[tilespmem:$0x1C300] =	vst v63  }
0xb5: {  	_ =	swait.ge [sflag:s9], $0x4000  }
0xb6: {  	[sflag:s9] =	ssyncset.done $0x0  }
0xb7: {  	s19 =	rddreg [dreg:$0x6];
	[sflag:s9] =	ssyncadd.s32 $0xFFFFC000  }
0xb8: {  	[spmem:s2] =	stream.indirect.scatter.add.f32 [tilespmem:s1], [sflag:$0x4], $0x80, s30, s28, $0xb8;
	[tilespmem:$0x1C300] =	vst v63  }
0xb9: {  	s7 =	sadd.s32 $0x0, s19  }
0xba: {  	[tilespmem:s28], [sflag:$0x6] =	stream.linear.gather [hbm4b:s7+s3], $0x80, $0x38;
	[tilespmem:$0x1C300] =	vst v63  }
0xbb: {  	_ =	swait.ge [sflag:s10], $0x4000  }
0xbc: {  	s18 =	rddreg [dreg:$0x3];
	[sflag:s10] =	ssyncset.done $0x0  }
0xbd: {  	[sflag:s10] =	ssyncadd.s32 $0xFFFFC000;
	s7 =	sadd.s32 $0x0, s18  }
0xbe: {  	[tilespmem:s30], [sflag:$0x8] =	stream.linear.gather [hbm4b:s7+s3], $0x80, $0x38;
	[tilespmem:$0x1C300] =	vst v63  }
0xbf: {  	_ =	swait.ge [sflag:s11], $0x80  }
0xc0: {  	[sflag:s11] =	ssyncset.done $0x0  }
0xc1: {  	[sflag:s11] =	ssyncadd.s32 $0xFFFFFF80  }
0xc2: {  	_ =	swait.ge [sflag:s15], $0x80  }
0xc3: {  	[sflag:s15] =	ssyncset.done $0x0  }
0xc4: {  	[sflag:s15] =	ssyncadd.s32 $0xFFFFFF80  }
0xc5: {  	[tilespmem:s1], [sflag:$0x2] =	stream.indirect.gather [hbm4b:s4+s28], $0x80, s28, s28, $0xb8;
	[tilespmem:$0x1C300] =	vst v63  }
0xc6: {  	_ =	swait.ge [sflag:s5], $0x4000  }
0xc7: {  	[sflag:s5] =	ssyncset.done $0x0;
	s19 =	rddreg [dreg:$0x4]  }
0xc8: {  	s7 =	simm.s32 $0x40;
	[sflag:s5] =	ssyncadd.s32 $0xFFFFC000;
	s18 =	sadd.s32 $0x0, s19  }
0xc9: {  	[spmem:s2] =	stream.indirect.scatter.add.f32 [tilespmem:s25], [sflag:$0x3], $0x80, s31, s28, $0xb8;
	[tilespmem:$0x1C300] =	vst v63  }
.LBB2_4:
0xca: {  	[tilespmem:s3], [sflag:$0x5] =	stream.linear.gather [hbm4b:s18+s3], $0x80, $0x38;
	[tilespmem:$0x1C300] =	vst v63  }
0xcb: {  	_ =	swait.ge [sflag:s6], $0x4000  }
0xcc: {  	s18 =	smov.u32 s7;
	[sflag:s6] =	ssyncset.done $0x0  }
0xcd: {  	s19 =	sadd.s32 s18, s24;
	[sflag:s6] =	ssyncadd.s32 $0xFFFFC000  }
0xce: {  	[tilespmem:s31], [sflag:$0x9] =	stream.linear.gather [hbm4b:s19+s3], $0x80, $0x38;
	[tilespmem:$0x1C300] =	vst v63  }
0xcf: {  	_ =	swait.ge [sflag:s8], $0x80  }
0xd0: {  	[sflag:s8] =	ssyncset.done $0x0  }
0xd1: {  	[sflag:s8] =	ssyncadd.s32 $0xFFFFFF80  }
0xd2: {  	_ =	swait.ge [sflag:s12], $0x80  }
0xd3: {  	[sflag:s12] =	ssyncset.done $0x0  }
0xd4: {  	[sflag:s12] =	ssyncadd.s32 $0xFFFFFF80  }
0xd5: {  	[tilespmem:s25], [sflag:$0x1] =	stream.indirect.gather [hbm4b:s4+s28], $0x80, s3, s28, $0xb8;
	[tilespmem:$0x1C300] =	vst v63  }
0xd6: {  	_ =	swait.ge [sflag:s9], $0x4000  }
0xd7: {  	[sflag:s9] =	ssyncset.done $0x0  }
0xd8: {  	s19 =	rddreg [dreg:$0x8];
	[sflag:s9] =	ssyncadd.s32 $0xFFFFC000  }
0xd9: {  	[spmem:s2] =	stream.indirect.scatter.add.f32 [tilespmem:s1], [sflag:$0x4], $0x80, s0, s28, $0xb8;
	[tilespmem:$0x1C300] =	vst v63  }
0xda: {  	s19 =	sadd.s32 s18, s19  }
0xdb: {  	[tilespmem:s28], [sflag:$0x6] =	stream.linear.gather [hbm4b:s19+s3], $0x80, $0x38;
	[tilespmem:$0x1C300] =	vst v63  }
0xdc: {  	_ =	swait.ge [sflag:s10], $0x4000  }
0xdd: {  	s19 =	rddreg [dreg:$0x7];
	[sflag:s10] =	ssyncset.done $0x0  }
0xde: {  	[sflag:s10] =	ssyncadd.s32 $0xFFFFC000;
	s19 =	sadd.s32 s18, s19  }
0xdf: {  	[tilespmem:s0], [sflag:$0xA] =	stream.linear.gather [hbm4b:s19+s3], $0x80, $0x38;
	[tilespmem:$0x1C300] =	vst v63  }
0xe0: {  	_ =	swait.ge [sflag:s11], $0x80  }
0xe1: {  	[sflag:s11] =	ssyncset.done $0x0  }
0xe2: {  	[sflag:s11] =	ssyncadd.s32 $0xFFFFFF80  }
0xe3: {  	_ =	swait.ge [sflag:s13], $0x80  }
0xe4: {  	[sflag:s13] =	ssyncset.done $0x0  }
0xe5: {  	[sflag:s13] =	ssyncadd.s32 $0xFFFFFF80  }
0xe6: {  	[tilespmem:s1], [sflag:$0x2] =	stream.indirect.gather [hbm4b:s4+s28], $0x80, s28, s28, $0xb8;
	[tilespmem:$0x1C300] =	vst v63  }
0xe7: {  	_ =	swait.ge [sflag:s5], $0x4000  }
0xe8: {  	[sflag:s5] =	ssyncset.done $0x0  }
0xe9: {  	[sflag:s5] =	ssyncadd.s32 $0xFFFFC000  }
0xea: {  	[spmem:s2] =	stream.indirect.scatter.add.f32 [tilespmem:s25], [sflag:$0x3], $0x80, s29, s28, $0xb8;
	[tilespmem:$0x1C300] =	vst v63  }
0xeb: {  	s19 =	sadd.s32 s18, s23  }
0xec: {  	[tilespmem:s3], [sflag:$0x5] =	stream.linear.gather [hbm4b:s19+s3], $0x80, $0x38;
	[tilespmem:$0x1C300] =	vst v63  }
0xed: {  	_ =	swait.ge [sflag:s6], $0x4000  }
0xee: {  	s19 =	rddreg [dreg:$0x5];
	[sflag:s6] =	ssyncset.done $0x0  }
0xef: {  	[sflag:s6] =	ssyncadd.s32 $0xFFFFC000;
	s19 =	sadd.s32 s18, s19  }
0xf0: {  	[tilespmem:s29], [sflag:$0x7] =	stream.linear.gather [hbm4b:s19+s3], $0x80, $0x38;
	[tilespmem:$0x1C300] =	vst v63  }
0xf1: {  	_ =	swait.ge [sflag:s8], $0x80  }
0xf2: {  	[sflag:s8] =	ssyncset.done $0x0  }
0xf3: {  	[sflag:s8] =	ssyncadd.s32 $0xFFFFFF80  }
0xf4: {  	_ =	swait.ge [sflag:s14], $0x80  }
0xf5: {  	[sflag:s14] =	ssyncset.done $0x0  }
0xf6: {  	[sflag:s14] =	ssyncadd.s32 $0xFFFFFF80  }
0xf7: {  	[tilespmem:s25], [sflag:$0x1] =	stream.indirect.gather [hbm4b:s4+s28], $0x80, s3, s28, $0xb8;
	[tilespmem:$0x1C300] =	vst v63  }
0xf8: {  	_ =	swait.ge [sflag:s9], $0x4000  }
0xf9: {  	[sflag:s9] =	ssyncset.done $0x0  }
0xfa: {  	s19 =	rddreg [dreg:$0x6];
	[sflag:s9] =	ssyncadd.s32 $0xFFFFC000  }
0xfb: {  	[spmem:s2] =	stream.indirect.scatter.add.f32 [tilespmem:s1], [sflag:$0x4], $0x80, s30, s28, $0xb8;
	[tilespmem:$0x1C300] =	vst v63  }
0xfc: {  	s19 =	sadd.s32 s18, s19  }
0xfd: {  	[tilespmem:s28], [sflag:$0x6] =	stream.linear.gather [hbm4b:s19+s3], $0x80, $0x38;
	[tilespmem:$0x1C300] =	vst v63  }
0xfe: {  	_ =	swait.ge [sflag:s10], $0x4000  }
0xff: {  	s19 =	rddreg [dreg:$0x3];
	[sflag:s10] =	ssyncset.done $0x0  }
0x100: {  	[sflag:s10] =	ssyncadd.s32 $0xFFFFC000;
	s19 =	sadd.s32 s18, s19  }
0x101: {  	[tilespmem:s30], [sflag:$0x8] =	stream.linear.gather [hbm4b:s19+s3], $0x80, $0x38;
	[tilespmem:$0x1C300] =	vst v63  }
0x102: {  	_ =	swait.ge [sflag:s11], $0x80  }
0x103: {  	[sflag:s11] =	ssyncset.done $0x0  }
0x104: {  	[sflag:s11] =	ssyncadd.s32 $0xFFFFFF80  }
0x105: {  	_ =	swait.ge [sflag:s15], $0x80  }
0x106: {  	[sflag:s15] =	ssyncset.done $0x0  }
0x107: {  	p0 =	sne.s32 s7, $0x480;
	[sflag:s15] =	ssyncadd.s32 $0xFFFFFF80  }
0x108: {  	[tilespmem:s1], [sflag:$0x2] =	stream.indirect.gather [hbm4b:s4+s28], $0x80, s28, s28, $0xb8;
	[tilespmem:$0x1C300] =	vst v63  }
.Ltmp1:
0x109: {  	_ = 	snop;
	(pc) =	sbr.rel @p0 .LBB2_4-.Ltmp1, $4  }
0x10a: {  	_ =	swait.ge [sflag:s5], $0x4000  }
0x10b: {  	[sflag:s5] =	ssyncset.done $0x0;
	s19 =	rddreg [dreg:$0x4]  }
0x10c: {  	s7 =	sadd.s32 $0x40, s7;
	[sflag:s5] =	ssyncadd.s32 $0xFFFFC000;
	s18 =	sadd.s32 s18, s19  }
0x10d: {  	[spmem:s2] =	stream.indirect.scatter.add.f32 [tilespmem:s25], [sflag:$0x3], $0x80, s31, s28, $0xb8;
	[tilespmem:$0x1C300] =	vst v63  }
0x10e: {  	[tilespmem:s3], [sflag:$0x5] =	stream.linear.gather [hbm4b:s18+s3], $0x80, $0x38;
	[tilespmem:$0x1C300] =	vst v63  }
0x10f: {  	_ =	swait.ge [sflag:s9], $0x4000  }
0x110: {  	[sflag:s9] =	ssyncset.done $0x0  }
0x111: {  	[sflag:s9] =	ssyncadd.s32 $0xFFFFC000  }
0x112: {  	[spmem:s2] =	stream.indirect.scatter.add.f32 [tilespmem:s1], [sflag:$0x4], $0x80, s0, s28, $0xb8;
	[tilespmem:$0x1C300] =	vst v63  }
0x113: {  	_ =	swait.ge [sflag:s6], $0x4000  }
0x114: {  	[sflag:s6] =	ssyncset.done $0x0  }
0x115: {  	[sflag:s6] =	ssyncadd.s32 $0xFFFFC000  }
0x116: {  	_ =	swait.ge [sflag:s10], $0x4000  }
0x117: {  	[sflag:s10] =	ssyncset.done $0x0  }
0x118: {  	[sflag:s10] =	ssyncadd.s32 $0xFFFFC000  }
0x119: {  	_ =	swait.ge [sflag:s8], $0x80  }
0x11a: {  	[sflag:s8] =	ssyncset.done $0x0  }
0x11b: {  	[sflag:s8] =	ssyncadd.s32 $0xFFFFFF80  }
0x11c: {  	_ =	swait.ge [sflag:s12], $0x80  }
0x11d: {  	[sflag:s12] =	ssyncset.done $0x0  }
0x11e: {  	[sflag:s12] =	ssyncadd.s32 $0xFFFFFF80  }
0x11f: {  	_ =	swait.ge [sflag:s13], $0x80  }
0x120: {  	[sflag:s13] =	ssyncset.done $0x0  }
0x121: {  	s7 =	stileid.u32;
	[sflag:s13] =	ssyncadd.s32 $0xFFFFFF80  }
0x122: {  	s7 =	sshll.u32 s7, $0x6;
	[bflag:$0x0] =	sbarrier.arrive $0xFFFF  }
0x123: {  	s18 =	sshrl.u32 s17, $0x3;
	s7 =	sor.u32 $0x1C0B, s7;
	s19 =	rddreg [dreg:$0x14]  }
0x124: {  	[hbm:s19], [sflag:s7] =	dma.local [spmem:s18], $0x2800  }
0x125: {  	_ =	swait.ge [sflag:s26], $0x2800  }
0x126: {  	s16 =	sadd.s32 $0x1, s16;
	s19 =	rddreg [dreg:$0x15]  }
0x127: {  	p0 =	sne.s32 s16, s19  }
.Ltmp2:
0x128: {  	_ = 	snop;
	(pc) =	sbr.rel @p0 .LBB2_1-.Ltmp2, $3  }
0x129: {  	_ =	sdelay $0x1  }
0x12a: {  	[sflag:s26] =	ssyncset.done $0x0  }
0x12b: {  	[sflag:s26] =	ssyncadd.s32 $0xFFFFD800  }
0x12c: {  	_ =	sfence.sel $0x180000  }
0x12d: {  	[bflag:$0x0] =	sbarrier.arrive $0xFFFF  }
0x12e: {  	_ =	strace $0x9000004D  }
0x12f: {  	s0 =	stileid.u32;
	[bflag:$0x2] =	sbarrier.arrive $0xFFFF  }
0x130: {  	p0 =	sne.s32 s0, $0x0;
	s0 =	rddreg [dreg:$0x2]  }
0x131: {  	s0 =	sadd.s32 @!p0 $0x100000, s0  }
0x132: {  	[sflag:s0] =	ssyncadd.tile.s32 @!p0 $0x1;
	_ =	shalt  }
.Lfunc_end2:
_tile_overlayer_lowered:
.L_overlay_start_2:
0x133: {  	(tag) =	ssettag $0x2  }
0x134: {  	s0 =	rddreg [dreg:$0x0];
	s2 =	stileid.u32  }
0x135: {  	s1 =	rddreg [dreg:$0x1];
	p0 =	sne.s32 s2, $0x0  }
0x136: {  	s3 =	rddreg [dreg:$0x2];
	[bflag:$0x3] =	sbarrier.arrive $0xFFFF;
	s2 =	simm.s32 @!p0 $0x1C0B  }
0x137: {  	[timem:s3], [sflag:s2] =	dma.local @!p0 [hbm:s0], s1  }
0x138: {  	s0 =	simm.s32 @!p0 $0xB  }
0x139: {  	_ =	swait.ge @!p0 [sflag:s0], s1  }
0x13a: {  	s1 =	ssub.s32 @!p0 $0x0, s1;
	[sflag:s0] =	ssyncset.done @!p0 $0x0  }
0x13b: {  	[sflag:s0] =	ssyncadd.s32 @!p0 s1  }
0x13c: {  	[bflag:$0x3] =	sbarrier.arrive $0xFFFF  }
0x13d: {  	_ =	shalt  }

</sc_bundles>
